<compile_context>
chip_gen: v7x
topology: tpu7x:2x2x1
jax: 0.10.2.dev20260603
libtpu: 0.0.44.dev20260713+nightly
codegen_flags: <defaults>
</compile_context>

<pallas_src>
import functools
import jax
import jax.numpy as jnp
import numpy as np
from jax import lax
from jax.experimental import pallas as pl
from jax.experimental.pallas import tpu as pltpu, tpu_sc as plsc

_B, _T, _N, _FIN = 1, 8, 10000, 1
_E = 160000
_H = 128
_NH = 8
_DH = _H // _NH
_HOR = 8

_NP = 10000
_NT = 10240
_C = 2000
_EHALF = _E // 2
_NCH = _EHALF // _C
_STEPS = _C // 16
_NB = 1024
_NCORES = 2
_NSUB = 16


def _sc_edge_body(x_hbm, src_hbm, dst_hbm, ew_hbm, par_hbm,
                  o0, o1, o2, o3, o4, o5, o6, o7,
                  x_v, src_v0, src_v1, dst_v0, dst_v1, ew_v0, ew_v1, par_v,
                  tb0, tb1, tb2, tb3, tb4, tb5, tb6, tb7,
                  sem_s0, sem_d0, sem_w0, sem_s1, sem_d1, sem_w1, sem_x, sem_p):
    tabs = (tb0, tb1, tb2, tb3, tb4, tb5, tb6, tb7)
    cid = lax.axis_index("c")
    sid = lax.axis_index("s")
    wid = sid * _NCORES + cid
    hh = wid // 16
    rem = wid - hh * 16
    eh = rem // 8
    t = rem - eh * 8
    sems = ((sem_s0, sem_d0, sem_w0), (sem_s1, sem_d1, sem_w1))
    bufs = ((src_v0, dst_v0, ew_v0), (src_v1, dst_v1, ew_v1))

    e0 = eh * _EHALF

    def start(ci, b):
        off = e0 + ci * _C
        pltpu.async_copy(src_hbm.at[pl.ds(off, _C)], bufs[b][0], sems[b][0])
        pltpu.async_copy(dst_hbm.at[pl.ds(off, _C)], bufs[b][1], sems[b][1])
        pltpu.async_copy(ew_hbm.at[pl.ds(off, _C)], bufs[b][2], sems[b][2])

    def wait(b):
        pltpu.make_async_copy(src_hbm.at[pl.ds(0, _C)], bufs[b][0], sems[b][0]).wait()
        pltpu.make_async_copy(dst_hbm.at[pl.ds(0, _C)], bufs[b][1], sems[b][1]).wait()
        pltpu.make_async_copy(ew_hbm.at[pl.ds(0, _C)], bufs[b][2], sems[b][2]).wait()

    start(0, 0)
    start(1, 1)
    cx = pltpu.async_copy(x_hbm.at[pl.ds(t * _NP, _NP)], x_v, sem_x)
    cp = pltpu.async_copy(par_hbm.at[pl.ds((t * 2 + hh) * 16, 16)], par_v, sem_p)

    zeros = jnp.zeros((16,), jnp.float32)
    lanes = lax.iota(jnp.int32, 16)

    @plsc.parallel_loop(0, _NT // 16, unroll=8)
    def _zero(i):
        for k in range(8):
            tabs[k][pl.ds(i * 16, 16)] = zeros

    cx.wait()
    cp.wait()

    def pair_body(pi, carry):
        for b in range(2):
            ci = pi * 2 + b
            wait(b)

            @plsc.parallel_loop(0, _STEPS, unroll=4)
            def _step(s):
                sv = bufs[b][0][pl.ds(s * 16, 16)]
                dv = bufs[b][1][pl.ds(s * 16, 16)]
                ewv = bufs[b][2][pl.ds(s * 16, 16)]
                xs = plsc.load_gather(x_v, [sv])
                xd = plsc.load_gather(x_v, [dv])
                for j in range(4):
                    asv = par_v[j * 4 + 0]
                    adv = par_v[j * 4 + 1]
                    bqv = par_v[j * 4 + 2]
                    mmv = par_v[j * 4 + 3]
                    z = xs * asv + xd * adv + bqv
                    zl = jnp.maximum(z, 0.2 * z)
                    w = jnp.exp(zl - mmv) * ewv
                    plsc.addupdate_scatter(tabs[j], [dv], w)
                    plsc.addupdate_scatter(tabs[4 + j], [dv], w * xs)

            @pl.when(ci + 2 < _NCH)
            def _():
                start(ci + 2, b)
        return carry

    lax.fori_loop(0, _NCH // 2, pair_body, 0)
    osems = (sem_s0, sem_d0, sem_w0, sem_s1, sem_d1, sem_w1, sem_x, sem_p)
    outs = (o0, o1, o2, o3, o4, o5, o6, o7)
    cps = [pltpu.async_copy(tabs[k], outs[k].at[wid], osems[k]) for k in range(8)]
    for c in cps:
        c.wait()


def _sc_edge_pass(x2, src, dst, ew, par):
    mesh = plsc.VectorSubcoreMesh(core_axis_name="c", subcore_axis_name="s")
    f = pl.kernel(
        _sc_edge_body,
        out_type=[jax.ShapeDtypeStruct((32, _NT), jnp.float32)] * 8,
        mesh=mesh,
        scratch_types=[
            pltpu.VMEM((_NP,), jnp.float32),
            pltpu.VMEM((_C,), jnp.int32),
            pltpu.VMEM((_C,), jnp.int32),
            pltpu.VMEM((_C,), jnp.int32),
            pltpu.VMEM((_C,), jnp.int32),
            pltpu.VMEM((_C,), jnp.float32),
            pltpu.VMEM((_C,), jnp.float32),
            pltpu.VMEM((16, 16), jnp.float32),
            pltpu.VMEM((_NT,), jnp.float32),
            pltpu.VMEM((_NT,), jnp.float32),
            pltpu.VMEM((_NT,), jnp.float32),
            pltpu.VMEM((_NT,), jnp.float32),
            pltpu.VMEM((_NT,), jnp.float32),
            pltpu.VMEM((_NT,), jnp.float32),
            pltpu.VMEM((_NT,), jnp.float32),
            pltpu.VMEM((_NT,), jnp.float32),
            pltpu.SemaphoreType.DMA,
            pltpu.SemaphoreType.DMA,
            pltpu.SemaphoreType.DMA,
            pltpu.SemaphoreType.DMA,
            pltpu.SemaphoreType.DMA,
            pltpu.SemaphoreType.DMA,
            pltpu.SemaphoreType.DMA,
            pltpu.SemaphoreType.DMA,
        ],
        compiler_params=pltpu.CompilerParams(needs_layout_passes=False),
    )
    return f(x2.reshape(-1), src, dst, ew, par)


def _tc_tail_body(o0_ref, o1_ref, o2_ref, o3_ref, o4_ref, o5_ref, o6_ref, o7_ref,
                  x_ref, m_ref, w3_ref, u_ref, cst_ref, bo_ref, out_ref):
    o_refs = (o0_ref, o1_ref, o2_ref, o3_ref, o4_ref, o5_ref, o6_ref, o7_ref)
    accs = []
    for k in range(8):
        ok = o_refs[k][...].reshape(2, 2, _T, _NB)
        accs.append(ok[:, 0] + ok[:, 1])
    bo = bo_ref[...]
    pred = lax.dot_general(u_ref[...], x_ref[...],
                           (((0,), (0,)), ((), ())),
                           preferred_element_type=jnp.float32)
    d_all = jnp.concatenate([accs[j].transpose(1, 0, 2) for j in range(4)],
                            axis=1)
    n_all = jnp.concatenate([accs[4 + j].transpose(1, 0, 2) for j in range(4)],
                            axis=1)
    inv = 1.0 / (d_all + 1e-16)
    rs = jnp.concatenate([n_all * inv, d_all * inv], axis=1)
    ppre = lax.dot_general(m_ref[...], rs,
                           (((1,), (1,)), ((0,), (0,))),
                           preferred_element_type=jnp.float32)
    p = jnp.maximum(ppre + bo[None], 0.0)
    pw = lax.dot_general(w3_ref[...], p,
                         (((1,), (1,)), ((0,), (0,))),
                         preferred_element_type=jnp.float32)
    out_ref[...] = pred + pw.sum(axis=0) + cst_ref[...]


def _tc_tail(olist, x2, m, w3, u, cst, bo):
    grid = (_NT // _NB,)
    return pl.pallas_call(
        _tc_tail_body,
        out_shape=jax.ShapeDtypeStruct((_HOR, _N), jnp.float32),
        grid=grid,
        in_specs=[pl.BlockSpec((32, _NB), lambda i: (0, i)) for _ in range(8)] + [
            pl.BlockSpec((_T, _NB), lambda i: (0, i)),
            pl.BlockSpec((_T, 16, _H), lambda i: (0, 0, 0)),
            pl.BlockSpec((_T, _H, _HOR), lambda i: (0, 0, 0)),
            pl.BlockSpec((_T, _HOR), lambda i: (0, 0)),
            pl.BlockSpec((_HOR, 1), lambda i: (0, 0)),
            pl.BlockSpec((_H, 1), lambda i: (0, 0)),
        ],
        out_specs=pl.BlockSpec((_HOR, _NB), lambda i: (0, i)),
    )(*olist, x2, m, w3, u, cst, bo)


def _sinusoidal_pe(positions, d):
    pos = positions[:, None].astype(jnp.float32)
    i = jnp.arange(d // 2, dtype=jnp.float32)[None, :]
    angles = pos / jnp.power(10000.0, 2.0 * i / d)
    return jnp.concatenate([jnp.sin(angles), jnp.cos(angles)], axis=-1)


def kernel(x, edge_index, edge_weight, fq_param, W_enc, b_enc, W_gat,
           a_src, a_dst, W_out, b_out, W_dec, b_dec):
    x2 = x[0, :, :, 0]
    src = edge_index[0]
    dst = edge_index[1]

    pe = _sinusoidal_pe(jnp.arange(_T), _H)
    gv = W_enc[0] @ W_gat
    c = (b_enc[None, :] + pe) @ W_gat
    gh = gv.reshape(_NH, _DH)
    ch = c.reshape(_T, _NH, _DH)
    As = (gh * a_src).sum(-1)
    Ad = (gh * a_dst).sum(-1)
    Bq = (ch * a_src).sum(-1) + (ch * a_dst).sum(-1)
    Mx = x2.max(1)
    mx = x2.min(1)
    zmax = (jnp.where(As[None, :] > 0, As[None, :] * Mx[:, None], As[None, :] * mx[:, None])
            + jnp.where(Ad[None, :] > 0, Ad[None, :] * Mx[:, None], Ad[None, :] * mx[:, None])
            + Bq)
    mM = jnp.maximum(zmax, 0.2 * zmax)

    Wo3 = W_out.reshape(_NH, _DH, _H)
    G2 = jnp.einsum('hd,hdo->ho', gh, Wo3)
    C2 = jnp.einsum('thd,hdo->tho', ch, Wo3)
    horder = jnp.array([0, 4, 1, 5, 2, 6, 3, 7])
    G2 = G2[horder]
    C2 = C2[:, horder]
    W3 = W_dec.reshape(_T, _H, _HOR * _FIN)
    u = jnp.einsum('k,tko->to', W_enc[0], W3)
    cst = jnp.einsum('tk,tko->o', b_enc[None, :] + pe, W3) + b_dec

    stacked = jnp.stack([
        jnp.broadcast_to(As[None, :], (_T, _NH)), jnp.broadcast_to(Ad[None, :], (_T, _NH)),
        Bq, mM], axis=-1)
    par = jnp.broadcast_to(
        stacked.reshape(_T, 2, 4, 4)[..., None], (_T, 2, 4, 4, 16)
    ).reshape(_T * 2 * 16, 16)

    olist = _sc_edge_pass(x2, src, dst, edge_weight, par)

    m = jnp.concatenate([jnp.broadcast_to(G2[None], (_T, _NH, _H)), C2], axis=1)

    pred = _tc_tail(olist, x2, m, W3, u, cst.reshape(_HOR, 1), b_out.reshape(_H, 1))
    return pred.reshape(1, _HOR, _N, _FIN)

# --- scband reference (transcript-rebuilt; emitter-appended) ---
"""Pipeline reference for scband-mp-dstanv2-21071109554592 (READ-ONLY COPY).

The authoritative reference and input builder live on the scoring server;
editing this copy changes nothing except your own understanding.
"""

import jax, jax.numpy as jnp
import numpy as np

B, T, N, F_IN = 1, 8, 10000, 1
E = 160000
H = 128
NH = 8
DH = H // NH
HOR = 8


def sinusoidal_pe(positions, d):
    pos = positions[:, None].astype(jnp.float32)
    i = jnp.arange(d // 2, dtype=jnp.float32)[None, :]
    angles = pos / jnp.power(10000.0, 2.0 * i / d)
    return jnp.concatenate([jnp.sin(angles), jnp.cos(angles)], axis=-1)


def setup_inputs(seed: int = 0):
    key = jax.random.key(seed)
    ks = jax.random.split(key, 14)
    x = jax.random.normal(ks[0], (B, T, N, F_IN), dtype=jnp.float32)
    edge_index = jax.random.randint(ks[1], (2, E), 0, N, dtype=jnp.int32)
    edge_weight = jax.random.uniform(ks[2], (E,), dtype=jnp.float32)
    fq_param = jax.random.normal(ks[3], (HOR, 1), dtype=jnp.float32)
    W_enc = jax.random.normal(ks[4], (F_IN, H), dtype=jnp.float32) * 0.1
    b_enc = jnp.zeros((H,), dtype=jnp.float32)
    W_gat = jax.random.normal(ks[5], (H, H), dtype=jnp.float32) * (1.0 / np.sqrt(H))
    a_src = jax.random.normal(ks[6], (NH, DH), dtype=jnp.float32) * 0.1
    a_dst = jax.random.normal(ks[7], (NH, DH), dtype=jnp.float32) * 0.1
    W_out = jax.random.normal(ks[8], (H, H), dtype=jnp.float32) * (1.0 / np.sqrt(H))
    b_out = jnp.zeros((H,), dtype=jnp.float32)
    W_dec = jax.random.normal(ks[9], (T * H, HOR * F_IN), dtype=jnp.float32) * (1.0 / np.sqrt(T * H))
    b_dec = jnp.zeros((HOR * F_IN,), dtype=jnp.float32)
    return {"x": x, "edge_index": edge_index, "edge_weight": edge_weight,
            "fq_param": fq_param, "W_enc": W_enc, "b_enc": b_enc,
            "W_gat": W_gat, "a_src": a_src, "a_dst": a_dst,
            "W_out": W_out, "b_out": b_out, "W_dec": W_dec, "b_dec": b_dec}


def reference(x, edge_index, edge_weight, fq_param, W_enc, b_enc, W_gat,
              a_src, a_dst, W_out, b_out, W_dec, b_dec):
    # future query param created in forward in the torch module
    fq = jnp.broadcast_to(fq_param[None, :, None, :], (B, HOR, N, 1))
    # encoder
    xe = x @ W_enc + b_enc            # [B,T,N,H]
    fqe = fq @ W_enc + b_enc          # [B,HOR,N,H]
    # pe_mem_future: sinusoidal PE; memory gets positions [0,T), future gets [T, T+HOR)
    x_enc = xe + sinusoidal_pe(jnp.arange(T), H)[None, :, None, :]
    fq_enc = fqe + sinusoidal_pe(jnp.arange(T, T + HOR), H)[None, :, None, :]  # computed as in original (unused downstream)
    # MessagePassingDSTAv2: per-timestep multi-head graph attention (GAT-style) with edge weights
    src = edge_index[0]
    dst = edge_index[1]
    h = (x_enc @ W_gat).reshape(B, T, N, NH, DH)
    e_s = jnp.einsum('btnhd,hd->btnh', h, a_src)
    e_d = jnp.einsum('btnhd,hd->btnh', h, a_dst)
    scores = jax.nn.leaky_relu(jnp.take(e_s, src, axis=2) + jnp.take(e_d, dst, axis=2), 0.2)  # [B,T,E,NH]
    m = jnp.full((B, T, N, NH), -jnp.inf, dtype=jnp.float32).at[:, :, dst].max(scores)
    scores = scores - jnp.take(m, dst, axis=2)
    w = jnp.exp(scores) * edge_weight[None, None, :, None]
    denom = jnp.zeros((B, T, N, NH), dtype=jnp.float32).at[:, :, dst].add(w)
    alpha = w / (jnp.take(denom, dst, axis=2) + 1e-16)
    msg = jnp.take(h, src, axis=2) * alpha[..., None]            # [B,T,E,NH,DH]
    agg = jnp.zeros((B, T, N, NH, DH), dtype=jnp.float32).at[:, :, dst].add(msg)
    agg = agg.reshape(B, T, N, H)
    memory = jax.nn.relu(agg @ W_out + b_out) + x_enc            # [B,T,N,H]
    # SimpleDecoder: flatten window, per-node linear to horizon*input_size
    z = jnp.transpose(memory, (0, 2, 1, 3)).reshape(B, N, T * H)
    pred = (z @ W_dec + b_dec).reshape(B, N, HOR, F_IN)
    pred = jnp.transpose(pred, (0, 2, 1, 3))                     # [B,HOR,N,F_IN]
    return pred

if __name__ == "__main__":
    import jax
    _d = setup_inputs()
    print(jax.jit(kernel)(*tuple(_d.values())))

</pallas_src>

<mosaic_0001>
#map = affine_map<(d0, d1) -> (0)>
#map1 = affine_map<(d0, d1) -> (0, 0)>
module attributes {stable_mosaic.version = 14 : i64} {
  func.func @_sc_edge_body(%arg0: i32, %arg1: i32, %arg2: memref<80000xf32, #tpu.memory_space<hbm>>, %arg3: memref<160000xi32, #tpu.memory_space<hbm>>, %arg4: memref<160000xi32, #tpu.memory_space<hbm>>, %arg5: memref<160000xf32, #tpu.memory_space<hbm>>, %arg6: memref<256x16xf32, #tpu.memory_space<hbm>>, %arg7: memref<32x10240xf32, #tpu.memory_space<hbm>>, %arg8: memref<32x10240xf32, #tpu.memory_space<hbm>>, %arg9: memref<32x10240xf32, #tpu.memory_space<hbm>>, %arg10: memref<32x10240xf32, #tpu.memory_space<hbm>>, %arg11: memref<32x10240xf32, #tpu.memory_space<hbm>>, %arg12: memref<32x10240xf32, #tpu.memory_space<hbm>>, %arg13: memref<32x10240xf32, #tpu.memory_space<hbm>>, %arg14: memref<32x10240xf32, #tpu.memory_space<hbm>>, %arg15: memref<10000xf32, #tpu.memory_space<vmem>>, %arg16: memref<2000xi32, #tpu.memory_space<vmem>>, %arg17: memref<2000xi32, #tpu.memory_space<vmem>>, %arg18: memref<2000xi32, #tpu.memory_space<vmem>>, %arg19: memref<2000xi32, #tpu.memory_space<vmem>>, %arg20: memref<2000xf32, #tpu.memory_space<vmem>>, %arg21: memref<2000xf32, #tpu.memory_space<vmem>>, %arg22: memref<16x16xf32, #tpu.memory_space<vmem>>, %arg23: memref<10240xf32, #tpu.memory_space<vmem>>, %arg24: memref<10240xf32, #tpu.memory_space<vmem>>, %arg25: memref<10240xf32, #tpu.memory_space<vmem>>, %arg26: memref<10240xf32, #tpu.memory_space<vmem>>, %arg27: memref<10240xf32, #tpu.memory_space<vmem>>, %arg28: memref<10240xf32, #tpu.memory_space<vmem>>, %arg29: memref<10240xf32, #tpu.memory_space<vmem>>, %arg30: memref<10240xf32, #tpu.memory_space<vmem>>, %arg31: memref<!tpu.dma_semaphore, #tpu.memory_space<semaphore_mem>>, %arg32: memref<!tpu.dma_semaphore, #tpu.memory_space<semaphore_mem>>, %arg33: memref<!tpu.dma_semaphore, #tpu.memory_space<semaphore_mem>>, %arg34: memref<!tpu.dma_semaphore, #tpu.memory_space<semaphore_mem>>, %arg35: memref<!tpu.dma_semaphore, #tpu.memory_space<semaphore_mem>>, %arg36: memref<!tpu.dma_semaphore, #tpu.memory_space<semaphore_mem>>, %arg37: memref<!tpu.dma_semaphore, #tpu.memory_space<semaphore_mem>>, %arg38: memref<!tpu.dma_semaphore, #tpu.memory_space<semaphore_mem>>) attributes {dimension_semantics = [#tpu.dimension_semantics<core_parallel>, #tpu.dimension_semantics<subcore_parallel>], iteration_bounds = array<i64: 2, 16>, scalar_prefetch = 0 : i64, scratch_operands = 24 : i64, tpu.core_type = #tpu.core_type<sc_vector_subcore>, window_params = [{transform_indices = #map}, {transform_indices = #map}, {transform_indices = #map}, {transform_indices = #map}, {transform_indices = #map1}, {transform_indices = #map1}, {transform_indices = #map1}, {transform_indices = #map1}, {transform_indices = #map1}, {transform_indices = #map1}, {transform_indices = #map1}, {transform_indices = #map1}, {transform_indices = #map1}]} {
    %mul3A = arith.constant 2 : i32
    %mul3A_0 = arith.muli %arg1, %mul3A : i32
    %add3A = arith.addi %mul3A_0, %arg0 : i32
    %jit3A = arith.constant 16 : i32
    %div3A = arith.divsi %add3A, %jit3A : i32
    %sign3A = arith.constant 0 : i32
    %sign3A_1 = arith.cmpi sgt, %add3A, %sign3A : i32
    %sign3A_2 = arith.extui %sign3A_1 : i1 to i32
    %sign3A_3 = arith.constant 0 : i32
    %sign3A_4 = arith.cmpi slt, %add3A, %sign3A_3 : i32
    %sign3A_5 = arith.extui %sign3A_4 : i1 to i32
    %sign3A_6 = arith.subi %sign3A_2, %sign3A_5 : i32
    %sign3A_7 = arith.constant 0 : i32
    %sign3A_8 = arith.cmpi sgt, %jit3A, %sign3A_7 : i32
    %sign3A_9 = arith.extui %sign3A_8 : i1 to i32
    %sign3A_10 = arith.constant 0 : i32
    %sign3A_11 = arith.cmpi slt, %jit3A, %sign3A_10 : i32
    %sign3A_12 = arith.extui %sign3A_11 : i1 to i32
    %sign3A_13 = arith.subi %sign3A_9, %sign3A_12 : i32
    %ne3A = arith.cmpi ne, %sign3A_6, %sign3A_13 : i32
    %rem3A = arith.remsi %add3A, %jit3A : i32
    %ne3A_14 = arith.constant 0 : i32
    %ne3A_15 = arith.cmpi ne, %rem3A, %ne3A_14 : i32
    %and3A = arith.andi %ne3A, %ne3A_15 : i1
    %sub3A = arith.constant 1 : i32
    %sub3A_16 = arith.subi %div3A, %sub3A : i32
    %select_n3A = arith.select %and3A, %sub3A_16, %div3A : i32
    %mul3A_17 = arith.constant 16 : i32
    %mul3A_18 = arith.muli %select_n3A, %mul3A_17 : i32
    %sub3A_19 = arith.subi %add3A, %mul3A_18 : i32
    %jit3A_20 = arith.constant 8 : i32
    %div3A_21 = arith.divsi %sub3A_19, %jit3A_20 : i32
    %sign3A_22 = arith.constant 0 : i32
    %sign3A_23 = arith.cmpi sgt, %sub3A_19, %sign3A_22 : i32
    %sign3A_24 = arith.extui %sign3A_23 : i1 to i32
    %sign3A_25 = arith.constant 0 : i32
    %sign3A_26 = arith.cmpi slt, %sub3A_19, %sign3A_25 : i32
    %sign3A_27 = arith.extui %sign3A_26 : i1 to i32
    %sign3A_28 = arith.subi %sign3A_24, %sign3A_27 : i32
    %sign3A_29 = arith.constant 0 : i32
    %sign3A_30 = arith.cmpi sgt, %jit3A_20, %sign3A_29 : i32
    %sign3A_31 = arith.extui %sign3A_30 : i1 to i32
    %sign3A_32 = arith.constant 0 : i32
    %sign3A_33 = arith.cmpi slt, %jit3A_20, %sign3A_32 : i32
    %sign3A_34 = arith.extui %sign3A_33 : i1 to i32
    %sign3A_35 = arith.subi %sign3A_31, %sign3A_34 : i32
    %ne3A_36 = arith.cmpi ne, %sign3A_28, %sign3A_35 : i32
    %rem3A_37 = arith.remsi %sub3A_19, %jit3A_20 : i32
    %ne3A_38 = arith.constant 0 : i32
    %ne3A_39 = arith.cmpi ne, %rem3A_37, %ne3A_38 : i32
    %and3A_40 = arith.andi %ne3A_36, %ne3A_39 : i1
    %sub3A_41 = arith.constant 1 : i32
    %sub3A_42 = arith.subi %div3A_21, %sub3A_41 : i32
    %select_n3A_43 = arith.select %and3A_40, %sub3A_42, %div3A_21 : i32
    %mul3A_44 = arith.constant 8 : i32
    %mul3A_45 = arith.muli %select_n3A_43, %mul3A_44 : i32
    %sub3A_46 = arith.subi %sub3A_19, %mul3A_45 : i32
    %mul3A_47 = arith.constant 80000 : i32
    %mul3A_48 = arith.muli %select_n3A_43, %mul3A_47 : i32
    %add3A_49 = arith.constant 0 : i32
    %add3A_50 = arith.addi %mul3A_48, %add3A_49 : i32
    %dma_start3A = tpu.memref_slice %arg3[%add3A_50] : memref<160000xi32, #tpu.memory_space<hbm>> -> memref<2000xi32, #tpu.memory_space<hbm>>
    %dma_start3A_51 = tpu.memref_slice %arg3[%add3A_50] : memref<160000xi32, #tpu.memory_space<hbm>> -> memref<2000xi32, #tpu.memory_space<hbm>>
    tpu.enqueue_dma source(%dma_start3A_51 : memref<2000xi32, #tpu.memory_space<hbm>>) target(%arg16 : memref<2000xi32, #tpu.memory_space<vmem>>) target_semaphore(%arg31 : memref<!tpu.dma_semaphore, #tpu.memory_space<semaphore_mem>>)
    %dma_start3A_52 = tpu.memref_slice %arg4[%add3A_50] : memref<160000xi32, #tpu.memory_space<hbm>> -> memref<2000xi32, #tpu.memory_space<hbm>>
    %dma_start3A_53 = tpu.memref_slice %arg4[%add3A_50] : memref<160000xi32, #tpu.memory_space<hbm>> -> memref<2000xi32, #tpu.memory_space<hbm>>
    tpu.enqueue_dma source(%dma_start3A_53 : memref<2000xi32, #tpu.memory_space<hbm>>) target(%arg18 : memref<2000xi32, #tpu.memory_space<vmem>>) target_semaphore(%arg32 : memref<!tpu.dma_semaphore, #tpu.memory_space<semaphore_mem>>)
    %dma_start3A_54 = tpu.memref_slice %arg5[%add3A_50] : memref<160000xf32, #tpu.memory_space<hbm>> -> memref<2000xf32, #tpu.memory_space<hbm>>
    %dma_start3A_55 = tpu.memref_slice %arg5[%add3A_50] : memref<160000xf32, #tpu.memory_space<hbm>> -> memref<2000xf32, #tpu.memory_space<hbm>>
    tpu.enqueue_dma source(%dma_start3A_55 : memref<2000xf32, #tpu.memory_space<hbm>>) target(%arg20 : memref<2000xf32, #tpu.memory_space<vmem>>) target_semaphore(%arg33 : memref<!tpu.dma_semaphore, #tpu.memory_space<semaphore_mem>>)
    %add3A_56 = arith.constant 2000 : i32
    %add3A_57 = arith.addi %mul3A_48, %add3A_56 : i32
    %dma_start3A_58 = tpu.memref_slice %arg3[%add3A_57] : memref<160000xi32, #tpu.memory_space<hbm>> -> memref<2000xi32, #tpu.memory_space<hbm>>
    %dma_start3A_59 = tpu.memref_slice %arg3[%add3A_57] : memref<160000xi32, #tpu.memory_space<hbm>> -> memref<2000xi32, #tpu.memory_space<hbm>>
    tpu.enqueue_dma source(%dma_start3A_59 : memref<2000xi32, #tpu.memory_space<hbm>>) target(%arg17 : memref<2000xi32, #tpu.memory_space<vmem>>) target_semaphore(%arg34 : memref<!tpu.dma_semaphore, #tpu.memory_space<semaphore_mem>>)
    %dma_start3A_60 = tpu.memref_slice %arg4[%add3A_57] : memref<160000xi32, #tpu.memory_space<hbm>> -> memref<2000xi32, #tpu.memory_space<hbm>>
    %dma_start3A_61 = tpu.memref_slice %arg4[%add3A_57] : memref<160000xi32, #tpu.memory_space<hbm>> -> memref<2000xi32, #tpu.memory_space<hbm>>
    tpu.enqueue_dma source(%dma_start3A_61 : memref<2000xi32, #tpu.memory_space<hbm>>) target(%arg19 : memref<2000xi32, #tpu.memory_space<vmem>>) target_semaphore(%arg35 : memref<!tpu.dma_semaphore, #tpu.memory_space<semaphore_mem>>)
    %dma_start3A_62 = tpu.memref_slice %arg5[%add3A_57] : memref<160000xf32, #tpu.memory_space<hbm>> -> memref<2000xf32, #tpu.memory_space<hbm>>
    %dma_start3A_63 = tpu.memref_slice %arg5[%add3A_57] : memref<160000xf32, #tpu.memory_space<hbm>> -> memref<2000xf32, #tpu.memory_space<hbm>>
    tpu.enqueue_dma source(%dma_start3A_63 : memref<2000xf32, #tpu.memory_space<hbm>>) target(%arg21 : memref<2000xf32, #tpu.memory_space<vmem>>) target_semaphore(%arg36 : memref<!tpu.dma_semaphore, #tpu.memory_space<semaphore_mem>>)
    %mul3A_64 = arith.constant 10000 : i32
    %mul3A_65 = arith.muli %sub3A_46, %mul3A_64 : i32
    %dma_start3A_66 = tpu.memref_slice %arg2[%mul3A_65] : memref<80000xf32, #tpu.memory_space<hbm>> -> memref<10000xf32, #tpu.memory_space<hbm>>
    %dma_start3A_67 = tpu.memref_slice %arg2[%mul3A_65] : memref<80000xf32, #tpu.memory_space<hbm>> -> memref<10000xf32, #tpu.memory_space<hbm>>
    tpu.enqueue_dma source(%dma_start3A_67 : memref<10000xf32, #tpu.memory_space<hbm>>) target(%arg15 : memref<10000xf32, #tpu.memory_space<vmem>>) target_semaphore(%arg37 : memref<!tpu.dma_semaphore, #tpu.memory_space<semaphore_mem>>)
    %mul3A_68 = arith.constant 2 : i32
    %mul3A_69 = arith.muli %sub3A_46, %mul3A_68 : i32
    %add3A_70 = arith.addi %mul3A_69, %select_n3A : i32
    %mul3A_71 = arith.constant 16 : i32
    %mul3A_72 = arith.muli %add3A_70, %mul3A_71 : i32
    %dma_start3A_73 = arith.constant 0 : i32
    %dma_start3A_74 = tpu.memref_slice %arg6[%mul3A_72, %dma_start3A_73] : memref<256x16xf32, #tpu.memory_space<hbm>> -> memref<16x16xf32, #tpu.memory_space<hbm>>
    %dma_start3A_75 = arith.constant 0 : i32
    %dma_start3A_76 = tpu.memref_slice %arg6[%mul3A_72, %dma_start3A_75] : memref<256x16xf32, #tpu.memory_space<hbm>> -> memref<16x16xf32, #tpu.memory_space<hbm>>
    tpu.enqueue_dma source(%dma_start3A_76 : memref<16x16xf32, #tpu.memory_space<hbm>>) target(%arg22 : memref<16x16xf32, #tpu.memory_space<vmem>>) target_semaphore(%arg38 : memref<!tpu.dma_semaphore, #tpu.memory_space<semaphore_mem>>)
    %broadcast_in_dim3A = arith.constant 0.000000e+00 : f32
    %broadcast_in_dim3A_77 = vector.broadcast %broadcast_in_dim3A : f32 to vector<16xf32>
    %iota3A = tpu.iota {dimensions = array<i32: 0>} : vector<16xi32>
    %parallel_loop3A = arith.constant 0 : i32
    %parallel_loop3A_78 = arith.constant 640 : i32
    %parallel_loop3A_79 = arith.constant 1 : i32
    scf.for %parallel_loop3A_186 = %parallel_loop3A to %parallel_loop3A_78 step %parallel_loop3A_79  : i32 {
      %parallel_loop3A_187 = arith.constant 16 : i32
      %parallel_loop3A_188 = arith.muli %parallel_loop3A_186, %parallel_loop3A_187 : i32
      %parallel_loop3A_189 = arith.index_cast %parallel_loop3A_188 : i32 to index
      %parallel_loop3A_190 = tpu.vector_load %arg23[%parallel_loop3A_189] {strides = array<i32>} : memref<10240xf32, #tpu.memory_space<vmem>>, vector<16xf32>,
      tpu.vector_store %arg23[%parallel_loop3A_189], %broadcast_in_dim3A_77 {strides = array<i32>} : memref<10240xf32, #tpu.memory_space<vmem>>, vector<16xf32>,
      %parallel_loop3A_191 = arith.constant 16 : i32
      %parallel_loop3A_192 = arith.muli %parallel_loop3A_186, %parallel_loop3A_191 : i32
      %parallel_loop3A_193 = arith.index_cast %parallel_loop3A_192 : i32 to index
      %parallel_loop3A_194 = tpu.vector_load %arg24[%parallel_loop3A_193] {strides = array<i32>} : memref<10240xf32, #tpu.memory_space<vmem>>, vector<16xf32>,
      tpu.vector_store %arg24[%parallel_loop3A_193], %broadcast_in_dim3A_77 {strides = array<i32>} : memref<10240xf32, #tpu.memory_space<vmem>>, vector<16xf32>,
      %parallel_loop3A_195 = arith.constant 16 : i32
      %parallel_loop3A_196 = arith.muli %parallel_loop3A_186, %parallel_loop3A_195 : i32
      %parallel_loop3A_197 = arith.index_cast %parallel_loop3A_196 : i32 to index
      %parallel_loop3A_198 = tpu.vector_load %arg25[%parallel_loop3A_197] {strides = array<i32>} : memref<10240xf32, #tpu.memory_space<vmem>>, vector<16xf32>,
      tpu.vector_store %arg25[%parallel_loop3A_197], %broadcast_in_dim3A_77 {strides = array<i32>} : memref<10240xf32, #tpu.memory_space<vmem>>, vector<16xf32>,
      %parallel_loop3A_199 = arith.constant 16 : i32
      %parallel_loop3A_200 = arith.muli %parallel_loop3A_186, %parallel_loop3A_199 : i32
      %parallel_loop3A_201 = arith.index_cast %parallel_loop3A_200 : i32 to index
      %parallel_loop3A_202 = tpu.vector_load %arg26[%parallel_loop3A_201] {strides = array<i32>} : memref<10240xf32, #tpu.memory_space<vmem>>, vector<16xf32>,
      tpu.vector_store %arg26[%parallel_loop3A_201], %broadcast_in_dim3A_77 {strides = array<i32>} : memref<10240xf32, #tpu.memory_space<vmem>>, vector<16xf32>,
      %parallel_loop3A_203 = arith.constant 16 : i32
      %parallel_loop3A_204 = arith.muli %parallel_loop3A_186, %parallel_loop3A_203 : i32
      %parallel_loop3A_205 = arith.index_cast %parallel_loop3A_204 : i32 to index
      %parallel_loop3A_206 = tpu.vector_load %arg27[%parallel_loop3A_205] {strides = array<i32>} : memref<10240xf32, #tpu.memory_space<vmem>>, vector<16xf32>,
      tpu.vector_store %arg27[%parallel_loop3A_205], %broadcast_in_dim3A_77 {strides = array<i32>} : memref<10240xf32, #tpu.memory_space<vmem>>, vector<16xf32>,
      %parallel_loop3A_207 = arith.constant 16 : i32
      %parallel_loop3A_208 = arith.muli %parallel_loop3A_186, %parallel_loop3A_207 : i32
      %parallel_loop3A_209 = arith.index_cast %parallel_loop3A_208 : i32 to index
      %parallel_loop3A_210 = tpu.vector_load %arg28[%parallel_loop3A_209] {strides = array<i32>} : memref<10240xf32, #tpu.memory_space<vmem>>, vector<16xf32>,
      tpu.vector_store %arg28[%parallel_loop3A_209], %broadcast_in_dim3A_77 {strides = array<i32>} : memref<10240xf32, #tpu.memory_space<vmem>>, vector<16xf32>,
      %parallel_loop3A_211 = arith.constant 16 : i32
      %parallel_loop3A_212 = arith.muli %parallel_loop3A_186, %parallel_loop3A_211 : i32
      %parallel_loop3A_213 = arith.index_cast %parallel_loop3A_212 : i32 to index
      %parallel_loop3A_214 = tpu.vector_load %arg29[%parallel_loop3A_213] {strides = array<i32>} : memref<10240xf32, #tpu.memory_space<vmem>>, vector<16xf32>,
      tpu.vector_store %arg29[%parallel_loop3A_213], %broadcast_in_dim3A_77 {strides = array<i32>} : memref<10240xf32, #tpu.memory_space<vmem>>, vector<16xf32>,
      %parallel_loop3A_215 = arith.constant 16 : i32
      %parallel_loop3A_216 = arith.muli %parallel_loop3A_186, %parallel_loop3A_215 : i32
      %parallel_loop3A_217 = arith.index_cast %parallel_loop3A_216 : i32 to index
      %parallel_loop3A_218 = tpu.vector_load %arg30[%parallel_loop3A_217] {strides = array<i32>} : memref<10240xf32, #tpu.memory_space<vmem>>, vector<16xf32>,
      tpu.vector_store %arg30[%parallel_loop3A_217], %broadcast_in_dim3A_77 {strides = array<i32>} : memref<10240xf32, #tpu.memory_space<vmem>>, vector<16xf32>,
    } {sc.loop_unroll_factor = 8 : i64, sc.parallel_access}
    %dma_wait3A = tpu.memref_slice %arg2[%mul3A_65] : memref<80000xf32, #tpu.memory_space<hbm>> -> memref<10000xf32, #tpu.memory_space<hbm>>
    %dma_wait3A_80 = tpu.memref_slice %arg2[%mul3A_65] : memref<80000xf32, #tpu.memory_space<hbm>> -> memref<10000xf32, #tpu.memory_space<hbm>>
    tpu.wait_dma2 semaphore(%arg37 : memref<!tpu.dma_semaphore, #tpu.memory_space<semaphore_mem>>) src(%dma_wait3A_80 : memref<10000xf32, #tpu.memory_space<hbm>>) dst(%arg15 : memref<10000xf32, #tpu.memory_space<vmem>>)
    %dma_wait3A_81 = arith.constant 0 : i32
    %dma_wait3A_82 = tpu.memref_slice %arg6[%mul3A_72, %dma_wait3A_81] : memref<256x16xf32, #tpu.memory_space<hbm>> -> memref<16x16xf32, #tpu.memory_space<hbm>>
    %dma_wait3A_83 = arith.constant 0 : i32
    %dma_wait3A_84 = tpu.memref_slice %arg6[%mul3A_72, %dma_wait3A_83] : memref<256x16xf32, #tpu.memory_space<hbm>> -> memref<16x16xf32, #tpu.memory_space<hbm>>
    tpu.wait_dma2 semaphore(%arg38 : memref<!tpu.dma_semaphore, #tpu.memory_space<semaphore_mem>>) src(%dma_wait3A_84 : memref<16x16xf32, #tpu.memory_space<hbm>>) dst(%arg22 : memref<16x16xf32, #tpu.memory_space<vmem>>)
    %scan3A = arith.constant 0 : i32
    %scan3A_85 = arith.constant 0 : i32
    %scan3A_86 = arith.constant 20 : i32
    %scan3A_87 = arith.addi %scan3A_85, %scan3A_86 : i32
    %scan3A_88 = arith.constant 1 : i32
    scf.for %scan3A_186 = %scan3A_85 to %scan3A_87 step %scan3A_88  : i32 {
      %mul3A_187 = arith.constant 2 : i32
      %mul3A_188 = arith.muli %scan3A_186, %mul3A_187 : i32
      %add3A_189 = arith.constant 0 : i32
      %add3A_190 = arith.addi %mul3A_188, %add3A_189 : i32
      %dma_wait3A_191 = arith.constant 0 : i32
      %dma_wait3A_192 = tpu.memref_slice %arg3[%dma_wait3A_191] : memref<160000xi32, #tpu.memory_space<hbm>> -> memref<2000xi32, #tpu.memory_space<hbm>>
      %dma_wait3A_193 = arith.constant 0 : i32
      %dma_wait3A_194 = tpu.memref_slice %arg3[%dma_wait3A_193] : memref<160000xi32, #tpu.memory_space<hbm>> -> memref<2000xi32, #tpu.memory_space<hbm>>
      tpu.wait_dma2 semaphore(%arg31 : memref<!tpu.dma_semaphore, #tpu.memory_space<semaphore_mem>>) src(%dma_wait3A_194 : memref<2000xi32, #tpu.memory_space<hbm>>) dst(%arg16 : memref<2000xi32, #tpu.memory_space<vmem>>)
      %dma_wait3A_195 = arith.constant 0 : i32
      %dma_wait3A_196 = tpu.memref_slice %arg4[%dma_wait3A_195] : memref<160000xi32, #tpu.memory_space<hbm>> -> memref<2000xi32, #tpu.memory_space<hbm>>
      %dma_wait3A_197 = arith.constant 0 : i32
      %dma_wait3A_198 = tpu.memref_slice %arg4[%dma_wait3A_197] : memref<160000xi32, #tpu.memory_space<hbm>> -> memref<2000xi32, #tpu.memory_space<hbm>>
      tpu.wait_dma2 semaphore(%arg32 : memref<!tpu.dma_semaphore, #tpu.memory_space<semaphore_mem>>) src(%dma_wait3A_198 : memref<2000xi32, #tpu.memory_space<hbm>>) dst(%arg18 : memref<2000xi32, #tpu.memory_space<vmem>>)
      %dma_wait3A_199 = arith.constant 0 : i32
      %dma_wait3A_200 = tpu.memref_slice %arg5[%dma_wait3A_199] : memref<160000xf32, #tpu.memory_space<hbm>> -> memref<2000xf32, #tpu.memory_space<hbm>>
      %dma_wait3A_201 = arith.constant 0 : i32
      %dma_wait3A_202 = tpu.memref_slice %arg5[%dma_wait3A_201] : memref<160000xf32, #tpu.memory_space<hbm>> -> memref<2000xf32, #tpu.memory_space<hbm>>
      tpu.wait_dma2 semaphore(%arg33 : memref<!tpu.dma_semaphore, #tpu.memory_space<semaphore_mem>>) src(%dma_wait3A_202 : memref<2000xf32, #tpu.memory_space<hbm>>) dst(%arg20 : memref<2000xf32, #tpu.memory_space<vmem>>)
      %parallel_loop3A_203 = arith.constant 0 : i32
      %parallel_loop3A_204 = arith.constant 125 : i32
      %parallel_loop3A_205 = arith.constant 1 : i32
      scf.for %parallel_loop3A_236 = %parallel_loop3A_203 to %parallel_loop3A_204 step %parallel_loop3A_205  : i32 {
        %parallel_loop3A_237 = arith.constant 16 : i32
        %parallel_loop3A_238 = arith.muli %parallel_loop3A_236, %parallel_loop3A_237 : i32
        %parallel_loop3A_239 = arith.index_cast %parallel_loop3A_238 : i32 to index
        %parallel_loop3A_240 = tpu.vector_load %arg16[%parallel_loop3A_239] {strides = array<i32>} : memref<2000xi32, #tpu.memory_space<vmem>>, vector<16xi32>,
        %parallel_loop3A_241 = arith.constant 16 : i32
        %parallel_loop3A_242 = arith.muli %parallel_loop3A_236, %parallel_loop3A_241 : i32
        %parallel_loop3A_243 = arith.index_cast %parallel_loop3A_242 : i32 to index
        %parallel_loop3A_244 = tpu.vector_load %arg18[%parallel_loop3A_243] {strides = array<i32>} : memref<2000xi32, #tpu.memory_space<vmem>>, vector<16xi32>,
        %parallel_loop3A_245 = arith.constant 16 : i32
        %parallel_loop3A_246 = arith.muli %parallel_loop3A_236, %parallel_loop3A_245 : i32
        %parallel_loop3A_247 = arith.index_cast %parallel_loop3A_246 : i32 to index
        %parallel_loop3A_248 = tpu.vector_load %arg20[%parallel_loop3A_247] {strides = array<i32>} : memref<2000xf32, #tpu.memory_space<vmem>>, vector<16xf32>,
        %parallel_loop3A_249 = tpu.vector_load_idx %arg15[%parallel_loop3A_240] : memref<10000xf32, #tpu.memory_space<vmem>>[vector<16xi32>], vector<16xf32>,
        %parallel_loop3A_250 = tpu.vector_load_idx %arg15[%parallel_loop3A_244] : memref<10000xf32, #tpu.memory_space<vmem>>[vector<16xi32>], vector<16xf32>,
        %parallel_loop3A_251 = arith.constant 0 : i32
        %parallel_loop3A_252 = arith.index_cast %parallel_loop3A_251 : i32 to index
        %parallel_loop3A_253 = arith.constant 0 : index
        %parallel_loop3A_254 = tpu.vector_load %arg22[%parallel_loop3A_252, %parallel_loop3A_253] {strides = array<i32>} : memref<16x16xf32, #tpu.memory_space<vmem>>, vector<16xf32>,
        %parallel_loop3A_255 = arith.constant 1 : i32
        %parallel_loop3A_256 = arith.index_cast %parallel_loop3A_255 : i32 to index
        %parallel_loop3A_257 = arith.constant 0 : index
        %parallel_loop3A_258 = tpu.vector_load %arg22[%parallel_loop3A_256, %parallel_loop3A_257] {strides = array<i32>} : memref<16x16xf32, #tpu.memory_space<vmem>>, vector<16xf32>,
        %parallel_loop3A_259 = arith.constant 2 : i32
        %parallel_loop3A_260 = arith.index_cast %parallel_loop3A_259 : i32 to index
        %parallel_loop3A_261 = arith.constant 0 : index
        %parallel_loop3A_262 = tpu.vector_load %arg22[%parallel_loop3A_260, %parallel_loop3A_261] {strides = array<i32>} : memref<16x16xf32, #tpu.memory_space<vmem>>, vector<16xf32>,
        %parallel_loop3A_263 = arith.constant 3 : i32
        %parallel_loop3A_264 = arith.index_cast %parallel_loop3A_263 : i32 to index
        %parallel_loop3A_265 = arith.constant 0 : index
        %parallel_loop3A_266 = tpu.vector_load %arg22[%parallel_loop3A_264, %parallel_loop3A_265] {strides = array<i32>} : memref<16x16xf32, #tpu.memory_space<vmem>>, vector<16xf32>,
        %parallel_loop3A_267 = arith.mulf %parallel_loop3A_249, %parallel_loop3A_254 : vector<16xf32>
        %parallel_loop3A_268 = arith.mulf %parallel_loop3A_250, %parallel_loop3A_258 : vector<16xf32>
        %parallel_loop3A_269 = arith.addf %parallel_loop3A_267, %parallel_loop3A_268 : vector<16xf32>
        %parallel_loop3A_270 = arith.addf %parallel_loop3A_269, %parallel_loop3A_262 : vector<16xf32>
        %parallel_loop3A_271 = arith.constant 2.000000e-01 : f32
        %parallel_loop3A_272 = vector.broadcast %parallel_loop3A_271 : f32 to vector<16xf32>
        %parallel_loop3A_273 = arith.mulf %parallel_loop3A_272, %parallel_loop3A_270 : vector<16xf32>
        %parallel_loop3A_274 = arith.maximumf %parallel_loop3A_270, %parallel_loop3A_273 : vector<16xf32>
        %parallel_loop3A_275 = arith.subf %parallel_loop3A_274, %parallel_loop3A_266 : vector<16xf32>
        %parallel_loop3A_276 = math.exp %parallel_loop3A_275 : vector<16xf32>
        %parallel_loop3A_277 = arith.mulf %parallel_loop3A_276, %parallel_loop3A_248 : vector<16xf32>
        tpu.vector_store_idx %arg23[%parallel_loop3A_244], %parallel_loop3A_277 {add = true} : memref<10240xf32, #tpu.memory_space<vmem>>[vector<16xi32>], vector<16xf32>,
        %parallel_loop3A_278 = arith.mulf %parallel_loop3A_277, %parallel_loop3A_249 : vector<16xf32>
        tpu.vector_store_idx %arg27[%parallel_loop3A_244], %parallel_loop3A_278 {add = true} : memref<10240xf32, #tpu.memory_space<vmem>>[vector<16xi32>], vector<16xf32>,
        %parallel_loop3A_279 = arith.constant 4 : i32
        %parallel_loop3A_280 = arith.index_cast %parallel_loop3A_279 : i32 to index
        %parallel_loop3A_281 = arith.constant 0 : index
        %parallel_loop3A_282 = tpu.vector_load %arg22[%parallel_loop3A_280, %parallel_loop3A_281] {strides = array<i32>} : memref<16x16xf32, #tpu.memory_space<vmem>>, vector<16xf32>,
        %parallel_loop3A_283 = arith.constant 5 : i32
        %parallel_loop3A_284 = arith.index_cast %parallel_loop3A_283 : i32 to index
        %parallel_loop3A_285 = arith.constant 0 : index
        %parallel_loop3A_286 = tpu.vector_load %arg22[%parallel_loop3A_284, %parallel_loop3A_285] {strides = array<i32>} : memref<16x16xf32, #tpu.memory_space<vmem>>, vector<16xf32>,
        %parallel_loop3A_287 = arith.constant 6 : i32
        %parallel_loop3A_288 = arith.index_cast %parallel_loop3A_287 : i32 to index
        %parallel_loop3A_289 = arith.constant 0 : index
        %parallel_loop3A_290 = tpu.vector_load %arg22[%parallel_loop3A_288, %parallel_loop3A_289] {strides = array<i32>} : memref<16x16xf32, #tpu.memory_space<vmem>>, vector<16xf32>,
        %parallel_loop3A_291 = arith.constant 7 : i32
        %parallel_loop3A_292 = arith.index_cast %parallel_loop3A_291 : i32 to index
        %parallel_loop3A_293 = arith.constant 0 : index
        %parallel_loop3A_294 = tpu.vector_load %arg22[%parallel_loop3A_292, %parallel_loop3A_293] {strides = array<i32>} : memref<16x16xf32, #tpu.memory_space<vmem>>, vector<16xf32>,
        %parallel_loop3A_295 = arith.mulf %parallel_loop3A_249, %parallel_loop3A_282 : vector<16xf32>
        %parallel_loop3A_296 = arith.mulf %parallel_loop3A_250, %parallel_loop3A_286 : vector<16xf32>
        %parallel_loop3A_297 = arith.addf %parallel_loop3A_295, %parallel_loop3A_296 : vector<16xf32>
        %parallel_loop3A_298 = arith.addf %parallel_loop3A_297, %parallel_loop3A_290 : vector<16xf32>
        %parallel_loop3A_299 = arith.constant 2.000000e-01 : f32
        %parallel_loop3A_300 = vector.broadcast %parallel_loop3A_299 : f32 to vector<16xf32>
        %parallel_loop3A_301 = arith.mulf %parallel_loop3A_300, %parallel_loop3A_298 : vector<16xf32>
        %parallel_loop3A_302 = arith.maximumf %parallel_loop3A_298, %parallel_loop3A_301 : vector<16xf32>
        %parallel_loop3A_303 = arith.subf %parallel_loop3A_302, %parallel_loop3A_294 : vector<16xf32>
        %parallel_loop3A_304 = math.exp %parallel_loop3A_303 : vector<16xf32>
        %parallel_loop3A_305 = arith.mulf %parallel_loop3A_304, %parallel_loop3A_248 : vector<16xf32>
        tpu.vector_store_idx %arg24[%parallel_loop3A_244], %parallel_loop3A_305 {add = true} : memref<10240xf32, #tpu.memory_space<vmem>>[vector<16xi32>], vector<16xf32>,
        %parallel_loop3A_306 = arith.mulf %parallel_loop3A_305, %parallel_loop3A_249 : vector<16xf32>
        tpu.vector_store_idx %arg28[%parallel_loop3A_244], %parallel_loop3A_306 {add = true} : memref<10240xf32, #tpu.memory_space<vmem>>[vector<16xi32>], vector<16xf32>,
        %parallel_loop3A_307 = arith.constant 8 : i32
        %parallel_loop3A_308 = arith.index_cast %parallel_loop3A_307 : i32 to index
        %parallel_loop3A_309 = arith.constant 0 : index
        %parallel_loop3A_310 = tpu.vector_load %arg22[%parallel_loop3A_308, %parallel_loop3A_309] {strides = array<i32>} : memref<16x16xf32, #tpu.memory_space<vmem>>, vector<16xf32>,
        %parallel_loop3A_311 = arith.constant 9 : i32
        %parallel_loop3A_312 = arith.index_cast %parallel_loop3A_311 : i32 to index
        %parallel_loop3A_313 = arith.constant 0 : index
        %parallel_loop3A_314 = tpu.vector_load %arg22[%parallel_loop3A_312, %parallel_loop3A_313] {strides = array<i32>} : memref<16x16xf32, #tpu.memory_space<vmem>>, vector<16xf32>,
        %parallel_loop3A_315 = arith.constant 10 : i32
        %parallel_loop3A_316 = arith.index_cast %parallel_loop3A_315 : i32 to index
        %parallel_loop3A_317 = arith.constant 0 : index
        %parallel_loop3A_318 = tpu.vector_load %arg22[%parallel_loop3A_316, %parallel_loop3A_317] {strides = array<i32>} : memref<16x16xf32, #tpu.memory_space<vmem>>, vector<16xf32>,
        %parallel_loop3A_319 = arith.constant 11 : i32
        %parallel_loop3A_320 = arith.index_cast %parallel_loop3A_319 : i32 to index
        %parallel_loop3A_321 = arith.constant 0 : index
        %parallel_loop3A_322 = tpu.vector_load %arg22[%parallel_loop3A_320, %parallel_loop3A_321] {strides = array<i32>} : memref<16x16xf32, #tpu.memory_space<vmem>>, vector<16xf32>,
        %parallel_loop3A_323 = arith.mulf %parallel_loop3A_249, %parallel_loop3A_310 : vector<16xf32>
        %parallel_loop3A_324 = arith.mulf %parallel_loop3A_250, %parallel_loop3A_314 : vector<16xf32>
        %parallel_loop3A_325 = arith.addf %parallel_loop3A_323, %parallel_loop3A_324 : vector<16xf32>
        %parallel_loop3A_326 = arith.addf %parallel_loop3A_325, %parallel_loop3A_318 : vector<16xf32>
        %parallel_loop3A_327 = arith.constant 2.000000e-01 : f32
        %parallel_loop3A_328 = vector.broadcast %parallel_loop3A_327 : f32 to vector<16xf32>
        %parallel_loop3A_329 = arith.mulf %parallel_loop3A_328, %parallel_loop3A_326 : vector<16xf32>
        %parallel_loop3A_330 = arith.maximumf %parallel_loop3A_326, %parallel_loop3A_329 : vector<16xf32>
        %parallel_loop3A_331 = arith.subf %parallel_loop3A_330, %parallel_loop3A_322 : vector<16xf32>
        %parallel_loop3A_332 = math.exp %parallel_loop3A_331 : vector<16xf32>
        %parallel_loop3A_333 = arith.mulf %parallel_loop3A_332, %parallel_loop3A_248 : vector<16xf32>
        tpu.vector_store_idx %arg25[%parallel_loop3A_244], %parallel_loop3A_333 {add = true} : memref<10240xf32, #tpu.memory_space<vmem>>[vector<16xi32>], vector<16xf32>,
        %parallel_loop3A_334 = arith.mulf %parallel_loop3A_333, %parallel_loop3A_249 : vector<16xf32>
        tpu.vector_store_idx %arg29[%parallel_loop3A_244], %parallel_loop3A_334 {add = true} : memref<10240xf32, #tpu.memory_space<vmem>>[vector<16xi32>], vector<16xf32>,
        %parallel_loop3A_335 = arith.constant 12 : i32
        %parallel_loop3A_336 = arith.index_cast %parallel_loop3A_335 : i32 to index
        %parallel_loop3A_337 = arith.constant 0 : index
        %parallel_loop3A_338 = tpu.vector_load %arg22[%parallel_loop3A_336, %parallel_loop3A_337] {strides = array<i32>} : memref<16x16xf32, #tpu.memory_space<vmem>>, vector<16xf32>,
        %parallel_loop3A_339 = arith.constant 13 : i32
        %parallel_loop3A_340 = arith.index_cast %parallel_loop3A_339 : i32 to index
        %parallel_loop3A_341 = arith.constant 0 : index
        %parallel_loop3A_342 = tpu.vector_load %arg22[%parallel_loop3A_340, %parallel_loop3A_341] {strides = array<i32>} : memref<16x16xf32, #tpu.memory_space<vmem>>, vector<16xf32>,
        %parallel_loop3A_343 = arith.constant 14 : i32
        %parallel_loop3A_344 = arith.index_cast %parallel_loop3A_343 : i32 to index
        %parallel_loop3A_345 = arith.constant 0 : index
        %parallel_loop3A_346 = tpu.vector_load %arg22[%parallel_loop3A_344, %parallel_loop3A_345] {strides = array<i32>} : memref<16x16xf32, #tpu.memory_space<vmem>>, vector<16xf32>,
        %parallel_loop3A_347 = arith.constant 15 : i32
        %parallel_loop3A_348 = arith.index_cast %parallel_loop3A_347 : i32 to index
        %parallel_loop3A_349 = arith.constant 0 : index
        %parallel_loop3A_350 = tpu.vector_load %arg22[%parallel_loop3A_348, %parallel_loop3A_349] {strides = array<i32>} : memref<16x16xf32, #tpu.memory_space<vmem>>, vector<16xf32>,
        %parallel_loop3A_351 = arith.mulf %parallel_loop3A_249, %parallel_loop3A_338 : vector<16xf32>
        %parallel_loop3A_352 = arith.mulf %parallel_loop3A_250, %parallel_loop3A_342 : vector<16xf32>
        %parallel_loop3A_353 = arith.addf %parallel_loop3A_351, %parallel_loop3A_352 : vector<16xf32>
        %parallel_loop3A_354 = arith.addf %parallel_loop3A_353, %parallel_loop3A_346 : vector<16xf32>
        %parallel_loop3A_355 = arith.constant 2.000000e-01 : f32
        %parallel_loop3A_356 = vector.broadcast %parallel_loop3A_355 : f32 to vector<16xf32>
        %parallel_loop3A_357 = arith.mulf %parallel_loop3A_356, %parallel_loop3A_354 : vector<16xf32>
        %parallel_loop3A_358 = arith.maximumf %parallel_loop3A_354, %parallel_loop3A_357 : vector<16xf32>
        %parallel_loop3A_359 = arith.subf %parallel_loop3A_358, %parallel_loop3A_350 : vector<16xf32>
        %parallel_loop3A_360 = math.exp %parallel_loop3A_359 : vector<16xf32>
        %parallel_loop3A_361 = arith.mulf %parallel_loop3A_360, %parallel_loop3A_248 : vector<16xf32>
        tpu.vector_store_idx %arg26[%parallel_loop3A_244], %parallel_loop3A_361 {add = true} : memref<10240xf32, #tpu.memory_space<vmem>>[vector<16xi32>], vector<16xf32>,
        %parallel_loop3A_362 = arith.mulf %parallel_loop3A_361, %parallel_loop3A_249 : vector<16xf32>
        tpu.vector_store_idx %arg30[%parallel_loop3A_244], %parallel_loop3A_362 {add = true} : memref<10240xf32, #tpu.memory_space<vmem>>[vector<16xi32>], vector<16xf32>,
      } {sc.loop_unroll_factor = 4 : i64, sc.parallel_access}
      %add3A_206 = arith.constant 2 : i32
      %add3A_207 = arith.addi %add3A_190, %add3A_206 : i32
      %lt3A = arith.constant 40 : i32
      %lt3A_208 = arith.cmpi slt, %add3A_207, %lt3A : i32
      %convert_element_type3A = arith.extui %lt3A_208 : i1 to i32
      %cond3A = arith.constant 0 : i32
      %cond3A_209 = arith.cmpi ne, %convert_element_type3A, %cond3A : i32
      scf.if %cond3A_209 {
        %add3A_236 = arith.constant 2 : i32
        %add3A_237 = arith.addi %add3A_190, %add3A_236 : i32
        %mul3A_238 = arith.constant 2000 : i32
        %mul3A_239 = arith.muli %add3A_237, %mul3A_238 : i32
        %add3A_240 = arith.addi %mul3A_48, %mul3A_239 : i32
        %dma_start3A_241 = tpu.memref_slice %arg3[%add3A_240] : memref<160000xi32, #tpu.memory_space<hbm>> -> memref<2000xi32, #tpu.memory_space<hbm>>
        %dma_start3A_242 = tpu.memref_slice %arg3[%add3A_240] : memref<160000xi32, #tpu.memory_space<hbm>> -> memref<2000xi32, #tpu.memory_space<hbm>>
        tpu.enqueue_dma source(%dma_start3A_242 : memref<2000xi32, #tpu.memory_space<hbm>>) target(%arg16 : memref<2000xi32, #tpu.memory_space<vmem>>) target_semaphore(%arg31 : memref<!tpu.dma_semaphore, #tpu.memory_space<semaphore_mem>>)
        %dma_start3A_243 = tpu.memref_slice %arg4[%add3A_240] : memref<160000xi32, #tpu.memory_space<hbm>> -> memref<2000xi32, #tpu.memory_space<hbm>>
        %dma_start3A_244 = tpu.memref_slice %arg4[%add3A_240] : memref<160000xi32, #tpu.memory_space<hbm>> -> memref<2000xi32, #tpu.memory_space<hbm>>
        tpu.enqueue_dma source(%dma_start3A_244 : memref<2000xi32, #tpu.memory_space<hbm>>) target(%arg18 : memref<2000xi32, #tpu.memory_space<vmem>>) target_semaphore(%arg32 : memref<!tpu.dma_semaphore, #tpu.memory_space<semaphore_mem>>)
        %dma_start3A_245 = tpu.memref_slice %arg5[%add3A_240] : memref<160000xf32, #tpu.memory_space<hbm>> -> memref<2000xf32, #tpu.memory_space<hbm>>
        %dma_start3A_246 = tpu.memref_slice %arg5[%add3A_240] : memref<160000xf32, #tpu.memory_space<hbm>> -> memref<2000xf32, #tpu.memory_space<hbm>>
        tpu.enqueue_dma source(%dma_start3A_246 : memref<2000xf32, #tpu.memory_space<hbm>>) target(%arg20 : memref<2000xf32, #tpu.memory_space<vmem>>) target_semaphore(%arg33 : memref<!tpu.dma_semaphore, #tpu.memory_space<semaphore_mem>>)
      } else {
      }
      %mul3A_210 = arith.constant 2 : i32
      %mul3A_211 = arith.muli %scan3A_186, %mul3A_210 : i32
      %add3A_212 = arith.constant 1 : i32
      %add3A_213 = arith.addi %mul3A_211, %add3A_212 : i32
      %dma_wait3A_214 = arith.constant 0 : i32
      %dma_wait3A_215 = tpu.memref_slice %arg3[%dma_wait3A_214] : memref<160000xi32, #tpu.memory_space<hbm>> -> memref<2000xi32, #tpu.memory_space<hbm>>
      %dma_wait3A_216 = arith.constant 0 : i32
      %dma_wait3A_217 = tpu.memref_slice %arg3[%dma_wait3A_216] : memref<160000xi32, #tpu.memory_space<hbm>> -> memref<2000xi32, #tpu.memory_space<hbm>>
      tpu.wait_dma2 semaphore(%arg34 : memref<!tpu.dma_semaphore, #tpu.memory_space<semaphore_mem>>) src(%dma_wait3A_217 : memref<2000xi32, #tpu.memory_space<hbm>>) dst(%arg17 : memref<2000xi32, #tpu.memory_space<vmem>>)
      %dma_wait3A_218 = arith.constant 0 : i32
      %dma_wait3A_219 = tpu.memref_slice %arg4[%dma_wait3A_218] : memref<160000xi32, #tpu.memory_space<hbm>> -> memref<2000xi32, #tpu.memory_space<hbm>>
      %dma_wait3A_220 = arith.constant 0 : i32
      %dma_wait3A_221 = tpu.memref_slice %arg4[%dma_wait3A_220] : memref<160000xi32, #tpu.memory_space<hbm>> -> memref<2000xi32, #tpu.memory_space<hbm>>
      tpu.wait_dma2 semaphore(%arg35 : memref<!tpu.dma_semaphore, #tpu.memory_space<semaphore_mem>>) src(%dma_wait3A_221 : memref<2000xi32, #tpu.memory_space<hbm>>) dst(%arg19 : memref<2000xi32, #tpu.memory_space<vmem>>)
      %dma_wait3A_222 = arith.constant 0 : i32
      %dma_wait3A_223 = tpu.memref_slice %arg5[%dma_wait3A_222] : memref<160000xf32, #tpu.memory_space<hbm>> -> memref<2000xf32, #tpu.memory_space<hbm>>
      %dma_wait3A_224 = arith.constant 0 : i32
      %dma_wait3A_225 = tpu.memref_slice %arg5[%dma_wait3A_224] : memref<160000xf32, #tpu.memory_space<hbm>> -> memref<2000xf32, #tpu.memory_space<hbm>>
      tpu.wait_dma2 semaphore(%arg36 : memref<!tpu.dma_semaphore, #tpu.memory_space<semaphore_mem>>) src(%dma_wait3A_225 : memref<2000xf32, #tpu.memory_space<hbm>>) dst(%arg21 : memref<2000xf32, #tpu.memory_space<vmem>>)
      %parallel_loop3A_226 = arith.constant 0 : i32
      %parallel_loop3A_227 = arith.constant 125 : i32
      %parallel_loop3A_228 = arith.constant 1 : i32
      scf.for %parallel_loop3A_236 = %parallel_loop3A_226 to %parallel_loop3A_227 step %parallel_loop3A_228  : i32 {
        %parallel_loop3A_237 = arith.constant 16 : i32
        %parallel_loop3A_238 = arith.muli %parallel_loop3A_236, %parallel_loop3A_237 : i32
        %parallel_loop3A_239 = arith.index_cast %parallel_loop3A_238 : i32 to index
        %parallel_loop3A_240 = tpu.vector_load %arg17[%parallel_loop3A_239] {strides = array<i32>} : memref<2000xi32, #tpu.memory_space<vmem>>, vector<16xi32>,
        %parallel_loop3A_241 = arith.constant 16 : i32
        %parallel_loop3A_242 = arith.muli %parallel_loop3A_236, %parallel_loop3A_241 : i32
        %parallel_loop3A_243 = arith.index_cast %parallel_loop3A_242 : i32 to index
        %parallel_loop3A_244 = tpu.vector_load %arg19[%parallel_loop3A_243] {strides = array<i32>} : memref<2000xi32, #tpu.memory_space<vmem>>, vector<16xi32>,
        %parallel_loop3A_245 = arith.constant 16 : i32
        %parallel_loop3A_246 = arith.muli %parallel_loop3A_236, %parallel_loop3A_245 : i32
        %parallel_loop3A_247 = arith.index_cast %parallel_loop3A_246 : i32 to index
        %parallel_loop3A_248 = tpu.vector_load %arg21[%parallel_loop3A_247] {strides = array<i32>} : memref<2000xf32, #tpu.memory_space<vmem>>, vector<16xf32>,
        %parallel_loop3A_249 = tpu.vector_load_idx %arg15[%parallel_loop3A_240] : memref<10000xf32, #tpu.memory_space<vmem>>[vector<16xi32>], vector<16xf32>,
        %parallel_loop3A_250 = tpu.vector_load_idx %arg15[%parallel_loop3A_244] : memref<10000xf32, #tpu.memory_space<vmem>>[vector<16xi32>], vector<16xf32>,
        %parallel_loop3A_251 = arith.constant 0 : i32
        %parallel_loop3A_252 = arith.index_cast %parallel_loop3A_251 : i32 to index
        %parallel_loop3A_253 = arith.constant 0 : index
        %parallel_loop3A_254 = tpu.vector_load %arg22[%parallel_loop3A_252, %parallel_loop3A_253] {strides = array<i32>} : memref<16x16xf32, #tpu.memory_space<vmem>>, vector<16xf32>,
        %parallel_loop3A_255 = arith.constant 1 : i32
        %parallel_loop3A_256 = arith.index_cast %parallel_loop3A_255 : i32 to index
        %parallel_loop3A_257 = arith.constant 0 : index
        %parallel_loop3A_258 = tpu.vector_load %arg22[%parallel_loop3A_256, %parallel_loop3A_257] {strides = array<i32>} : memref<16x16xf32, #tpu.memory_space<vmem>>, vector<16xf32>,
        %parallel_loop3A_259 = arith.constant 2 : i32
        %parallel_loop3A_260 = arith.index_cast %parallel_loop3A_259 : i32 to index
        %parallel_loop3A_261 = arith.constant 0 : index
        %parallel_loop3A_262 = tpu.vector_load %arg22[%parallel_loop3A_260, %parallel_loop3A_261] {strides = array<i32>} : memref<16x16xf32, #tpu.memory_space<vmem>>, vector<16xf32>,
        %parallel_loop3A_263 = arith.constant 3 : i32
        %parallel_loop3A_264 = arith.index_cast %parallel_loop3A_263 : i32 to index
        %parallel_loop3A_265 = arith.constant 0 : index
        %parallel_loop3A_266 = tpu.vector_load %arg22[%parallel_loop3A_264, %parallel_loop3A_265] {strides = array<i32>} : memref<16x16xf32, #tpu.memory_space<vmem>>, vector<16xf32>,
        %parallel_loop3A_267 = arith.mulf %parallel_loop3A_249, %parallel_loop3A_254 : vector<16xf32>
        %parallel_loop3A_268 = arith.mulf %parallel_loop3A_250, %parallel_loop3A_258 : vector<16xf32>
        %parallel_loop3A_269 = arith.addf %parallel_loop3A_267, %parallel_loop3A_268 : vector<16xf32>
        %parallel_loop3A_270 = arith.addf %parallel_loop3A_269, %parallel_loop3A_262 : vector<16xf32>
        %parallel_loop3A_271 = arith.constant 2.000000e-01 : f32
        %parallel_loop3A_272 = vector.broadcast %parallel_loop3A_271 : f32 to vector<16xf32>
        %parallel_loop3A_273 = arith.mulf %parallel_loop3A_272, %parallel_loop3A_270 : vector<16xf32>
        %parallel_loop3A_274 = arith.maximumf %parallel_loop3A_270, %parallel_loop3A_273 : vector<16xf32>
        %parallel_loop3A_275 = arith.subf %parallel_loop3A_274, %parallel_loop3A_266 : vector<16xf32>
        %parallel_loop3A_276 = math.exp %parallel_loop3A_275 : vector<16xf32>
        %parallel_loop3A_277 = arith.mulf %parallel_loop3A_276, %parallel_loop3A_248 : vector<16xf32>
        tpu.vector_store_idx %arg23[%parallel_loop3A_244], %parallel_loop3A_277 {add = true} : memref<10240xf32, #tpu.memory_space<vmem>>[vector<16xi32>], vector<16xf32>,
        %parallel_loop3A_278 = arith.mulf %parallel_loop3A_277, %parallel_loop3A_249 : vector<16xf32>
        tpu.vector_store_idx %arg27[%parallel_loop3A_244], %parallel_loop3A_278 {add = true} : memref<10240xf32, #tpu.memory_space<vmem>>[vector<16xi32>], vector<16xf32>,
        %parallel_loop3A_279 = arith.constant 4 : i32
        %parallel_loop3A_280 = arith.index_cast %parallel_loop3A_279 : i32 to index
        %parallel_loop3A_281 = arith.constant 0 : index
        %parallel_loop3A_282 = tpu.vector_load %arg22[%parallel_loop3A_280, %parallel_loop3A_281] {strides = array<i32>} : memref<16x16xf32, #tpu.memory_space<vmem>>, vector<16xf32>,
        %parallel_loop3A_283 = arith.constant 5 : i32
        %parallel_loop3A_284 = arith.index_cast %parallel_loop3A_283 : i32 to index
        %parallel_loop3A_285 = arith.constant 0 : index
        %parallel_loop3A_286 = tpu.vector_load %arg22[%parallel_loop3A_284, %parallel_loop3A_285] {strides = array<i32>} : memref<16x16xf32, #tpu.memory_space<vmem>>, vector<16xf32>,
        %parallel_loop3A_287 = arith.constant 6 : i32
        %parallel_loop3A_288 = arith.index_cast %parallel_loop3A_287 : i32 to index
        %parallel_loop3A_289 = arith.constant 0 : index
        %parallel_loop3A_290 = tpu.vector_load %arg22[%parallel_loop3A_288, %parallel_loop3A_289] {strides = array<i32>} : memref<16x16xf32, #tpu.memory_space<vmem>>, vector<16xf32>,
        %parallel_loop3A_291 = arith.constant 7 : i32
        %parallel_loop3A_292 = arith.index_cast %parallel_loop3A_291 : i32 to index
        %parallel_loop3A_293 = arith.constant 0 : index
        %parallel_loop3A_294 = tpu.vector_load %arg22[%parallel_loop3A_292, %parallel_loop3A_293] {strides = array<i32>} : memref<16x16xf32, #tpu.memory_space<vmem>>, vector<16xf32>,
        %parallel_loop3A_295 = arith.mulf %parallel_loop3A_249, %parallel_loop3A_282 : vector<16xf32>
        %parallel_loop3A_296 = arith.mulf %parallel_loop3A_250, %parallel_loop3A_286 : vector<16xf32>
        %parallel_loop3A_297 = arith.addf %parallel_loop3A_295, %parallel_loop3A_296 : vector<16xf32>
        %parallel_loop3A_298 = arith.addf %parallel_loop3A_297, %parallel_loop3A_290 : vector<16xf32>
        %parallel_loop3A_299 = arith.constant 2.000000e-01 : f32
        %parallel_loop3A_300 = vector.broadcast %parallel_loop3A_299 : f32 to vector<16xf32>
        %parallel_loop3A_301 = arith.mulf %parallel_loop3A_300, %parallel_loop3A_298 : vector<16xf32>
        %parallel_loop3A_302 = arith.maximumf %parallel_loop3A_298, %parallel_loop3A_301 : vector<16xf32>
        %parallel_loop3A_303 = arith.subf %parallel_loop3A_302, %parallel_loop3A_294 : vector<16xf32>
        %parallel_loop3A_304 = math.exp %parallel_loop3A_303 : vector<16xf32>
        %parallel_loop3A_305 = arith.mulf %parallel_loop3A_304, %parallel_loop3A_248 : vector<16xf32>
        tpu.vector_store_idx %arg24[%parallel_loop3A_244], %parallel_loop3A_305 {add = true} : memref<10240xf32, #tpu.memory_space<vmem>>[vector<16xi32>], vector<16xf32>,
        %parallel_loop3A_306 = arith.mulf %parallel_loop3A_305, %parallel_loop3A_249 : vector<16xf32>
        tpu.vector_store_idx %arg28[%parallel_loop3A_244], %parallel_loop3A_306 {add = true} : memref<10240xf32, #tpu.memory_space<vmem>>[vector<16xi32>], vector<16xf32>,
        %parallel_loop3A_307 = arith.constant 8 : i32
        %parallel_loop3A_308 = arith.index_cast %parallel_loop3A_307 : i32 to index
        %parallel_loop3A_309 = arith.constant 0 : index
        %parallel_loop3A_310 = tpu.vector_load %arg22[%parallel_loop3A_308, %parallel_loop3A_309] {strides = array<i32>} : memref<16x16xf32, #tpu.memory_space<vmem>>, vector<16xf32>,
        %parallel_loop3A_311 = arith.constant 9 : i32
        %parallel_loop3A_312 = arith.index_cast %parallel_loop3A_311 : i32 to index
        %parallel_loop3A_313 = arith.constant 0 : index
        %parallel_loop3A_314 = tpu.vector_load %arg22[%parallel_loop3A_312, %parallel_loop3A_313] {strides = array<i32>} : memref<16x16xf32, #tpu.memory_space<vmem>>, vector<16xf32>,
        %parallel_loop3A_315 = arith.constant 10 : i32
        %parallel_loop3A_316 = arith.index_cast %parallel_loop3A_315 : i32 to index
        %parallel_loop3A_317 = arith.constant 0 : index
        %parallel_loop3A_318 = tpu.vector_load %arg22[%parallel_loop3A_316, %parallel_loop3A_317] {strides = array<i32>} : memref<16x16xf32, #tpu.memory_space<vmem>>, vector<16xf32>,
        %parallel_loop3A_319 = arith.constant 11 : i32
        %parallel_loop3A_320 = arith.index_cast %parallel_loop3A_319 : i32 to index
        %parallel_loop3A_321 = arith.constant 0 : index
        %parallel_loop3A_322 = tpu.vector_load %arg22[%parallel_loop3A_320, %parallel_loop3A_321] {strides = array<i32>} : memref<16x16xf32, #tpu.memory_space<vmem>>, vector<16xf32>,
        %parallel_loop3A_323 = arith.mulf %parallel_loop3A_249, %parallel_loop3A_310 : vector<16xf32>
        %parallel_loop3A_324 = arith.mulf %parallel_loop3A_250, %parallel_loop3A_314 : vector<16xf32>
        %parallel_loop3A_325 = arith.addf %parallel_loop3A_323, %parallel_loop3A_324 : vector<16xf32>
        %parallel_loop3A_326 = arith.addf %parallel_loop3A_325, %parallel_loop3A_318 : vector<16xf32>
        %parallel_loop3A_327 = arith.constant 2.000000e-01 : f32
        %parallel_loop3A_328 = vector.broadcast %parallel_loop3A_327 : f32 to vector<16xf32>
        %parallel_loop3A_329 = arith.mulf %parallel_loop3A_328, %parallel_loop3A_326 : vector<16xf32>
        %parallel_loop3A_330 = arith.maximumf %parallel_loop3A_326, %parallel_loop3A_329 : vector<16xf32>
        %parallel_loop3A_331 = arith.subf %parallel_loop3A_330, %parallel_loop3A_322 : vector<16xf32>
        %parallel_loop3A_332 = math.exp %parallel_loop3A_331 : vector<16xf32>
        %parallel_loop3A_333 = arith.mulf %parallel_loop3A_332, %parallel_loop3A_248 : vector<16xf32>
        tpu.vector_store_idx %arg25[%parallel_loop3A_244], %parallel_loop3A_333 {add = true} : memref<10240xf32, #tpu.memory_space<vmem>>[vector<16xi32>], vector<16xf32>,
        %parallel_loop3A_334 = arith.mulf %parallel_loop3A_333, %parallel_loop3A_249 : vector<16xf32>
        tpu.vector_store_idx %arg29[%parallel_loop3A_244], %parallel_loop3A_334 {add = true} : memref<10240xf32, #tpu.memory_space<vmem>>[vector<16xi32>], vector<16xf32>,
        %parallel_loop3A_335 = arith.constant 12 : i32
        %parallel_loop3A_336 = arith.index_cast %parallel_loop3A_335 : i32 to index
        %parallel_loop3A_337 = arith.constant 0 : index
        %parallel_loop3A_338 = tpu.vector_load %arg22[%parallel_loop3A_336, %parallel_loop3A_337] {strides = array<i32>} : memref<16x16xf32, #tpu.memory_space<vmem>>, vector<16xf32>,
        %parallel_loop3A_339 = arith.constant 13 : i32
        %parallel_loop3A_340 = arith.index_cast %parallel_loop3A_339 : i32 to index
        %parallel_loop3A_341 = arith.constant 0 : index
        %parallel_loop3A_342 = tpu.vector_load %arg22[%parallel_loop3A_340, %parallel_loop3A_341] {strides = array<i32>} : memref<16x16xf32, #tpu.memory_space<vmem>>, vector<16xf32>,
        %parallel_loop3A_343 = arith.constant 14 : i32
        %parallel_loop3A_344 = arith.index_cast %parallel_loop3A_343 : i32 to index
        %parallel_loop3A_345 = arith.constant 0 : index
        %parallel_loop3A_346 = tpu.vector_load %arg22[%parallel_loop3A_344, %parallel_loop3A_345] {strides = array<i32>} : memref<16x16xf32, #tpu.memory_space<vmem>>, vector<16xf32>,
        %parallel_loop3A_347 = arith.constant 15 : i32
        %parallel_loop3A_348 = arith.index_cast %parallel_loop3A_347 : i32 to index
        %parallel_loop3A_349 = arith.constant 0 : index
        %parallel_loop3A_350 = tpu.vector_load %arg22[%parallel_loop3A_348, %parallel_loop3A_349] {strides = array<i32>} : memref<16x16xf32, #tpu.memory_space<vmem>>, vector<16xf32>,
        %parallel_loop3A_351 = arith.mulf %parallel_loop3A_249, %parallel_loop3A_338 : vector<16xf32>
        %parallel_loop3A_352 = arith.mulf %parallel_loop3A_250, %parallel_loop3A_342 : vector<16xf32>
        %parallel_loop3A_353 = arith.addf %parallel_loop3A_351, %parallel_loop3A_352 : vector<16xf32>
        %parallel_loop3A_354 = arith.addf %parallel_loop3A_353, %parallel_loop3A_346 : vector<16xf32>
        %parallel_loop3A_355 = arith.constant 2.000000e-01 : f32
        %parallel_loop3A_356 = vector.broadcast %parallel_loop3A_355 : f32 to vector<16xf32>
        %parallel_loop3A_357 = arith.mulf %parallel_loop3A_356, %parallel_loop3A_354 : vector<16xf32>
        %parallel_loop3A_358 = arith.maximumf %parallel_loop3A_354, %parallel_loop3A_357 : vector<16xf32>
        %parallel_loop3A_359 = arith.subf %parallel_loop3A_358, %parallel_loop3A_350 : vector<16xf32>
        %parallel_loop3A_360 = math.exp %parallel_loop3A_359 : vector<16xf32>
        %parallel_loop3A_361 = arith.mulf %parallel_loop3A_360, %parallel_loop3A_248 : vector<16xf32>
        tpu.vector_store_idx %arg26[%parallel_loop3A_244], %parallel_loop3A_361 {add = true} : memref<10240xf32, #tpu.memory_space<vmem>>[vector<16xi32>], vector<16xf32>,
        %parallel_loop3A_362 = arith.mulf %parallel_loop3A_361, %parallel_loop3A_249 : vector<16xf32>
        tpu.vector_store_idx %arg30[%parallel_loop3A_244], %parallel_loop3A_362 {add = true} : memref<10240xf32, #tpu.memory_space<vmem>>[vector<16xi32>], vector<16xf32>,
      } {sc.loop_unroll_factor = 4 : i64, sc.parallel_access}
      %add3A_229 = arith.constant 2 : i32
      %add3A_230 = arith.addi %add3A_213, %add3A_229 : i32
      %lt3A_231 = arith.constant 40 : i32
      %lt3A_232 = arith.cmpi slt, %add3A_230, %lt3A_231 : i32
      %convert_element_type3A_233 = arith.extui %lt3A_232 : i1 to i32
      %cond3A_234 = arith.constant 0 : i32
      %cond3A_235 = arith.cmpi ne, %convert_element_type3A_233, %cond3A_234 : i32
      scf.if %cond3A_235 {
        %add3A_236 = arith.constant 2 : i32
        %add3A_237 = arith.addi %add3A_213, %add3A_236 : i32
        %mul3A_238 = arith.constant 2000 : i32
        %mul3A_239 = arith.muli %add3A_237, %mul3A_238 : i32
        %add3A_240 = arith.addi %mul3A_48, %mul3A_239 : i32
        %dma_start3A_241 = tpu.memref_slice %arg3[%add3A_240] : memref<160000xi32, #tpu.memory_space<hbm>> -> memref<2000xi32, #tpu.memory_space<hbm>>
        %dma_start3A_242 = tpu.memref_slice %arg3[%add3A_240] : memref<160000xi32, #tpu.memory_space<hbm>> -> memref<2000xi32, #tpu.memory_space<hbm>>
        tpu.enqueue_dma source(%dma_start3A_242 : memref<2000xi32, #tpu.memory_space<hbm>>) target(%arg17 : memref<2000xi32, #tpu.memory_space<vmem>>) target_semaphore(%arg34 : memref<!tpu.dma_semaphore, #tpu.memory_space<semaphore_mem>>)
        %dma_start3A_243 = tpu.memref_slice %arg4[%add3A_240] : memref<160000xi32, #tpu.memory_space<hbm>> -> memref<2000xi32, #tpu.memory_space<hbm>>
        %dma_start3A_244 = tpu.memref_slice %arg4[%add3A_240] : memref<160000xi32, #tpu.memory_space<hbm>> -> memref<2000xi32, #tpu.memory_space<hbm>>
        tpu.enqueue_dma source(%dma_start3A_244 : memref<2000xi32, #tpu.memory_space<hbm>>) target(%arg19 : memref<2000xi32, #tpu.memory_space<vmem>>) target_semaphore(%arg35 : memref<!tpu.dma_semaphore, #tpu.memory_space<semaphore_mem>>)
        %dma_start3A_245 = tpu.memref_slice %arg5[%add3A_240] : memref<160000xf32, #tpu.memory_space<hbm>> -> memref<2000xf32, #tpu.memory_space<hbm>>
        %dma_start3A_246 = tpu.memref_slice %arg5[%add3A_240] : memref<160000xf32, #tpu.memory_space<hbm>> -> memref<2000xf32, #tpu.memory_space<hbm>>
        tpu.enqueue_dma source(%dma_start3A_246 : memref<2000xf32, #tpu.memory_space<hbm>>) target(%arg21 : memref<2000xf32, #tpu.memory_space<vmem>>) target_semaphore(%arg36 : memref<!tpu.dma_semaphore, #tpu.memory_space<semaphore_mem>>)
      } else {
      }
    }
    %scan3A_89 = arith.constant 20 : i32
    %dma_start3A_90 = arith.constant 0 : i32
    %dma_start3A_91 = tpu.memref_slice %arg7[%add3A, %dma_start3A_90] : memref<32x10240xf32, #tpu.memory_space<hbm>> -> memref<1x10240xf32, #tpu.memory_space<hbm>>
    %dma_start3A_92 = tpu.memref_squeeze %dma_start3A_91 : memref<1x10240xf32, #tpu.memory_space<hbm>> -> memref<10240xf32, #tpu.memory_space<hbm>>
    %dma_start3A_93 = arith.constant 0 : i32
    %dma_start3A_94 = tpu.memref_slice %arg7[%add3A, %dma_start3A_93] : memref<32x10240xf32, #tpu.memory_space<hbm>> -> memref<1x10240xf32, #tpu.memory_space<hbm>>
    %dma_start3A_95 = tpu.memref_squeeze %dma_start3A_94 : memref<1x10240xf32, #tpu.memory_space<hbm>> -> memref<10240xf32, #tpu.memory_space<hbm>>
    tpu.enqueue_dma source(%arg23 : memref<10240xf32, #tpu.memory_space<vmem>>) target(%dma_start3A_95 : memref<10240xf32, #tpu.memory_space<hbm>>) target_semaphore(%arg31 : memref<!tpu.dma_semaphore, #tpu.memory_space<semaphore_mem>>)
    %dma_start3A_96 = arith.constant 0 : i32
    %dma_start3A_97 = tpu.memref_slice %arg8[%add3A, %dma_start3A_96] : memref<32x10240xf32, #tpu.memory_space<hbm>> -> memref<1x10240xf32, #tpu.memory_space<hbm>>
    %dma_start3A_98 = tpu.memref_squeeze %dma_start3A_97 : memref<1x10240xf32, #tpu.memory_space<hbm>> -> memref<10240xf32, #tpu.memory_space<hbm>>
    %dma_start3A_99 = arith.constant 0 : i32
    %dma_start3A_100 = tpu.memref_slice %arg8[%add3A, %dma_start3A_99] : memref<32x10240xf32, #tpu.memory_space<hbm>> -> memref<1x10240xf32, #tpu.memory_space<hbm>>
    %dma_start3A_101 = tpu.memref_squeeze %dma_start3A_100 : memref<1x10240xf32, #tpu.memory_space<hbm>> -> memref<10240xf32, #tpu.memory_space<hbm>>
    tpu.enqueue_dma source(%arg24 : memref<10240xf32, #tpu.memory_space<vmem>>) target(%dma_start3A_101 : memref<10240xf32, #tpu.memory_space<hbm>>) target_semaphore(%arg32 : memref<!tpu.dma_semaphore, #tpu.memory_space<semaphore_mem>>)
    %dma_start3A_102 = arith.constant 0 : i32
    %dma_start3A_103 = tpu.memref_slice %arg9[%add3A, %dma_start3A_102] : memref<32x10240xf32, #tpu.memory_space<hbm>> -> memref<1x10240xf32, #tpu.memory_space<hbm>>
    %dma_start3A_104 = tpu.memref_squeeze %dma_start3A_103 : memref<1x10240xf32, #tpu.memory_space<hbm>> -> memref<10240xf32, #tpu.memory_space<hbm>>
    %dma_start3A_105 = arith.constant 0 : i32
    %dma_start3A_106 = tpu.memref_slice %arg9[%add3A, %dma_start3A_105] : memref<32x10240xf32, #tpu.memory_space<hbm>> -> memref<1x10240xf32, #tpu.memory_space<hbm>>
    %dma_start3A_107 = tpu.memref_squeeze %dma_start3A_106 : memref<1x10240xf32, #tpu.memory_space<hbm>> -> memref<10240xf32, #tpu.memory_space<hbm>>
    tpu.enqueue_dma source(%arg25 : memref<10240xf32, #tpu.memory_space<vmem>>) target(%dma_start3A_107 : memref<10240xf32, #tpu.memory_space<hbm>>) target_semaphore(%arg33 : memref<!tpu.dma_semaphore, #tpu.memory_space<semaphore_mem>>)
    %dma_start3A_108 = arith.constant 0 : i32
    %dma_start3A_109 = tpu.memref_slice %arg10[%add3A, %dma_start3A_108] : memref<32x10240xf32, #tpu.memory_space<hbm>> -> memref<1x10240xf32, #tpu.memory_space<hbm>>
    %dma_start3A_110 = tpu.memref_squeeze %dma_start3A_109 : memref<1x10240xf32, #tpu.memory_space<hbm>> -> memref<10240xf32, #tpu.memory_space<hbm>>
    %dma_start3A_111 = arith.constant 0 : i32
    %dma_start3A_112 = tpu.memref_slice %arg10[%add3A, %dma_start3A_111] : memref<32x10240xf32, #tpu.memory_space<hbm>> -> memref<1x10240xf32, #tpu.memory_space<hbm>>
    %dma_start3A_113 = tpu.memref_squeeze %dma_start3A_112 : memref<1x10240xf32, #tpu.memory_space<hbm>> -> memref<10240xf32, #tpu.memory_space<hbm>>
    tpu.enqueue_dma source(%arg26 : memref<10240xf32, #tpu.memory_space<vmem>>) target(%dma_start3A_113 : memref<10240xf32, #tpu.memory_space<hbm>>) target_semaphore(%arg34 : memref<!tpu.dma_semaphore, #tpu.memory_space<semaphore_mem>>)
    %dma_start3A_114 = arith.constant 0 : i32
    %dma_start3A_115 = tpu.memref_slice %arg11[%add3A, %dma_start3A_114] : memref<32x10240xf32, #tpu.memory_space<hbm>> -> memref<1x10240xf32, #tpu.memory_space<hbm>>
    %dma_start3A_116 = tpu.memref_squeeze %dma_start3A_115 : memref<1x10240xf32, #tpu.memory_space<hbm>> -> memref<10240xf32, #tpu.memory_space<hbm>>
    %dma_start3A_117 = arith.constant 0 : i32
    %dma_start3A_118 = tpu.memref_slice %arg11[%add3A, %dma_start3A_117] : memref<32x10240xf32, #tpu.memory_space<hbm>> -> memref<1x10240xf32, #tpu.memory_space<hbm>>
    %dma_start3A_119 = tpu.memref_squeeze %dma_start3A_118 : memref<1x10240xf32, #tpu.memory_space<hbm>> -> memref<10240xf32, #tpu.memory_space<hbm>>
    tpu.enqueue_dma source(%arg27 : memref<10240xf32, #tpu.memory_space<vmem>>) target(%dma_start3A_119 : memref<10240xf32, #tpu.memory_space<hbm>>) target_semaphore(%arg35 : memref<!tpu.dma_semaphore, #tpu.memory_space<semaphore_mem>>)
    %dma_start3A_120 = arith.constant 0 : i32
    %dma_start3A_121 = tpu.memref_slice %arg12[%add3A, %dma_start3A_120] : memref<32x10240xf32, #tpu.memory_space<hbm>> -> memref<1x10240xf32, #tpu.memory_space<hbm>>
    %dma_start3A_122 = tpu.memref_squeeze %dma_start3A_121 : memref<1x10240xf32, #tpu.memory_space<hbm>> -> memref<10240xf32, #tpu.memory_space<hbm>>
    %dma_start3A_123 = arith.constant 0 : i32
    %dma_start3A_124 = tpu.memref_slice %arg12[%add3A, %dma_start3A_123] : memref<32x10240xf32, #tpu.memory_space<hbm>> -> memref<1x10240xf32, #tpu.memory_space<hbm>>
    %dma_start3A_125 = tpu.memref_squeeze %dma_start3A_124 : memref<1x10240xf32, #tpu.memory_space<hbm>> -> memref<10240xf32, #tpu.memory_space<hbm>>
    tpu.enqueue_dma source(%arg28 : memref<10240xf32, #tpu.memory_space<vmem>>) target(%dma_start3A_125 : memref<10240xf32, #tpu.memory_space<hbm>>) target_semaphore(%arg36 : memref<!tpu.dma_semaphore, #tpu.memory_space<semaphore_mem>>)
    %dma_start3A_126 = arith.constant 0 : i32
    %dma_start3A_127 = tpu.memref_slice %arg13[%add3A, %dma_start3A_126] : memref<32x10240xf32, #tpu.memory_space<hbm>> -> memref<1x10240xf32, #tpu.memory_space<hbm>>
    %dma_start3A_128 = tpu.memref_squeeze %dma_start3A_127 : memref<1x10240xf32, #tpu.memory_space<hbm>> -> memref<10240xf32, #tpu.memory_space<hbm>>
    %dma_start3A_129 = arith.constant 0 : i32
    %dma_start3A_130 = tpu.memref_slice %arg13[%add3A, %dma_start3A_129] : memref<32x10240xf32, #tpu.memory_space<hbm>> -> memref<1x10240xf32, #tpu.memory_space<hbm>>
    %dma_start3A_131 = tpu.memref_squeeze %dma_start3A_130 : memref<1x10240xf32, #tpu.memory_space<hbm>> -> memref<10240xf32, #tpu.memory_space<hbm>>
    tpu.enqueue_dma source(%arg29 : memref<10240xf32, #tpu.memory_space<vmem>>) target(%dma_start3A_131 : memref<10240xf32, #tpu.memory_space<hbm>>) target_semaphore(%arg37 : memref<!tpu.dma_semaphore, #tpu.memory_space<semaphore_mem>>)
    %dma_start3A_132 = arith.constant 0 : i32
    %dma_start3A_133 = tpu.memref_slice %arg14[%add3A, %dma_start3A_132] : memref<32x10240xf32, #tpu.memory_space<hbm>> -> memref<1x10240xf32, #tpu.memory_space<hbm>>
    %dma_start3A_134 = tpu.memref_squeeze %dma_start3A_133 : memref<1x10240xf32, #tpu.memory_space<hbm>> -> memref<10240xf32, #tpu.memory_space<hbm>>
    %dma_start3A_135 = arith.constant 0 : i32
    %dma_start3A_136 = tpu.memref_slice %arg14[%add3A, %dma_start3A_135] : memref<32x10240xf32, #tpu.memory_space<hbm>> -> memref<1x10240xf32, #tpu.memory_space<hbm>>
    %dma_start3A_137 = tpu.memref_squeeze %dma_start3A_136 : memref<1x10240xf32, #tpu.memory_space<hbm>> -> memref<10240xf32, #tpu.memory_space<hbm>>
    tpu.enqueue_dma source(%arg30 : memref<10240xf32, #tpu.memory_space<vmem>>) target(%dma_start3A_137 : memref<10240xf32, #tpu.memory_space<hbm>>) target_semaphore(%arg38 : memref<!tpu.dma_semaphore, #tpu.memory_space<semaphore_mem>>)
    %dma_wait3A_138 = arith.constant 0 : i32
    %dma_wait3A_139 = tpu.memref_slice %arg7[%add3A, %dma_wait3A_138] : memref<32x10240xf32, #tpu.memory_space<hbm>> -> memref<1x10240xf32, #tpu.memory_space<hbm>>
    %dma_wait3A_140 = tpu.memref_squeeze %dma_wait3A_139 : memref<1x10240xf32, #tpu.memory_space<hbm>> -> memref<10240xf32, #tpu.memory_space<hbm>>
    %dma_wait3A_141 = arith.constant 0 : i32
    %dma_wait3A_142 = tpu.memref_slice %arg7[%add3A, %dma_wait3A_141] : memref<32x10240xf32, #tpu.memory_space<hbm>> -> memref<1x10240xf32, #tpu.memory_space<hbm>>
    %dma_wait3A_143 = tpu.memref_squeeze %dma_wait3A_142 : memref<1x10240xf32, #tpu.memory_space<hbm>> -> memref<10240xf32, #tpu.memory_space<hbm>>
    tpu.wait_dma2 semaphore(%arg31 : memref<!tpu.dma_semaphore, #tpu.memory_space<semaphore_mem>>) src(%arg23 : memref<10240xf32, #tpu.memory_space<vmem>>) dst(%dma_wait3A_143 : memref<10240xf32, #tpu.memory_space<hbm>>)
    %dma_wait3A_144 = arith.constant 0 : i32
    %dma_wait3A_145 = tpu.memref_slice %arg8[%add3A, %dma_wait3A_144] : memref<32x10240xf32, #tpu.memory_space<hbm>> -> memref<1x10240xf32, #tpu.memory_space<hbm>>
    %dma_wait3A_146 = tpu.memref_squeeze %dma_wait3A_145 : memref<1x10240xf32, #tpu.memory_space<hbm>> -> memref<10240xf32, #tpu.memory_space<hbm>>
    %dma_wait3A_147 = arith.constant 0 : i32
    %dma_wait3A_148 = tpu.memref_slice %arg8[%add3A, %dma_wait3A_147] : memref<32x10240xf32, #tpu.memory_space<hbm>> -> memref<1x10240xf32, #tpu.memory_space<hbm>>
    %dma_wait3A_149 = tpu.memref_squeeze %dma_wait3A_148 : memref<1x10240xf32, #tpu.memory_space<hbm>> -> memref<10240xf32, #tpu.memory_space<hbm>>
    tpu.wait_dma2 semaphore(%arg32 : memref<!tpu.dma_semaphore, #tpu.memory_space<semaphore_mem>>) src(%arg24 : memref<10240xf32, #tpu.memory_space<vmem>>) dst(%dma_wait3A_149 : memref<10240xf32, #tpu.memory_space<hbm>>)
    %dma_wait3A_150 = arith.constant 0 : i32
    %dma_wait3A_151 = tpu.memref_slice %arg9[%add3A, %dma_wait3A_150] : memref<32x10240xf32, #tpu.memory_space<hbm>> -> memref<1x10240xf32, #tpu.memory_space<hbm>>
    %dma_wait3A_152 = tpu.memref_squeeze %dma_wait3A_151 : memref<1x10240xf32, #tpu.memory_space<hbm>> -> memref<10240xf32, #tpu.memory_space<hbm>>
    %dma_wait3A_153 = arith.constant 0 : i32
    %dma_wait3A_154 = tpu.memref_slice %arg9[%add3A, %dma_wait3A_153] : memref<32x10240xf32, #tpu.memory_space<hbm>> -> memref<1x10240xf32, #tpu.memory_space<hbm>>
    %dma_wait3A_155 = tpu.memref_squeeze %dma_wait3A_154 : memref<1x10240xf32, #tpu.memory_space<hbm>> -> memref<10240xf32, #tpu.memory_space<hbm>>
    tpu.wait_dma2 semaphore(%arg33 : memref<!tpu.dma_semaphore, #tpu.memory_space<semaphore_mem>>) src(%arg25 : memref<10240xf32, #tpu.memory_space<vmem>>) dst(%dma_wait3A_155 : memref<10240xf32, #tpu.memory_space<hbm>>)
    %dma_wait3A_156 = arith.constant 0 : i32
    %dma_wait3A_157 = tpu.memref_slice %arg10[%add3A, %dma_wait3A_156] : memref<32x10240xf32, #tpu.memory_space<hbm>> -> memref<1x10240xf32, #tpu.memory_space<hbm>>
    %dma_wait3A_158 = tpu.memref_squeeze %dma_wait3A_157 : memref<1x10240xf32, #tpu.memory_space<hbm>> -> memref<10240xf32, #tpu.memory_space<hbm>>
    %dma_wait3A_159 = arith.constant 0 : i32
    %dma_wait3A_160 = tpu.memref_slice %arg10[%add3A, %dma_wait3A_159] : memref<32x10240xf32, #tpu.memory_space<hbm>> -> memref<1x10240xf32, #tpu.memory_space<hbm>>
    %dma_wait3A_161 = tpu.memref_squeeze %dma_wait3A_160 : memref<1x10240xf32, #tpu.memory_space<hbm>> -> memref<10240xf32, #tpu.memory_space<hbm>>
    tpu.wait_dma2 semaphore(%arg34 : memref<!tpu.dma_semaphore, #tpu.memory_space<semaphore_mem>>) src(%arg26 : memref<10240xf32, #tpu.memory_space<vmem>>) dst(%dma_wait3A_161 : memref<10240xf32, #tpu.memory_space<hbm>>)
    %dma_wait3A_162 = arith.constant 0 : i32
    %dma_wait3A_163 = tpu.memref_slice %arg11[%add3A, %dma_wait3A_162] : memref<32x10240xf32, #tpu.memory_space<hbm>> -> memref<1x10240xf32, #tpu.memory_space<hbm>>
    %dma_wait3A_164 = tpu.memref_squeeze %dma_wait3A_163 : memref<1x10240xf32, #tpu.memory_space<hbm>> -> memref<10240xf32, #tpu.memory_space<hbm>>
    %dma_wait3A_165 = arith.constant 0 : i32
    %dma_wait3A_166 = tpu.memref_slice %arg11[%add3A, %dma_wait3A_165] : memref<32x10240xf32, #tpu.memory_space<hbm>> -> memref<1x10240xf32, #tpu.memory_space<hbm>>
    %dma_wait3A_167 = tpu.memref_squeeze %dma_wait3A_166 : memref<1x10240xf32, #tpu.memory_space<hbm>> -> memref<10240xf32, #tpu.memory_space<hbm>>
    tpu.wait_dma2 semaphore(%arg35 : memref<!tpu.dma_semaphore, #tpu.memory_space<semaphore_mem>>) src(%arg27 : memref<10240xf32, #tpu.memory_space<vmem>>) dst(%dma_wait3A_167 : memref<10240xf32, #tpu.memory_space<hbm>>)
    %dma_wait3A_168 = arith.constant 0 : i32
    %dma_wait3A_169 = tpu.memref_slice %arg12[%add3A, %dma_wait3A_168] : memref<32x10240xf32, #tpu.memory_space<hbm>> -> memref<1x10240xf32, #tpu.memory_space<hbm>>
    %dma_wait3A_170 = tpu.memref_squeeze %dma_wait3A_169 : memref<1x10240xf32, #tpu.memory_space<hbm>> -> memref<10240xf32, #tpu.memory_space<hbm>>
    %dma_wait3A_171 = arith.constant 0 : i32
    %dma_wait3A_172 = tpu.memref_slice %arg12[%add3A, %dma_wait3A_171] : memref<32x10240xf32, #tpu.memory_space<hbm>> -> memref<1x10240xf32, #tpu.memory_space<hbm>>
    %dma_wait3A_173 = tpu.memref_squeeze %dma_wait3A_172 : memref<1x10240xf32, #tpu.memory_space<hbm>> -> memref<10240xf32, #tpu.memory_space<hbm>>
    tpu.wait_dma2 semaphore(%arg36 : memref<!tpu.dma_semaphore, #tpu.memory_space<semaphore_mem>>) src(%arg28 : memref<10240xf32, #tpu.memory_space<vmem>>) dst(%dma_wait3A_173 : memref<10240xf32, #tpu.memory_space<hbm>>)
    %dma_wait3A_174 = arith.constant 0 : i32
    %dma_wait3A_175 = tpu.memref_slice %arg13[%add3A, %dma_wait3A_174] : memref<32x10240xf32, #tpu.memory_space<hbm>> -> memref<1x10240xf32, #tpu.memory_space<hbm>>
    %dma_wait3A_176 = tpu.memref_squeeze %dma_wait3A_175 : memref<1x10240xf32, #tpu.memory_space<hbm>> -> memref<10240xf32, #tpu.memory_space<hbm>>
    %dma_wait3A_177 = arith.constant 0 : i32
    %dma_wait3A_178 = tpu.memref_slice %arg13[%add3A, %dma_wait3A_177] : memref<32x10240xf32, #tpu.memory_space<hbm>> -> memref<1x10240xf32, #tpu.memory_space<hbm>>
    %dma_wait3A_179 = tpu.memref_squeeze %dma_wait3A_178 : memref<1x10240xf32, #tpu.memory_space<hbm>> -> memref<10240xf32, #tpu.memory_space<hbm>>
    tpu.wait_dma2 semaphore(%arg37 : memref<!tpu.dma_semaphore, #tpu.memory_space<semaphore_mem>>) src(%arg29 : memref<10240xf32, #tpu.memory_space<vmem>>) dst(%dma_wait3A_179 : memref<10240xf32, #tpu.memory_space<hbm>>)
    %dma_wait3A_180 = arith.constant 0 : i32
    %dma_wait3A_181 = tpu.memref_slice %arg14[%add3A, %dma_wait3A_180] : memref<32x10240xf32, #tpu.memory_space<hbm>> -> memref<1x10240xf32, #tpu.memory_space<hbm>>
    %dma_wait3A_182 = tpu.memref_squeeze %dma_wait3A_181 : memref<1x10240xf32, #tpu.memory_space<hbm>> -> memref<10240xf32, #tpu.memory_space<hbm>>
    %dma_wait3A_183 = arith.constant 0 : i32
    %dma_wait3A_184 = tpu.memref_slice %arg14[%add3A, %dma_wait3A_183] : memref<32x10240xf32, #tpu.memory_space<hbm>> -> memref<1x10240xf32, #tpu.memory_space<hbm>>
    %dma_wait3A_185 = tpu.memref_squeeze %dma_wait3A_184 : memref<1x10240xf32, #tpu.memory_space<hbm>> -> memref<10240xf32, #tpu.memory_space<hbm>>
    tpu.wait_dma2 semaphore(%arg38 : memref<!tpu.dma_semaphore, #tpu.memory_space<semaphore_mem>>) src(%arg30 : memref<10240xf32, #tpu.memory_space<vmem>>) dst(%dma_wait3A_185 : memref<10240xf32, #tpu.memory_space<hbm>>)
    return
  }
}

module attributes {stable_mosaic.version = 14 : i64} {
  func.func @_tc_tail_body(%arg0: i32, %arg1: memref<32x1024xf32, #tpu.memory_space<vmem>>, %arg2: memref<32x1024xf32, #tpu.memory_space<vmem>>, %arg3: memref<32x1024xf32, #tpu.memory_space<vmem>>, %arg4: memref<32x1024xf32, #tpu.memory_space<vmem>>, %arg5: memref<32x1024xf32, #tpu.memory_space<vmem>>, %arg6: memref<32x1024xf32, #tpu.memory_space<vmem>>, %arg7: memref<32x1024xf32, #tpu.memory_space<vmem>>, %arg8: memref<32x1024xf32, #tpu.memory_space<vmem>>, %arg9: memref<8x1024xf32, #tpu.memory_space<vmem>>, %arg10: memref<8x16x128xf32, #tpu.memory_space<vmem>>, %arg11: memref<8x128x8xf32, #tpu.memory_space<vmem>>, %arg12: memref<8x8xf32, #tpu.memory_space<vmem>>, %arg13: memref<8x1xf32, #tpu.memory_space<vmem>>, %arg14: memref<128x1xf32, #tpu.memory_space<vmem>>, %arg15: memref<8x1024xf32, #tpu.memory_space<vmem>>) attributes {dimension_semantics = [#tpu.dimension_semantics<arbitrary>], iteration_bounds = array<i64: 10>, scalar_prefetch = 0 : i64, scratch_operands = 0 : i64, tpu.core_type = #tpu.core_type<tc>, window_params = [{transform_indices = @transform_0, window_bounds = array<i64: 32, 1024>}, {transform_indices = @transform_1, window_bounds = array<i64: 32, 1024>}, {transform_indices = @transform_2, window_bounds = array<i64: 32, 1024>}, {transform_indices = @transform_3, window_bounds = array<i64: 32, 1024>}, {transform_indices = @transform_4, window_bounds = array<i64: 32, 1024>}, {transform_indices = @transform_5, window_bounds = array<i64: 32, 1024>}, {transform_indices = @transform_6, window_bounds = array<i64: 32, 1024>}, {transform_indices = @transform_7, window_bounds = array<i64: 32, 1024>}, {transform_indices = @transform_8, window_bounds = array<i64: 8, 1024>}, {pipeline_mode = #tpu.pipeline_mode<synchronous>, transform_indices = @transform_9, window_bounds = array<i64: 8, 16, 128>}, {pipeline_mode = #tpu.pipeline_mode<synchronous>, transform_indices = @transform_10, window_bounds = array<i64: 8, 128, 8>}, {pipeline_mode = #tpu.pipeline_mode<synchronous>, transform_indices = @transform_11, window_bounds = array<i64: 8, 8>}, {pipeline_mode = #tpu.pipeline_mode<synchronous>, transform_indices = @transform_12, window_bounds = array<i64: 8, 1>}, {pipeline_mode = #tpu.pipeline_mode<synchronous>, transform_indices = @transform_13, window_bounds = array<i64: 128, 1>}, {transform_indices = @transform_14, window_bounds = array<i64: 8, 1024>}]} {
    %get3A = arith.constant 0 : index
    %get3A_0 = arith.constant 0 : index
    %get3A_1 = vector.load %arg1[%get3A, %get3A_0] : memref<32x1024xf32, #tpu.memory_space<vmem>>, vector<32x1024xf32>
    %reshape3A = vector.shape_cast %get3A_1 : vector<32x1024xf32> to vector<2x2x8x1024xf32>
    %slice3A = vector.extract_strided_slice %reshape3A {offsets = [0, 0, 0, 0], sizes = [2, 1, 8, 1024], strides = [1, 1, 1, 1]} : vector<2x2x8x1024xf32> to vector<2x1x8x1024xf32>
    %squeeze3A = vector.shape_cast %slice3A : vector<2x1x8x1024xf32> to vector<2x8x1024xf32>
    %slice3A_2 = vector.extract_strided_slice %reshape3A {offsets = [0, 1, 0, 0], sizes = [2, 1, 8, 1024], strides = [1, 1, 1, 1]} : vector<2x2x8x1024xf32> to vector<2x1x8x1024xf32>
    %squeeze3A_3 = vector.shape_cast %slice3A_2 : vector<2x1x8x1024xf32> to vector<2x8x1024xf32>
    %add3A = arith.addf %squeeze3A, %squeeze3A_3 : vector<2x8x1024xf32>
    %get3A_4 = arith.constant 0 : index
    %get3A_5 = arith.constant 0 : index
    %get3A_6 = vector.load %arg2[%get3A_4, %get3A_5] : memref<32x1024xf32, #tpu.memory_space<vmem>>, vector<32x1024xf32>
    %reshape3A_7 = vector.shape_cast %get3A_6 : vector<32x1024xf32> to vector<2x2x8x1024xf32>
    %slice3A_8 = vector.extract_strided_slice %reshape3A_7 {offsets = [0, 0, 0, 0], sizes = [2, 1, 8, 1024], strides = [1, 1, 1, 1]} : vector<2x2x8x1024xf32> to vector<2x1x8x1024xf32>
    %squeeze3A_9 = vector.shape_cast %slice3A_8 : vector<2x1x8x1024xf32> to vector<2x8x1024xf32>
    %slice3A_10 = vector.extract_strided_slice %reshape3A_7 {offsets = [0, 1, 0, 0], sizes = [2, 1, 8, 1024], strides = [1, 1, 1, 1]} : vector<2x2x8x1024xf32> to vector<2x1x8x1024xf32>
    %squeeze3A_11 = vector.shape_cast %slice3A_10 : vector<2x1x8x1024xf32> to vector<2x8x1024xf32>
    %add3A_12 = arith.addf %squeeze3A_9, %squeeze3A_11 : vector<2x8x1024xf32>
    %get3A_13 = arith.constant 0 : index
    %get3A_14 = arith.constant 0 : index
    %get3A_15 = vector.load %arg3[%get3A_13, %get3A_14] : memref<32x1024xf32, #tpu.memory_space<vmem>>, vector<32x1024xf32>
    %reshape3A_16 = vector.shape_cast %get3A_15 : vector<32x1024xf32> to vector<2x2x8x1024xf32>
    %slice3A_17 = vector.extract_strided_slice %reshape3A_16 {offsets = [0, 0, 0, 0], sizes = [2, 1, 8, 1024], strides = [1, 1, 1, 1]} : vector<2x2x8x1024xf32> to vector<2x1x8x1024xf32>
    %squeeze3A_18 = vector.shape_cast %slice3A_17 : vector<2x1x8x1024xf32> to vector<2x8x1024xf32>
    %slice3A_19 = vector.extract_strided_slice %reshape3A_16 {offsets = [0, 1, 0, 0], sizes = [2, 1, 8, 1024], strides = [1, 1, 1, 1]} : vector<2x2x8x1024xf32> to vector<2x1x8x1024xf32>
    %squeeze3A_20 = vector.shape_cast %slice3A_19 : vector<2x1x8x1024xf32> to vector<2x8x1024xf32>
    %add3A_21 = arith.addf %squeeze3A_18, %squeeze3A_20 : vector<2x8x1024xf32>
    %get3A_22 = arith.constant 0 : index
    %get3A_23 = arith.constant 0 : index
    %get3A_24 = vector.load %arg4[%get3A_22, %get3A_23] : memref<32x1024xf32, #tpu.memory_space<vmem>>, vector<32x1024xf32>
    %reshape3A_25 = vector.shape_cast %get3A_24 : vector<32x1024xf32> to vector<2x2x8x1024xf32>
    %slice3A_26 = vector.extract_strided_slice %reshape3A_25 {offsets = [0, 0, 0, 0], sizes = [2, 1, 8, 1024], strides = [1, 1, 1, 1]} : vector<2x2x8x1024xf32> to vector<2x1x8x1024xf32>
    %squeeze3A_27 = vector.shape_cast %slice3A_26 : vector<2x1x8x1024xf32> to vector<2x8x1024xf32>
    %slice3A_28 = vector.extract_strided_slice %reshape3A_25 {offsets = [0, 1, 0, 0], sizes = [2, 1, 8, 1024], strides = [1, 1, 1, 1]} : vector<2x2x8x1024xf32> to vector<2x1x8x1024xf32>
    %squeeze3A_29 = vector.shape_cast %slice3A_28 : vector<2x1x8x1024xf32> to vector<2x8x1024xf32>
    %add3A_30 = arith.addf %squeeze3A_27, %squeeze3A_29 : vector<2x8x1024xf32>
    %get3A_31 = arith.constant 0 : index
    %get3A_32 = arith.constant 0 : index
    %get3A_33 = vector.load %arg5[%get3A_31, %get3A_32] : memref<32x1024xf32, #tpu.memory_space<vmem>>, vector<32x1024xf32>
    %reshape3A_34 = vector.shape_cast %get3A_33 : vector<32x1024xf32> to vector<2x2x8x1024xf32>
    %slice3A_35 = vector.extract_strided_slice %reshape3A_34 {offsets = [0, 0, 0, 0], sizes = [2, 1, 8, 1024], strides = [1, 1, 1, 1]} : vector<2x2x8x1024xf32> to vector<2x1x8x1024xf32>
    %squeeze3A_36 = vector.shape_cast %slice3A_35 : vector<2x1x8x1024xf32> to vector<2x8x1024xf32>
    %slice3A_37 = vector.extract_strided_slice %reshape3A_34 {offsets = [0, 1, 0, 0], sizes = [2, 1, 8, 1024], strides = [1, 1, 1, 1]} : vector<2x2x8x1024xf32> to vector<2x1x8x1024xf32>
    %squeeze3A_38 = vector.shape_cast %slice3A_37 : vector<2x1x8x1024xf32> to vector<2x8x1024xf32>
    %add3A_39 = arith.addf %squeeze3A_36, %squeeze3A_38 : vector<2x8x1024xf32>
    %get3A_40 = arith.constant 0 : index
    %get3A_41 = arith.constant 0 : index
    %get3A_42 = vector.load %arg6[%get3A_40, %get3A_41] : memref<32x1024xf32, #tpu.memory_space<vmem>>, vector<32x1024xf32>
    %reshape3A_43 = vector.shape_cast %get3A_42 : vector<32x1024xf32> to vector<2x2x8x1024xf32>
    %slice3A_44 = vector.extract_strided_slice %reshape3A_43 {offsets = [0, 0, 0, 0], sizes = [2, 1, 8, 1024], strides = [1, 1, 1, 1]} : vector<2x2x8x1024xf32> to vector<2x1x8x1024xf32>
    %squeeze3A_45 = vector.shape_cast %slice3A_44 : vector<2x1x8x1024xf32> to vector<2x8x1024xf32>
    %slice3A_46 = vector.extract_strided_slice %reshape3A_43 {offsets = [0, 1, 0, 0], sizes = [2, 1, 8, 1024], strides = [1, 1, 1, 1]} : vector<2x2x8x1024xf32> to vector<2x1x8x1024xf32>
    %squeeze3A_47 = vector.shape_cast %slice3A_46 : vector<2x1x8x1024xf32> to vector<2x8x1024xf32>
    %add3A_48 = arith.addf %squeeze3A_45, %squeeze3A_47 : vector<2x8x1024xf32>
    %get3A_49 = arith.constant 0 : index
    %get3A_50 = arith.constant 0 : index
    %get3A_51 = vector.load %arg7[%get3A_49, %get3A_50] : memref<32x1024xf32, #tpu.memory_space<vmem>>, vector<32x1024xf32>
    %reshape3A_52 = vector.shape_cast %get3A_51 : vector<32x1024xf32> to vector<2x2x8x1024xf32>
    %slice3A_53 = vector.extract_strided_slice %reshape3A_52 {offsets = [0, 0, 0, 0], sizes = [2, 1, 8, 1024], strides = [1, 1, 1, 1]} : vector<2x2x8x1024xf32> to vector<2x1x8x1024xf32>
    %squeeze3A_54 = vector.shape_cast %slice3A_53 : vector<2x1x8x1024xf32> to vector<2x8x1024xf32>
    %slice3A_55 = vector.extract_strided_slice %reshape3A_52 {offsets = [0, 1, 0, 0], sizes = [2, 1, 8, 1024], strides = [1, 1, 1, 1]} : vector<2x2x8x1024xf32> to vector<2x1x8x1024xf32>
    %squeeze3A_56 = vector.shape_cast %slice3A_55 : vector<2x1x8x1024xf32> to vector<2x8x1024xf32>
    %add3A_57 = arith.addf %squeeze3A_54, %squeeze3A_56 : vector<2x8x1024xf32>
    %get3A_58 = arith.constant 0 : index
    %get3A_59 = arith.constant 0 : index
    %get3A_60 = vector.load %arg8[%get3A_58, %get3A_59] : memref<32x1024xf32, #tpu.memory_space<vmem>>, vector<32x1024xf32>
    %reshape3A_61 = vector.shape_cast %get3A_60 : vector<32x1024xf32> to vector<2x2x8x1024xf32>
    %slice3A_62 = vector.extract_strided_slice %reshape3A_61 {offsets = [0, 0, 0, 0], sizes = [2, 1, 8, 1024], strides = [1, 1, 1, 1]} : vector<2x2x8x1024xf32> to vector<2x1x8x1024xf32>
    %squeeze3A_63 = vector.shape_cast %slice3A_62 : vector<2x1x8x1024xf32> to vector<2x8x1024xf32>
    %slice3A_64 = vector.extract_strided_slice %reshape3A_61 {offsets = [0, 1, 0, 0], sizes = [2, 1, 8, 1024], strides = [1, 1, 1, 1]} : vector<2x2x8x1024xf32> to vector<2x1x8x1024xf32>
    %squeeze3A_65 = vector.shape_cast %slice3A_64 : vector<2x1x8x1024xf32> to vector<2x8x1024xf32>
    %add3A_66 = arith.addf %squeeze3A_63, %squeeze3A_65 : vector<2x8x1024xf32>
    %get3A_67 = arith.constant 0 : index
    %get3A_68 = arith.constant 0 : index
    %get3A_69 = vector.load %arg14[%get3A_67, %get3A_68] : memref<128x1xf32, #tpu.memory_space<vmem>>, vector<128x1xf32>
    %get3A_70 = arith.constant 0 : index
    %get3A_71 = arith.constant 0 : index
    %get3A_72 = vector.load %arg12[%get3A_70, %get3A_71] : memref<8x8xf32, #tpu.memory_space<vmem>>, vector<8x8xf32>
    %get3A_73 = arith.constant 0 : index
    %get3A_74 = arith.constant 0 : index
    %get3A_75 = vector.load %arg9[%get3A_73, %get3A_74] : memref<8x1024xf32, #tpu.memory_space<vmem>>, vector<8x1024xf32>
    %dot_general3A = arith.constant dense<0.000000e+00> : vector<8x1024xf32>
    %dot_general3A_76 = tpu.matmul %get3A_72, %get3A_75, %dot_general3A {dimension_numbers = #tpu.dot_dimension_numbers<[0], [0], [1], [1], [0, 1, 1, 1], [], []>, transpose_lhs_hint = false} : vector<8x8xf32>, vector<8x1024xf32>, vector<8x1024xf32> -> vector<8x1024xf32>
    %transpose3A = tpu.transpose %add3A, [1, 0, 2] : vector<2x8x1024xf32> -> vector<8x2x1024xf32>
    %transpose3A_77 = tpu.transpose %add3A_12, [1, 0, 2] : vector<2x8x1024xf32> -> vector<8x2x1024xf32>
    %transpose3A_78 = tpu.transpose %add3A_21, [1, 0, 2] : vector<2x8x1024xf32> -> vector<8x2x1024xf32>
    %transpose3A_79 = tpu.transpose %add3A_30, [1, 0, 2] : vector<2x8x1024xf32> -> vector<8x2x1024xf32>
    %concatenate3A = tpu.concatenate %transpose3A, %transpose3A_77, %transpose3A_78, %transpose3A_79 in 1 : vector<8x2x1024xf32>, vector<8x2x1024xf32>, vector<8x2x1024xf32>, vector<8x2x1024xf32> -> vector<8x8x1024xf32>
    %transpose3A_80 = tpu.transpose %add3A_39, [1, 0, 2] : vector<2x8x1024xf32> -> vector<8x2x1024xf32>
    %transpose3A_81 = tpu.transpose %add3A_48, [1, 0, 2] : vector<2x8x1024xf32> -> vector<8x2x1024xf32>
    %transpose3A_82 = tpu.transpose %add3A_57, [1, 0, 2] : vector<2x8x1024xf32> -> vector<8x2x1024xf32>
    %transpose3A_83 = tpu.transpose %add3A_66, [1, 0, 2] : vector<2x8x1024xf32> -> vector<8x2x1024xf32>
    %concatenate3A_84 = tpu.concatenate %transpose3A_80, %transpose3A_81, %transpose3A_82, %transpose3A_83 in 1 : vector<8x2x1024xf32>, vector<8x2x1024xf32>, vector<8x2x1024xf32>, vector<8x2x1024xf32> -> vector<8x8x1024xf32>
    %add3A_85 = arith.constant 1.000000e-16 : f32
    %add3A_86 = vector.broadcast %add3A_85 : f32 to vector<8x8x1024xf32>
    %add3A_87 = arith.addf %concatenate3A, %add3A_86 : vector<8x8x1024xf32>
    %div3A = arith.constant 1.000000e+00 : f32
    %div3A_88 = vector.broadcast %div3A : f32 to vector<8x8x1024xf32>
    %div3A_89 = arith.divf %div3A_88, %add3A_87 : vector<8x8x1024xf32>
    %mul3A = arith.mulf %concatenate3A_84, %div3A_89 : vector<8x8x1024xf32>
    %mul3A_90 = arith.mulf %concatenate3A, %div3A_89 : vector<8x8x1024xf32>
    %concatenate3A_91 = tpu.concatenate %mul3A, %mul3A_90 in 1 : vector<8x8x1024xf32>, vector<8x8x1024xf32> -> vector<8x16x1024xf32>
    %get3A_92 = arith.constant 0 : index
    %get3A_93 = arith.constant 0 : index
    %get3A_94 = arith.constant 0 : index
    %get3A_95 = vector.load %arg10[%get3A_92, %get3A_93, %get3A_94] : memref<8x16x128xf32, #tpu.memory_space<vmem>>, vector<8x16x128xf32>
    %dot_general3A_96 = arith.constant dense<0.000000e+00> : vector<8x128x1024xf32>
    %dot_general3A_97 = tpu.matmul %get3A_95, %concatenate3A_91, %dot_general3A_96 {dimension_numbers = #tpu.dot_dimension_numbers<[1], [1], [2], [2], [0, 0, 0, 2, 1, 2], [0], [0]>, transpose_lhs_hint = false} : vector<8x16x128xf32>, vector<8x16x1024xf32>, vector<8x128x1024xf32> -> vector<8x128x1024xf32>
    %broadcast_in_dim3A = vector.shape_cast %get3A_69 : vector<128x1xf32> to vector<1x128x1xf32>
    %add3A_98 = vector.broadcast %broadcast_in_dim3A : vector<1x128x1xf32> to vector<8x128x1024xf32>
    %add3A_99 = arith.addf %dot_general3A_97, %add3A_98 : vector<8x128x1024xf32>
    %max3A = arith.constant 0.000000e+00 : f32
    %max3A_100 = vector.broadcast %max3A : f32 to vector<8x128x1024xf32>
    %max3A_101 = arith.maximumf %add3A_99, %max3A_100 : vector<8x128x1024xf32>
    %get3A_102 = arith.constant 0 : index
    %get3A_103 = arith.constant 0 : index
    %get3A_104 = arith.constant 0 : index
    %get3A_105 = vector.load %arg11[%get3A_102, %get3A_103, %get3A_104] : memref<8x128x8xf32, #tpu.memory_space<vmem>>, vector<8x128x8xf32>
    %dot_general3A_106 = arith.constant dense<0.000000e+00> : vector<8x8x1024xf32>
    %dot_general3A_107 = tpu.matmul %get3A_105, %max3A_101, %dot_general3A_106 {dimension_numbers = #tpu.dot_dimension_numbers<[1], [1], [2], [2], [0, 0, 0, 2, 1, 2], [0], [0]>, transpose_lhs_hint = false} : vector<8x128x8xf32>, vector<8x128x1024xf32>, vector<8x8x1024xf32> -> vector<8x8x1024xf32>
    %reduce_sum3A = arith.constant dense<0.000000e+00> : vector<8x1024xf32>
    %reduce_sum3A_108 = vector.multi_reduction <add>, %dot_general3A_107, %reduce_sum3A [0] : vector<8x8x1024xf32> to vector<8x1024xf32>
    %add3A_109 = arith.addf %dot_general3A_76, %reduce_sum3A_108 : vector<8x1024xf32>
    %get3A_110 = arith.constant 0 : index
    %get3A_111 = arith.constant 0 : index
    %get3A_112 = vector.load %arg13[%get3A_110, %get3A_111] : memref<8x1xf32, #tpu.memory_space<vmem>>, vector<8x1xf32>
    %add3A_113 = vector.broadcast %get3A_112 : vector<8x1xf32> to vector<8x1024xf32>
    %add3A_114 = arith.addf %add3A_109, %add3A_113 : vector<8x1024xf32>
    %swap3A = arith.constant 0 : index
    %swap3A_115 = arith.constant 0 : index
    %swap3A_116 = vector.load %arg15[%swap3A, %swap3A_115] : memref<8x1024xf32, #tpu.memory_space<vmem>>, vector<8x1024xf32>
    tpu.vector_store %arg15[%swap3A, %swap3A_115], %add3A_114 {strides = array<i32>} : memref<8x1024xf32, #tpu.memory_space<vmem>>, vector<8x1024xf32>,
    return
  }
  func.func @transform_0(%arg0: i32) -> (i32, i32) {
    %c0_i32 = arith.constant 0 : i32
    %c0_i32_0 = arith.constant 0 : i32
    return %c0_i32, %arg0 : i32, i32
  }
  func.func @transform_1(%arg0: i32) -> (i32, i32) {
    %c0_i32 = arith.constant 0 : i32
    %c0_i32_0 = arith.constant 0 : i32
    return %c0_i32, %arg0 : i32, i32
  }
  func.func @transform_2(%arg0: i32) -> (i32, i32) {
    %c0_i32 = arith.constant 0 : i32
    %c0_i32_0 = arith.constant 0 : i32
    return %c0_i32, %arg0 : i32, i32
  }
  func.func @transform_3(%arg0: i32) -> (i32, i32) {
    %c0_i32 = arith.constant 0 : i32
    %c0_i32_0 = arith.constant 0 : i32
    return %c0_i32, %arg0 : i32, i32
  }
  func.func @transform_4(%arg0: i32) -> (i32, i32) {
    %c0_i32 = arith.constant 0 : i32
    %c0_i32_0 = arith.constant 0 : i32
    return %c0_i32, %arg0 : i32, i32
  }
  func.func @transform_5(%arg0: i32) -> (i32, i32) {
    %c0_i32 = arith.constant 0 : i32
    %c0_i32_0 = arith.constant 0 : i32
    return %c0_i32, %arg0 : i32, i32
  }
  func.func @transform_6(%arg0: i32) -> (i32, i32) {
    %c0_i32 = arith.constant 0 : i32
    %c0_i32_0 = arith.constant 0 : i32
    return %c0_i32, %arg0 : i32, i32
  }
  func.func @transform_7(%arg0: i32) -> (i32, i32) {
    %c0_i32 = arith.constant 0 : i32
    %c0_i32_0 = arith.constant 0 : i32
    return %c0_i32, %arg0 : i32, i32
  }
  func.func @transform_8(%arg0: i32) -> (i32, i32) {
    %c0_i32 = arith.constant 0 : i32
    %c0_i32_0 = arith.constant 0 : i32
    return %c0_i32, %arg0 : i32, i32
  }
  func.func @transform_9(%arg0: i32) -> (i32, i32, i32) {
    %c0_i32 = arith.constant 0 : i32
    %c0_i32_0 = arith.constant 0 : i32
    %c0_i32_1 = arith.constant 0 : i32
    %c0_i32_2 = arith.constant 0 : i32
    return %c0_i32, %c0_i32_0, %c0_i32_1 : i32, i32, i32
  }
  func.func @transform_10(%arg0: i32) -> (i32, i32, i32) {
    %c0_i32 = arith.constant 0 : i32
    %c0_i32_0 = arith.constant 0 : i32
    %c0_i32_1 = arith.constant 0 : i32
    %c0_i32_2 = arith.constant 0 : i32
    return %c0_i32, %c0_i32_0, %c0_i32_1 : i32, i32, i32
  }
  func.func @transform_11(%arg0: i32) -> (i32, i32) {
    %c0_i32 = arith.constant 0 : i32
    %c0_i32_0 = arith.constant 0 : i32
    %c0_i32_1 = arith.constant 0 : i32
    return %c0_i32, %c0_i32_0 : i32, i32
  }
  func.func @transform_12(%arg0: i32) -> (i32, i32) {
    %c0_i32 = arith.constant 0 : i32
    %c0_i32_0 = arith.constant 0 : i32
    %c0_i32_1 = arith.constant 0 : i32
    return %c0_i32, %c0_i32_0 : i32, i32
  }
  func.func @transform_13(%arg0: i32) -> (i32, i32) {
    %c0_i32 = arith.constant 0 : i32
    %c0_i32_0 = arith.constant 0 : i32
    %c0_i32_1 = arith.constant 0 : i32
    return %c0_i32, %c0_i32_0 : i32, i32
  }
  func.func @transform_14(%arg0: i32) -> (i32, i32) {
    %c0_i32 = arith.constant 0 : i32
    %c0_i32_0 = arith.constant 0 : i32
    return %c0_i32, %arg0 : i32, i32
  }
}

</mosaic_0001>

<sc_bundles>
// kernel: kernel.4.cloned.1.call-start
scs
__scs_entry_jumppad:
0x0: {  	(pc) =	sbr.rel $0x88, $3  }
0x1: {  	(tag) =	ssettag $0x0;
	lr =	simm.s32 $0x1  }
0x2: {  	[smem:$0x3F95] =	sst lr;
	_ =	strace $0xD0000000  }
0x3: {  	_ = 	snop  }
0x4: {  	_ = 	snop  }
0x5: {  	_ = 	snop  }
0x6: {  	_ = 	snop  }
0x7: {  	_ = 	snop  }
__scs_overlays_trampoline_lowered:
0x8: {  	[smem:$0x3FA4] =	sst s0  }
0x9: {  	[smem:$0x3FA5] =	sst s1  }
0xa: {  	[smem:$0x3FA6] =	sst s2  }
0xb: {  	[smem:$0x3FA7] =	sst s3  }
0xc: {  	[smem:$0x3FA8] =	sst s4  }
0xd: {  	[smem:$0x3FA9] =	sst s5  }
0xe: {  	[smem:$0x3FAA] =	sst s6  }
0xf: {  	[smem:$0x3FAB] =	sst s7  }
0x10: {  	[smem:$0x3FAC] =	sst s8  }
0x11: {  	[smem:$0x3FAD] =	sst s9;
	s0 =	simm.s32 @!p0 $0x0  }
0x12: {  	s1 =	sld [smem:$0x3F93];
	s0 =	simm.s32 @p0 $0x1  }
0x13: {  	[smem:$0x3FAE] =	sst s0;
	s0 =	simm.s32 @!p1 $0x0  }
0x14: {  	s2 =	sld [smem:$0x3F92];
	s0 =	simm.s32 @p1 $0x1  }
0x15: {  	[smem:$0x3FAF] =	sst s0;
	s0 =	simm.s32 @!p2 $0x0  }
0x16: {  	s3 =	sld [smem:$0x3FDB];
	s0 =	simm.s32 @p2 $0x1  }
0x17: {  	s4 =	simm.s32 $0x1BF5;
	[smem:$0x3FB1] =	sst s0  }
0x18: {  	s0 =	sld [smem:$0x3F94];
	_ =	swait.ge [sflag:s4], $0x0  }
0x19: {  	s7 =	sld [smem:$0x3F95]  }
0x1a: {  	s8 =	sadd.s32 $0xFFFFE003, lr  }
0x1b: {  	s9 =	sadd.s32 $0xFFFFFEF7, lr;
	s5 =	simm.s32 $0xFFFFFFFF;
	p2 =	slt.u32 s8, $0xFFFFF086  }
0x1c: {  	p1 =	slt.u32 s9, $0xF7A;
	s5 =	simm.s32 @!p2 $0x0  }
0x1d: {  	s5 =	simm.s32 @p1 $0x1;
	p0 =	seq.s32 s7, s2  }
0x1e: {  	s7 =	smul.u32 @!p0 $0xF7A, s2;
	p2 =	seq.s32 @!p0 s5, $0x0  }
0x1f: {  	s9 =	smul.u32 $0xF7A, s1;
	s8 =	simm.s32 @!p0 $0x1BF5;
	p2 =	por !p2, p0  }
0x20: {  	[sflag:s8] =	ssyncset.s32 @!p0 $0xFFFFF086;
	s6 =	sadd.s32 @!p0 s3, s7;
	s7 =	simm.s32 @!p0 $0x108  }
0x21: {  	s3 =	sadd.s32 s3, s9;
	s6 =	sadd.s32 @!p0 $0x88, s6;
	s7 =	simm.s32 @p2 $0x1082  }
0x22: {  	[simem:s7], [sflag:s8] =	dma.local @!p0 [hbm:s6], $0xF7A  }
0x23: {  	s9 =	sor.u32 $0xD0000000, s2;
	s6 =	simm.s32 $0x108;
	_ =	swait.ge @!p0 [sflag:s8], $0x0  }
0x24: {  	s3 =	sadd.s32 $0x88, s3;
	s6 =	simm.s32 @!p1 $0x1082;
	[sflag:s4] =	ssyncset.s32 $0xFFFFF086  }
0x25: {  	[simem:s6], [sflag:s4] =	dma.local [hbm:s3], $0xF7A  }
0x26: {  	[smem:$0x3F95] =	sst s1;
	(tag) =	ssettag s2;
	_ =	strace s9  }
0x27: {  	s1 =	sld [smem:$0x3FA5]  }
0x28: {  	s2 =	sld [smem:$0x3FA6]  }
0x29: {  	s4 =	sld [smem:$0x3FA8]  }
0x2a: {  	p0 =	seq.s32 s5, $0x0;
	s5 =	sld [smem:$0x3FA9]  }
0x2b: {  	s6 =	sld [smem:$0x3FAA]  }
0x2c: {  	s7 =	sld [smem:$0x3FAB]  }
0x2d: {  	s3 =	simm.s32 $0x108;
	s8 =	sld [smem:$0x3FAC]  }
0x2e: {  	s3 =	simm.s32 @!p0 $0x1082;
	s9 =	sld [smem:$0x3FAD]  }
0x2f: {  	lr =	sadd.s32 s0, s3;
	s0 =	sld [smem:$0x3FA4]  }
0x30: {  	s3 =	sld [smem:$0x3FA7]  }
0x31: {  	[smem:$0x3FB0] =	sst s10  }
0x32: {  	s10 =	sld [smem:$0x3FAE];
	_ =	sdelay $0x3  }
0x33: {  	p0 =	seq.s32 s10, $0x1;
	s10 =	sld [smem:$0x3FB0];
	_ =	sdelay $0x3  }
0x34: {  	[smem:$0x3FB0] =	sst s10  }
0x35: {  	s10 =	sld [smem:$0x3FAF];
	_ =	sdelay $0x3  }
0x36: {  	p1 =	seq.s32 s10, $0x1;
	s10 =	sld [smem:$0x3FB0];
	_ =	sdelay $0x3  }
0x37: {  	[smem:$0x3FB0] =	sst s10  }
0x38: {  	s10 =	sld [smem:$0x3FB1]  }
0x39: {  	_ = 	snop;
	(pc) =	sbr.ind lr, $3  }
0x3a: {  	_ = 	snop  }
0x3b: {  	_ = 	snop  }
0x3c: {  	p2 =	seq.s32 s10, $0x1;
	s10 =	sld [smem:$0x3FB0]  }
0x3d: {  	_ =	shalt  }
0x3e: {  	_ =	shalt  }
0x3f: {  	_ =	shalt  }
0x40: {  	_ =	shalt  }
0x41: {  	_ =	shalt  }
0x42: {  	_ =	shalt  }
0x43: {  	_ =	shalt  }
0x44: {  	_ =	shalt  }
0x45: {  	_ =	shalt  }
0x46: {  	_ =	shalt  }
0x47: {  	_ =	shalt  }
0x48: {  	_ =	shalt  }
0x49: {  	_ =	shalt  }
0x4a: {  	_ =	shalt  }
0x4b: {  	_ =	shalt  }
0x4c: {  	_ =	shalt  }
0x4d: {  	_ =	shalt  }
0x4e: {  	_ =	shalt  }
0x4f: {  	_ =	shalt  }
0x50: {  	_ =	shalt  }
0x51: {  	_ =	shalt  }
0x52: {  	_ =	shalt  }
0x53: {  	_ =	shalt  }
0x54: {  	_ =	shalt  }
0x55: {  	_ =	shalt  }
0x56: {  	_ =	shalt  }
0x57: {  	_ =	shalt  }
0x58: {  	_ =	shalt  }
0x59: {  	_ =	shalt  }
0x5a: {  	_ =	shalt  }
0x5b: {  	_ =	shalt  }
0x5c: {  	_ =	shalt  }
0x5d: {  	_ =	shalt  }
0x5e: {  	_ =	shalt  }
0x5f: {  	_ =	shalt  }
0x60: {  	_ =	shalt  }
0x61: {  	_ =	shalt  }
0x62: {  	_ =	shalt  }
0x63: {  	_ =	shalt  }
0x64: {  	_ =	shalt  }
0x65: {  	_ =	shalt  }
0x66: {  	_ =	shalt  }
0x67: {  	_ =	shalt  }
0x68: {  	_ =	shalt  }
0x69: {  	_ =	shalt  }
0x6a: {  	_ =	shalt  }
0x6b: {  	_ =	shalt  }
0x6c: {  	_ =	shalt  }
0x6d: {  	_ =	shalt  }
0x6e: {  	_ =	shalt  }
0x6f: {  	_ =	shalt  }
0x70: {  	_ =	shalt  }
0x71: {  	_ =	shalt  }
0x72: {  	_ =	shalt  }
0x73: {  	_ =	shalt  }
0x74: {  	_ =	shalt  }
0x75: {  	_ =	shalt  }
0x76: {  	_ =	shalt  }
0x77: {  	_ =	shalt  }
0x78: {  	_ =	shalt  }
0x79: {  	_ =	shalt  }
0x7a: {  	_ =	shalt  }
0x7b: {  	_ =	shalt  }
0x7c: {  	_ =	shalt  }
0x7d: {  	_ =	shalt  }
0x7e: {  	_ =	shalt  }
0x7f: {  	_ =	shalt  }
0x80: {  	_ =	shalt  }
0x81: {  	_ =	shalt  }
0x82: {  	_ =	shalt  }
0x83: {  	_ =	shalt  }
0x84: {  	_ =	shalt  }
0x85: {  	_ =	shalt  }
0x86: {  	_ =	shalt  }
0x87: {  	_ =	shalt  }
.Lfunc_end0:
.L_simem_size_0:
called_computation_lowered:
.L_overlay_start_0:
0x88: {  	s2 =	sld [smem:$0x3FD9]  }
0x89: {  	s3 =	sld [smem:$0x3FFE];
	_ =	sdelay $0x1  }
0x8a: {  	s1 =	srdreg.scid  }
0x8b: {  	s0 =	sand.u32 $0x1, s1  }
0x8c: {  	s17 =	sshll.u32 s0, $0xA;
	s2 =	sadd.s32 s3, s2  }
0x8d: {  	s2 =	sadd.s32 s2, s17  }
0x8e: {  	[smem:$0x3FBC] =	sst s2  }
0x8f: {  	_ = 	snop  }
0x90: {  	s2 =	sld [smem:$0x3FC7]  }
0x91: {  	s18 =	sld [smem:$0x3FD0];
	(tm) =	ssettm $0x1  }
0x92: {  	s4 =	sld [smem:$0x3FFB];
	_ =	sdelay $0x3  }
0x93: {  	_ =	strace s4  }
0x94: {  	s4 =	sld [smem:$0x3FFC];
	_ =	sdelay $0x3  }
0x95: {  	_ =	strace s4  }
0x96: {  	s4 =	sld [smem:$0x3FFD];
	_ =	sdelay $0x3  }
0x97: {  	_ =	strace s4  }
0x98: {  	_ =	strace $0x8FFFFFFF  }
0x99: {  	s19 =	sld [smem:$0x3FDB];
	_ =	sdelay $0x1  }
0x9a: {  	s5 =	simm.s32 $_scs_section_size  }
0x9b: {  	s6 =	simm.s32 $_size__tile_overlayer_lowered;
	s7 =	simm.s32 $_tile_overlayer_lowered  }
0x9c: {  	s22 =	simm.s32 $0x1BFF;
	s21 =	sshll.u32 s7, $0x1;
	s4 =	sadd.s32 s5, s19  }
0x9d: {  	s8 =	simm.s32 $0x0;
	s20 =	sshll.u32 s6, $0x1;
	s6 =	sadd.s32 s21, s4  }
0x9e: {  	[timem:s8], [sflag:s22] =	dma.local [hbm:s6], s20  }
0x9f: {  	_ =	swait.ge [sflag:s22], s20  }
0xa0: {  	s5 =	ssub.s32 $0x0, s20;
	[sflag:s22] =	ssyncset.done $0x0  }
0xa1: {  	[sflag:s22] =	ssyncadd.s32 s5;
	_ =	sdelay $0x1  }
0xa2: {  	s23 =	simm.s32 $0x1B8B  }
0xa3: {  	_ =	swait.ge [sflag:s23], $0x1  }
0xa4: {  	[sflag:s23] =	ssyncset.done $0x0  }
0xa5: {  	s25 =	simm.s32 $0x1B8E;
	s24 =	sld [smem:$0x3FFE];
	[sflag:s23] =	ssyncadd.s32 $0xFFFFFFFF  }
0xa6: {  	s26 =	simm.s32 $execute0_lowered;
	[smem:$0x3FD2] =	sst s25  }
0xa7: {  	s6 =	sshll.u32 s26, $0x1;
	_ =	strace $0x80000046;
	[dreg:$0x1] =	wrdreg $0xFFFFFFFF  }
0xa8: {  	s28 =	simm.s32 $_size_execute0_lowered;
	s4 =	sadd.s32 s4, s6;
	[dreg:$0x0] =	wrdreg $0x0  }
0xa9: {  	s6 =	sshll.u32 s28, $0x1;
	[dreg:$0x2] =	wrdreg s4  }
0xaa: {  	[dreg:$0x3] =	wrdreg s6  }
0xab: {  	[dreg:$0x4] =	wrdreg $0xC0  }
0xac: {  	_ =	task [dreg:s8], $0x5FFFF  }
0xad: {  	[dreg:$0x1] =	wrdreg $0xFFFFFFFF  }
0xae: {  	[dreg:$0x0] =	wrdreg $0x60  }
0xaf: {  	[dreg:$0x2] =	wrdreg s18  }
0xb0: {  	[dreg:$0x3] =	wrdreg s24  }
0xb1: {  	[dreg:$0x4] =	wrdreg s2  }
0xb2: {  	[dreg:$0x5] =	wrdreg $0x9  }
0xb3: {  	_ =	task.clear_ibuf [dreg:s8], $0x6FFFF;
	_ =	strace $0x90000046  }
0xb4: {  	s29 =	simm.s32 $0x9;
	_ =	strace $0x80000048  }
0xb5: {  	_ =	swait.ge [sflag:s29], $0x1  }
0xb6: {  	[sflag:s29] =	ssyncadd.s32 $0xFFFFFFFF  }
0xb7: {  	_ =	strace $0x90000048  }
0xb8: {  	_ =	sfence  }
0xb9: {  	s30 =	sld [smem:$0x0];
	_ =	sdelay $0x2  }
0xba: {  	s31 =	sshll.u32 s1, $0xD;
	s1 =	sshrl.u32 s1, $0x2  }
0xbb: {  	s3 =	sand.u32 $0x4000, s31;
	s1 =	sadd.s32 s1, s30  }
0xbc: {  	s0 =	sor.u32 s3, s0;
	s1 =	sshll.u32 s1, $0x11  }
0xbd: {  	s0 =	sor.u32 s1, s0  }
0xbe: {  	s0 =	sadd.s32 $0x8F2B, s0  }
0xbf: {  	[sflag:s0] =	ssyncadd.remote.s32 $0x1  }
0xc0: {  	_ =	sfence.sel $0xFFFF  }
0xc1: {  	[dreg:$0x0] =	wrdreg $0xFFFFFFFF;
	(pc) =	sbr.abs _section_cstart, $3  }
0xc2: {  	[dreg:$0x1] =	wrdreg $0xFFFFFFFF  }
0xc3: {  	_ =	task.clear_ibuf [dreg:s8], $0x2FFFF;
	_ =	strace $0x9FFFFFFF  }
0xc4: {  	(tm) =	ssettm $0x7FFFFFFF  }
0xc5: {  	_ =	shalt  }
tec
execute0_lowered:
.L_overlay_start_1:
0x0: {  	(tag) =	ssettag $0x1  }
0x1: {  	s0 =	srdreg.scid;
	s9 =	stileid.u32  }
0x2: {  	s7 =	rddreg [dreg:$0x0];
	s30 =	simm.s32 $0x2F80;
	s31 =	simm.s32 $0x3F80  }
0x3: {  	s29 =	simm.s32 $0x2;
	s0 =	sand.u32 $0x1, s0;
	s1 =	sshll.u32 s9, $0x1  }
0x4: {  	s2 =	sshrl.u32 s9, $0x3;
	s9 =	sshrl.u32 s9, $0x2;
	s1 =	sor.u32 s0, s1  }
0x5: {  	s3 =	sshll.u32 s2, $0x4;
	s2 =	sshll.u32 s2, $0xB;
	s12 =	smul.u32 $0x14000, s9  }
0x6: {  	s0 =	ssub.s32 $0x2, s0;
	s6 =	ssub.s32 s1, s3;
	p0 =	sne.s32 s1, s3  }
0x7: {  	s3 =	simm.s32 $0x1;
	s10 =	sand.u32 $0x7, s1;
	s1 =	sshll.u32 s1, $0x7  }
0x8: {  	s13 =	sshrl.u32 s0, $0x1;
	s4 =	sshra.s32 s6, $0x1F;
	s3 =	simm.s32 @!p0 $0x0  }
0x9: {  	s5 =	sshrl.u32 s6, $0xC;
	p1 =	sne.s32 s10, $0x0;
	s10 =	rddreg [dreg:$0x1]  }
0xa: {  	s1 =	sand.u32 $0x380, s1;
	s0 =	ssub.s32 s0, s13;
	s13 =	simm.s32 $0xD780  }
0xb: {  	s3 =	sor.u32 s3, s4;
	s11 =	sand.u32 $0x7, s5;
	s5 =	simm.s32 $0x1  }
0xc: {  	s4 =	simm.s32 $0x0;
	s1 =	sor.u32 s12, s1;
	p6 =	sne.s32 s3, $0x1  }
0xd: {  	s3 =	sadd.s32 s11, s6;
	s11 =	rddreg [dreg:$0x2];
	s1 =	sshrl.u32 s1, $0x3  }
0xe: {  	s0 =	smax.u32 s0, $0x1;
	[smem:$0x7FF] =	sst s4;
	s1 =	sadd.s32 s1, s10  }
0xf: {  	_ =	strace $0x80000047;
	[dreg:$0x16] =	wrdreg s0;
	s19 =	sadd.s32 $0xB000, s1  }
0x10: {  	p0 =	por !p1, !p6;
	s20 =	sadd.s32 $0x15000, s1;
	[dreg:$0xe] =	wrdreg s19  }
0x11: {  	s3 =	sshra.s32 s3, $0x3;
	s23 =	sadd.s32 $0x1F000, s1;
	[dreg:$0xf] =	wrdreg s20  }
0x12: {  	s0 =	simm.s32 $0x3;
	s24 =	sadd.s32 $0x29000, s1;
	[dreg:$0x10] =	wrdreg s23  }
0x13: {  	p0 =	por !p0, !p0;
	s25 =	sadd.s32 $0x33000, s1;
	[dreg:$0x11] =	wrdreg s24  }
0x14: {  	s26 =	sadd.s32 $0x3D000, s1;
	s5 =	simm.s32 @!p0 $0x0;
	[dreg:$0x12] =	wrdreg s25  }
0x15: {  	s28 =	sadd.s32 $0x47000, s1;
	[dreg:$0x13] =	wrdreg s26;
	s3 =	ssub.s32 s3, s5  }
0x16: {  	s1 =	sadd.s32 $0x51000, s1;
	[dreg:$0x14] =	wrdreg s28;
	s8 =	sshll.u32 s3, $0x3  }
0x17: {  	[dreg:$0x15] =	wrdreg s1;
	s3 =	smul.u32 $0x13880, s3;
	s6 =	ssub.s32 s6, s8  }
0x18: {  	s19 =	simm.s32 $0x6;
	s5 =	sadd.s32 $0x5000, s10;
	s8 =	sshll.u32 s6, $0xC  }
0x19: {  	s14 =	sshrl.u32 s3, $0x3;
	s16 =	sadd.s32 $0x7D0, s3;
	s21 =	sadd.s32 $0xFA0, s3  }
0x1a: {  	s6 =	smul.u32 $0x2710, s6;
	s22 =	sadd.s32 $0x1770, s3;
	[dreg:$0xc] =	wrdreg s21  }
0x1b: {  	s3 =	simm.s32 $0x0;
	s15 =	sadd.s32 s5, s14;
	[dreg:$0xd] =	wrdreg s22  }
0x1c: {  	s2 =	sor.u32 s2, s8;
	s12 =	sadd.s32 s10, s14;
	[dreg:$0x4] =	wrdreg s15  }
0x1d: {  	s8 =	sadd.s32 s11, s14;
	s17 =	sshrl.u32 s16, $0x3;
	[dreg:$0x5] =	wrdreg s12  }
0x1e: {  	s14 =	simm.s32 $0x17780;
	s2 =	sshrl.u32 s2, $0x3;
	[dreg:$0x6] =	wrdreg s8  }
0x1f: {  	s9 =	sadd.s32 s5, s17;
	s18 =	sadd.s32 s10, s17;
	s6 =	sshrl.u32 s6, $0x3  }
0x20: {  	s8 =	sadd.s32 s11, s17;
	s11 =	simm.s32 $0xAF80;
	[dreg:$0x7] =	wrdreg s9  }
.Ltmp0:
0x21: {  	s12 =	simm.s32 $0x14F80;
	[dreg:$0x8] =	wrdreg s18;
	(pc) =	sbr.rel .LBB2_1-.Ltmp0, $4  }
0x22: {  	s17 =	simm.s32 $0x4;
	s2 =	sadd.s32 s2, s10;
	[dreg:$0x9] =	wrdreg s8  }
0x23: {  	s6 =	sadd.s32 s7, s6;
	s7 =	simm.s32 $0x5F80;
	s8 =	simm.s32 $0xFF80  }
0x24: {  	s9 =	simm.s32 $0x8780;
	[dreg:$0xa] =	wrdreg s6;
	s2 =	sadd.s32 $0xA000, s2  }
0x25: {  	v0 =	vimm.f32 $0.0e+00;
	s10 =	simm.s32 $0x12780;
	s18 =	simm.s32 $0x5;
	[dreg:$0xb] =	wrdreg s2  }
.LBB2_10:
0x26: {  	s1 =	rddreg [dreg:$0xe];
	s2 =	simm.s32 $0x80;
	s3 =	simm.s32 $0x400  }
0x27: {  	[hbm4b:s1+s2] =	stream.strided.scatter [tilespmem:s7], [sflag:$0x1], $0x2800, s3, s2, $0x38;
	[tilespmem:$0x19F80] =	vst v63  }
0x28: {  	s28 =	rddreg [dreg:$0xf]  }
0x29: {  	[hbm4b:s28+s2] =	stream.strided.scatter [tilespmem:s9], [sflag:$0x2], $0x2800, s3, s2, $0x38;
	[tilespmem:$0x19F80] =	vst v63  }
0x2a: {  	s6 =	rddreg [dreg:$0x10]  }
0x2b: {  	[hbm4b:s6+s2] =	stream.strided.scatter [tilespmem:s11], [sflag:$0x3], $0x2800, s3, s2, $0x38;
	[tilespmem:$0x19F80] =	vst v63  }
0x2c: {  	s15 =	rddreg [dreg:$0x11]  }
0x2d: {  	[hbm4b:s15+s2] =	stream.strided.scatter [tilespmem:s13], [sflag:$0x4], $0x2800, s3, s2, $0x38;
	[tilespmem:$0x19F80] =	vst v63  }
0x2e: {  	s16 =	rddreg [dreg:$0x12]  }
0x2f: {  	[hbm4b:s16+s2] =	stream.strided.scatter [tilespmem:s8], [sflag:$0x5], $0x2800, s3, s2, $0x38;
	[tilespmem:$0x19F80] =	vst v63  }
0x30: {  	s21 =	rddreg [dreg:$0x13]  }
0x31: {  	[hbm4b:s21+s2] =	stream.strided.scatter [tilespmem:s10], [sflag:$0x6], $0x2800, s3, s2, $0x38;
	[tilespmem:$0x19F80] =	vst v63  }
0x32: {  	s22 =	rddreg [dreg:$0x14]  }
0x33: {  	[hbm4b:s22+s2] =	stream.strided.scatter [tilespmem:s12], [sflag:$0x7], $0x2800, s3, s2, $0x38;
	[tilespmem:$0x19F80] =	vst v63  }
0x34: {  	s23 =	rddreg [dreg:$0x15]  }
0x35: {  	[hbm4b:s23+s2] =	stream.strided.scatter [tilespmem:s14], [sflag:$0x8], $0x2800, s3, s2, $0x38;
	[tilespmem:$0x19F80] =	vst v63  }
0x36: {  	_ =	swait.ge [sflag:s20], $0x2800  }
0x37: {  	[sflag:s20] =	ssyncset.done $0x0  }
0x38: {  	[sflag:s20] =	ssyncadd.s32 $0xFFFFD800  }
0x39: {  	_ =	swait.ge [sflag:s29], $0x2800  }
0x3a: {  	[sflag:s29] =	ssyncset.done $0x0  }
0x3b: {  	[sflag:s29] =	ssyncadd.s32 $0xFFFFD800  }
0x3c: {  	_ =	swait.ge [sflag:s0], $0x2800  }
0x3d: {  	[sflag:s0] =	ssyncset.done $0x0  }
0x3e: {  	[sflag:s0] =	ssyncadd.s32 $0xFFFFD800  }
0x3f: {  	_ =	swait.ge [sflag:s17], $0x2800  }
0x40: {  	[sflag:s17] =	ssyncset.done $0x0  }
0x41: {  	[sflag:s17] =	ssyncadd.s32 $0xFFFFD800  }
0x42: {  	_ =	swait.ge [sflag:s18], $0x2800  }
0x43: {  	[sflag:s18] =	ssyncset.done $0x0  }
0x44: {  	[sflag:s18] =	ssyncadd.s32 $0xFFFFD800  }
0x45: {  	_ =	swait.ge [sflag:s19], $0x2800  }
0x46: {  	[sflag:s19] =	ssyncset.done $0x0  }
0x47: {  	s24 =	simm.s32 $0x7;
	[sflag:s19] =	ssyncadd.s32 $0xFFFFD800  }
0x48: {  	_ =	swait.ge [sflag:s24], $0x2800  }
0x49: {  	[sflag:s24] =	ssyncset.done $0x0  }
0x4a: {  	s25 =	simm.s32 $0x8;
	[sflag:s24] =	ssyncadd.s32 $0xFFFFD800  }
0x4b: {  	_ =	swait.ge [sflag:s25], $0x2800  }
0x4c: {  	s26 =	rddreg [dreg:$0x17]  }
0x4d: {  	s28 =	rddreg [dreg:$0x16];
	s3 =	sadd.s32 $0x1, s26  }
0x4e: {  	p0 =	sne.s32 s3, s28  }
.Ltmp1:
0x4f: {  	_ = 	snop;
	(pc) =	sbr.rel @!p0 .LBB2_11-.Ltmp1, $3  }
0x50: {  	_ =	sdelay $0x1  }
0x51: {  	[sflag:s25] =	ssyncset.done $0x0  }
0x52: {  	[sflag:s25] =	ssyncadd.s32 $0xFFFFD800  }
.LBB2_1:
0x53: {  	[dreg:$0x17] =	wrdreg s3  }
0x54: {  	s1 =	rddreg [dreg:$0x4];
	s2 =	simm.s32 $0x2780  }
0x55: {  	[tilespmem:s2], [sflag:$0x1] =	stream.linear.gather [hbm4b:s1+s4], $0x7D0, $0x38;
	[tilespmem:$0x19F80] =	vst v63  }
0x56: {  	s3 =	simm.s32 $0x3780;
	s2 =	rddreg [dreg:$0x5]  }
0x57: {  	[tilespmem:s3], [sflag:$0x2] =	stream.linear.gather [hbm4b:s2+s4], $0x7D0, $0x38;
	[tilespmem:$0x19F80] =	vst v63  }
0x58: {  	s6 =	rddreg [dreg:$0x6];
	s15 =	simm.s32 $0x4780  }
0x59: {  	[tilespmem:s15], [sflag:$0x3] =	stream.linear.gather [hbm4b:s6+s4], $0x7D0, $0x38;
	[tilespmem:$0x19F80] =	vst v63  }
0x5a: {  	s16 =	rddreg [dreg:$0x7]  }
0x5b: {  	[tilespmem:s30], [sflag:$0x4] =	stream.linear.gather [hbm4b:s16+s4], $0x7D0, $0x38;
	[tilespmem:$0x19F80] =	vst v63  }
0x5c: {  	s20 =	rddreg [dreg:$0x8]  }
0x5d: {  	[tilespmem:s31], [sflag:$0x5] =	stream.linear.gather [hbm4b:s20+s4], $0x7D0, $0x38;
	[tilespmem:$0x19F80] =	vst v63  }
0x5e: {  	s21 =	rddreg [dreg:$0x9];
	s22 =	simm.s32 $0x4F80  }
0x5f: {  	[tilespmem:s22], [sflag:$0x6] =	stream.linear.gather [hbm4b:s21+s4], $0x7D0, $0x38;
	[tilespmem:$0x19F80] =	vst v63  }
0x60: {  	s23 =	rddreg [dreg:$0xa]  }
0x61: {  	[tilespmem:s4], [sflag:$0x7] =	stream.linear.gather [hbm4b:s23+s4], $0x2710, $0x38;
	[tilespmem:$0x19F80] =	vst v63  }
0x62: {  	s24 =	rddreg [dreg:$0xb];
	s25 =	simm.s32 $0x5780;
	s26 =	simm.s32 $0x5FC0  }
0x63: {  	[tilespmem:s25], [sflag:$0x8] =	stream.linear.gather [hbm4b:s24+s4], $0x800, $0x38;
	[tilespmem:$0x19F80] =	vst v63  }
0x64: {  	[tilespmem:s26+$0xFFFFFFE0] =	vst v0  }
0x65: {  	[tilespmem:s26+$0xFFFFFFF0] =	vst v0  }
0x66: {  	[tilespmem:s26+$0x10] =	vst v0  }
0x67: {  	[tilespmem:s26+$0xFFFFFFD0] =	vst v0  }
0x68: {  	[tilespmem:s26+$0x0] =	vst v0  }
0x69: {  	[tilespmem:s26+$0x30] =	vst v0  }
0x6a: {  	[tilespmem:s26+$0xFFFFFFC0] =	vst v0  }
0x6b: {  	s20 =	simm.s32 $0x87C0;
	[tilespmem:s26+$0x20] =	vst v0  }
0x6c: {  	[tilespmem:s20+$0x20] =	vst v0  }
0x6d: {  	[tilespmem:s20+$0xFFFFFFC0] =	vst v0  }
0x6e: {  	[tilespmem:s20+$0x30] =	vst v0  }
0x6f: {  	[tilespmem:s20+$0x0] =	vst v0  }
0x70: {  	[tilespmem:s20+$0xFFFFFFD0] =	vst v0  }
0x71: {  	s21 =	simm.s32 $0xAFC0;
	[tilespmem:s20+$0x10] =	vst v0  }
0x72: {  	[tilespmem:s21+$0x20] =	vst v0  }
0x73: {  	[tilespmem:s21+$0xFFFFFFC0] =	vst v0  }
0x74: {  	[tilespmem:s21+$0x30] =	vst v0  }
0x75: {  	[tilespmem:s21+$0x10] =	vst v0  }
0x76: {  	[tilespmem:s21+$0xFFFFFFD0] =	vst v0  }
0x77: {  	s28 =	simm.s32 $0xD7C0;
	[tilespmem:s21+$0x0] =	vst v0  }
0x78: {  	[tilespmem:s28+$0x20] =	vst v0  }
0x79: {  	[tilespmem:s28+$0x30] =	vst v0  }
0x7a: {  	[tilespmem:s28+$0xFFFFFFC0] =	vst v0  }
0x7b: {  	s26 =	simm.s32 $0xFFC0;
	[tilespmem:s28+$0x10] =	vst v0  }
0x7c: {  	[tilespmem:s26+$0x20] =	vst v0  }
0x7d: {  	[tilespmem:s26+$0xFFFFFFC0] =	vst v0  }
0x7e: {  	s24 =	simm.s32 $0x127C0;
	[tilespmem:s26+$0x30] =	vst v0  }
0x7f: {  	[tilespmem:s24+$0x20] =	vst v0  }
0x80: {  	s23 =	simm.s32 $0x14FC0;
	[tilespmem:s24+$0xFFFFFFC0] =	vst v0  }
0x81: {  	s1 =	simm.s32 $0x87C0;
	[tilespmem:s23+$0x20] =	vst v0  }
0x82: {  	s2 =	simm.s32 $0x15040;
	s3 =	simm.s32 $0x6040;
	s25 =	simm.s32 $0x177C0;
	[tilespmem:s23+$0xFFFFFFC0] =	vst v0  }
0x83: {  	s15 =	simm.s32 $0xD840;
	s6 =	simm.s32 $0x10040;
	s30 =	simm.s32 $0x0;
	[tilespmem:s25+$0x20] =	vst v0  }
0x84: {  	s16 =	simm.s32 $0x17840;
	s31 =	simm.s32 $0x12840;
	s22 =	simm.s32 $0xAFC0;
	[tilespmem:s25+$0xFFFFFFC0] =	vst v0  }
.LBB2_2:
0x85: {  	s30 =	sadd.s32 $0x8, s30;
	[tilespmem:s28+$0x0] =	vst v0;
	s20 =	sadd.s32 $0x80, s20;
	s21 =	sadd.s32 $0x80, s21  }
0x86: {  	p0 =	slt.u32 s30, $0x278;
	[tilespmem:s1+$0xFFFFFFE0] =	vst v0  }
0x87: {  	[tilespmem:s26+$0x10] =	vst v0  }
0x88: {  	[tilespmem:s24+$0x10] =	vst v0  }
0x89: {  	[tilespmem:s28+$0xFFFFFFD0] =	vst v0  }
0x8a: {  	[tilespmem:s1+$0xFFFFFFF0] =	vst v0;
	s1 =	smov.u32 s20  }
0x8b: {  	[tilespmem:s26+$0x0] =	vst v0  }
0x8c: {  	[tilespmem:s24+$0x0] =	vst v0  }
0x8d: {  	[tilespmem:s23+$0x0] =	vst v0  }
0x8e: {  	[tilespmem:s25+$0x0] =	vst v0  }
0x8f: {  	[tilespmem:s22+$0xFFFFFFE0] =	vst v0  }
0x90: {  	[tilespmem:s23+$0x10] =	vst v0  }
0x91: {  	[tilespmem:s24+$0x30] =	vst v0  }
0x92: {  	[tilespmem:s26+$0xFFFFFFD0] =	vst v0  }
0x93: {  	[tilespmem:s22+$0xFFFFFFF0] =	vst v0;
	s22 =	smov.u32 s21  }
0x94: {  	[tilespmem:s24+$0xFFFFFFD0] =	vst v0  }
0x95: {  	[tilespmem:s28+$0xFFFFFFF0] =	vst v0  }
0x96: {  	[tilespmem:s26+$0xFFFFFFF0] =	vst v0  }
0x97: {  	[tilespmem:s25+$0x10] =	vst v0  }
0x98: {  	[tilespmem:s28+$0xFFFFFFE0] =	vst v0;
	s28 =	smov.u32 s15  }
0x99: {  	[tilespmem:s23+$0x30] =	vst v0  }
0x9a: {  	[tilespmem:s25+$0x30] =	vst v0  }
0x9b: {  	[tilespmem:s23+$0xFFFFFFD0] =	vst v0  }
0x9c: {  	[tilespmem:s26+$0xFFFFFFE0] =	vst v0;
	s26 =	smov.u32 s6  }
0x9d: {  	[tilespmem:s24+$0xFFFFFFE0] =	vst v0  }
0x9e: {  	[tilespmem:s25+$0xFFFFFFD0] =	vst v0  }
0x9f: {  	[tilespmem:s24+$0xFFFFFFF0] =	vst v0;
	s24 =	smov.u32 s31  }
0xa0: {  	[tilespmem:s23+$0xFFFFFFE0] =	vst v0  }
0xa1: {  	[tilespmem:s25+$0xFFFFFFE0] =	vst v0  }
0xa2: {  	[tilespmem:s23+$0xFFFFFFF0] =	vst v0;
	s23 =	smov.u32 s2  }
0xa3: {  	[tilespmem:s25+$0xFFFFFFF0] =	vst v0;
	s25 =	smov.u32 s16  }
0xa4: {  	[tilespmem:s3+$0xFFFFFFE0] =	vst v0  }
0xa5: {  	[tilespmem:s3+$0xFFFFFFF0] =	vst v0  }
0xa6: {  	[tilespmem:s3+$0x10] =	vst v0  }
0xa7: {  	[tilespmem:s3+$0xFFFFFFD0] =	vst v0  }
0xa8: {  	[tilespmem:s3+$0x0] =	vst v0  }
0xa9: {  	[tilespmem:s3+$0x30] =	vst v0  }
0xaa: {  	[tilespmem:s3+$0xFFFFFFC0] =	vst v0  }
0xab: {  	[tilespmem:s3+$0x20] =	vst v0  }
0xac: {  	[tilespmem:s20+$0x20] =	vst v0  }
0xad: {  	[tilespmem:s21+$0x20] =	vst v0  }
0xae: {  	[tilespmem:s15+$0x20] =	vst v0  }
0xaf: {  	[tilespmem:s6+$0x20] =	vst v0  }
0xb0: {  	[tilespmem:s31+$0x20] =	vst v0  }
0xb1: {  	[tilespmem:s2+$0x20] =	vst v0  }
0xb2: {  	[tilespmem:s16+$0x20] =	vst v0  }
0xb3: {  	[tilespmem:s20+$0xFFFFFFC0] =	vst v0  }
0xb4: {  	[tilespmem:s21+$0xFFFFFFC0] =	vst v0  }
0xb5: {  	[tilespmem:s20+$0x30] =	vst v0  }
0xb6: {  	[tilespmem:s21+$0x30] =	vst v0  }
0xb7: {  	[tilespmem:s15+$0x30] =	vst v0  }
0xb8: {  	[tilespmem:s15+$0xFFFFFFC0] =	vst v0  }
0xb9: {  	[tilespmem:s20+$0x0] =	vst v0  }
0xba: {  	[tilespmem:s20+$0xFFFFFFD0] =	vst v0  }
0xbb: {  	[tilespmem:s6+$0xFFFFFFC0] =	vst v0  }
0xbc: {  	[tilespmem:s20+$0x10] =	vst v0  }
0xbd: {  	[tilespmem:s21+$0x10] =	vst v0  }
0xbe: {  	[tilespmem:s15+$0x10] =	vst v0  }
0xbf: {  	[tilespmem:s21+$0xFFFFFFD0] =	vst v0  }
.Ltmp2:
0xc0: {  	[tilespmem:s6+$0x30] =	vst v0;
	(pc) =	sbr.rel @p0 .LBB2_2-.Ltmp2, $4  }
0xc1: {  	[tilespmem:s21+$0x0] =	vst v0  }
0xc2: {  	[tilespmem:s31+$0xFFFFFFC0] =	vst v0  }
0xc3: {  	s2 =	sadd.s32 $0x80, s2;
	s16 =	sadd.s32 $0x80, s16;
	s31 =	sadd.s32 $0x80, s31;
	[tilespmem:s23+$0xFFFFFFC0] =	vst v0  }
0xc4: {  	s3 =	sadd.s32 $0x80, s3;
	s15 =	sadd.s32 $0x80, s15;
	s6 =	sadd.s32 $0x80, s6;
	[tilespmem:s25+$0xFFFFFFC0] =	vst v0  }
0xc5: {  	[tilespmem:s28+$0x0] =	vst v0  }
0xc6: {  	[tilespmem:s1+$0xFFFFFFE0] =	vst v0  }
0xc7: {  	[tilespmem:s26+$0x10] =	vst v0  }
0xc8: {  	[tilespmem:s28+$0xFFFFFFD0] =	vst v0  }
0xc9: {  	[tilespmem:s1+$0xFFFFFFF0] =	vst v0  }
0xca: {  	[tilespmem:s24+$0x30] =	vst v0  }
0xcb: {  	[tilespmem:s24+$0x10] =	vst v0  }
0xcc: {  	[tilespmem:s26+$0x0] =	vst v0  }
0xcd: {  	[tilespmem:s22+$0xFFFFFFE0] =	vst v0  }
0xce: {  	[tilespmem:s26+$0xFFFFFFD0] =	vst v0  }
0xcf: {  	[tilespmem:s22+$0xFFFFFFF0] =	vst v0  }
0xd0: {  	[tilespmem:s23+$0x30] =	vst v0  }
0xd1: {  	[tilespmem:s24+$0x0] =	vst v0  }
0xd2: {  	[tilespmem:s23+$0x10] =	vst v0  }
0xd3: {  	[tilespmem:s24+$0xFFFFFFD0] =	vst v0  }
0xd4: {  	[tilespmem:s28+$0xFFFFFFF0] =	vst v0  }
0xd5: {  	[tilespmem:s28+$0xFFFFFFE0] =	vst v0  }
0xd6: {  	[tilespmem:s25+$0x30] =	vst v0  }
0xd7: {  	[tilespmem:s23+$0x0] =	vst v0  }
0xd8: {  	[tilespmem:s26+$0xFFFFFFF0] =	vst v0  }
0xd9: {  	[tilespmem:s25+$0x10] =	vst v0  }
0xda: {  	[tilespmem:s23+$0xFFFFFFD0] =	vst v0  }
0xdb: {  	[tilespmem:s26+$0xFFFFFFE0] =	vst v0  }
0xdc: {  	[tilespmem:s25+$0x0] =	vst v0  }
0xdd: {  	[tilespmem:s24+$0xFFFFFFE0] =	vst v0  }
0xde: {  	[tilespmem:s25+$0xFFFFFFD0] =	vst v0  }
0xdf: {  	[tilespmem:s24+$0xFFFFFFF0] =	vst v0  }
0xe0: {  	[tilespmem:s23+$0xFFFFFFE0] =	vst v0  }
0xe1: {  	[tilespmem:s23+$0xFFFFFFF0] =	vst v0  }
0xe2: {  	[tilespmem:s25+$0xFFFFFFE0] =	vst v0  }
0xe3: {  	s26 =	simm.s32 $0x7;
	[tilespmem:s25+$0xFFFFFFF0] =	vst v0  }
0xe4: {  	_ =	swait.ge [sflag:s26], $0x2710  }
0xe5: {  	[sflag:s26] =	ssyncset.done $0x0  }
0xe6: {  	s28 =	simm.s32 $0x8;
	[sflag:s26] =	ssyncadd.s32 $0xFFFFD8F0  }
0xe7: {  	_ =	swait.ge [sflag:s28], $0x800  }
0xe8: {  	[sflag:s28] =	ssyncset.done $0x0;
	s21 =	rddreg [dreg:$0xc]  }
0xe9: {  	s22 =	rddreg [dreg:$0xd];
	[sflag:s28] =	ssyncadd.s32 $0xFFFFF800  }
0xea: {  	s20 =	simm.s32 $0x1;
	s30 =	simm.s32 $0x2F80;
	s15 =	rddreg [dreg:$0x1]  }
0xeb: {  	s31 =	simm.s32 $0x3F80;
	s23 =	simm.s32 $0x0;
	s16 =	rddreg [dreg:$0x2]  }
.LBB2_4:
0xec: {  	_ =	swait.ge [sflag:s20], $0x7D0  }
0xed: {  	[sflag:s20] =	ssyncset.done $0x0  }
0xee: {  	[sflag:s20] =	ssyncadd.s32 $0xFFFFF830  }
0xef: {  	_ =	swait.ge [sflag:s29], $0x7D0  }
0xf0: {  	[sflag:s29] =	ssyncset.done $0x0  }
0xf1: {  	[sflag:s29] =	ssyncadd.s32 $0xFFFFF830  }
0xf2: {  	_ =	swait.ge [sflag:s0], $0x7D0  }
0xf3: {  	[sflag:s0] =	ssyncset.done $0x0  }
0xf4: {  	s1 =	simm.s32 $0x37A0;
	[sflag:s0] =	ssyncadd.s32 $0xFFFFF830  }
0xf5: {  	s2 =	simm.s32 $0x27A0;
	v3 =	vld [tilespmem:s1+$0x10]  }
0xf6: {  	v4 =	vld [tilespmem:s2+$0x10]  }
0xf7: {  	v5 =	vld [tilespmem:s2+$0x0]  }
0xf8: {  	v1 =	vld [tilespmem:s1+$0x0]  }
0xf9: {  	v9 =	vld [tilespmem:$0x5800]  }
0xfa: {  	v10 =	vld [tilespmem:$0x5780]  }
0xfb: {  	v2 =	vld [tilespmem:s1+$0xFFFFFFF0]  }
0xfc: {  	v7 =	vld [tilespmem:s2+$0xFFFFFFF0]  }
0xfd: {  	v8 =	vld [tilespmem:s2+$0xFFFFFFE0]  }
0xfe: {  	v25 =	vld.idx.msk [tilespmem:v3+s4+$0x0], $0xffff  }
0xff: {  	v6 =	vld.idx.msk [tilespmem:v4+s4+$0x0], $0xffff  }
0x100: {  	v4 =	vld.idx.msk [tilespmem:v5+s4+$0x0], $0xffff  }
0x101: {  	v16 =	vld.idx.msk [tilespmem:v1+s4+$0x0], $0xffff  }
0x102: {  	v5 =	vld [tilespmem:s1+$0xFFFFFFE0];
	_ =	sdelay $0x2  }
0x103: {  	v11 =	vld [tilespmem:$0x5880]  }
0x104: {  	v14 =	vld.idx.msk [tilespmem:v2+s4+$0x0], $0xffff;
	v12 =	vmul.f32 v6, v10;
	v13 =	vmul.f32 v25, v9  }
0x105: {  	v7 =	vld.idx.msk [tilespmem:v7+s4+$0x0], $0xffff;
	v15 =	vmul.f32 v4, v10;
	v17 =	vmul.f32 v16, v9  }
0x106: {  	v8 =	vld.idx.msk [tilespmem:v8+s4+$0x0], $0xffff;
	v12 =	vadd.f32 v13, v12  }
0x107: {  	v13 =	vadd.f32 v17, v15;
	v15 =	vld [tilespmem:$0x5900]  }
0x108: {  	v31 =	vld.idx.msk [tilespmem:v5+s4+$0x0], $0xffff;
	v12 =	vadd.f32 v12, v11  }
0x109: {  	v19 =	vmul.f32 v14, v9;
	v13 =	vadd.f32 v13, v11  }
0x10a: {  	v20 =	vmul.f32 v7, v10;
	v17 =	vmul.f32 $2.000000030e-01, v12  }
0x10b: {  	v18 =	vmul.f32 $2.000000030e-01, v13  }
0x10c: {  	v10 =	vmul.f32 v10, v8;
	v12 =	vmax.f32 v12, v17;
	v17 =	vadd.f32 v19, v20  }
0x10d: {  	v13 =	vmax.f32 v13, v18;
	v9 =	vmul.f32 v9, v31;
	v12 =	vsub.f32 v12, v15  }
0x10e: {  	v13 =	vsub.f32 v13, v15;
	v17 =	vadd.f32 v17, v11  }
0x10f: {  	v9 =	vadd.f32 v9, v10;
	v12 =	vmul.f32 $1.442695020e+00, v12  }
0x110: {  	v13 =	vmul.f32 $1.442695020e+00, v13;
	v10 =	vmul.f32 $2.000000030e-01, v17  }
0x111: {  	v11 =	vadd.f32 v9, v11;
	(erf) = vpow2.f32 v12  }
0x112: {  	(erf) = vpow2.f32 v13;
	v9 =	vmax.f32 v17, v10  }
0x113: {  	v13 =	vmul.f32 $2.000000030e-01, v11;
	v12 =	vsub.f32 v9, v15;
	_ =	sdelay $0x1  }
0x114: {  	s26 =	simm.s32 $0x47A0;
	v11 =	vmax.f32 v11, v13;
	v12 =	vmul.f32 $1.442695020e+00, v12  }
0x115: {  	v10 =	vld [tilespmem:s26+$0x10];
	v11 =	vsub.f32 v11, v15  }
0x116: {  	v9 =	vld [tilespmem:s26+$0x0];
	(erf) = vpow2.f32 v12;
	_ =	sdelay $0x2  }
0x117: {  	v13 =	vmul.f32 $1.442695020e+00, v11;
	v11 =	vpop (erf)  }
0x118: {  	v12 =	vld [tilespmem:s26+$0xFFFFFFE0];
	v15 =	vmul.f32 v11, v10;
	v17 =	vpop (erf)  }
0x119: {  	v11 =	vld [tilespmem:s26+$0xFFFFFFF0];
	(erf) = vpow2.f32 v13;
	v17 =	vmul.f32 v17, v9  }
0x11a: {  	[tilespmem:v3+s7+$0x0] =	vst.idx.add.f32.msk $0xffff, v15;
	v13 =	vmul.f32 v15, v6  }
0x11b: {  	[tilespmem:v1+s7+$0x0] =	vst.idx.add.f32.msk $0xffff, v17  }
0x11c: {  	[tilespmem:v3+s8+$0x0] =	vst.idx.add.f32.msk $0xffff, v13  }
0x11d: {  	v13 =	vld [tilespmem:$0x5B00];
	v18 =	vpop (erf)  }
0x11e: {  	v15 =	vld [tilespmem:$0x5980];
	v18 =	vmul.f32 v18, v11  }
0x11f: {  	v17 =	vmul.f32 v17, v4;
	v19 =	vld [tilespmem:$0x5A80]  }
0x120: {  	v20 =	vld [tilespmem:$0x5A00]  }
0x121: {  	[tilespmem:v1+s8+$0x0] =	vst.idx.add.f32.msk $0xffff, v17  }
0x122: {  	v17 =	vmul.f32 v18, v7;
	[tilespmem:v2+s7+$0x0] =	vst.idx.add.f32.msk $0xffff, v18;
	v18 =	vpop (erf)  }
0x123: {  	v21 =	vld [tilespmem:$0x5980];
	v18 =	vmul.f32 v18, v12  }
0x124: {  	[tilespmem:v2+s8+$0x0] =	vst.idx.add.f32.msk $0xffff, v17  }
0x125: {  	v22 =	vld [tilespmem:$0x5980];
	v17 =	vmul.f32 v18, v8  }
0x126: {  	v15 =	vmul.f32 v15, v6;
	[tilespmem:v5+s7+$0x0] =	vst.idx.add.f32.msk $0xffff, v18;
	v18 =	vmul.f32 v20, v25  }
0x127: {  	[tilespmem:v5+s8+$0x0] =	vst.idx.add.f32.msk $0xffff, v17  }
0x128: {  	v15 =	vadd.f32 v18, v15;
	v17 =	vld [tilespmem:$0x5A00]  }
0x129: {  	v18 =	vld [tilespmem:$0x5A00]  }
0x12a: {  	v15 =	vadd.f32 v15, v19;
	v19 =	vld [tilespmem:$0x5980]  }
0x12b: {  	v20 =	vld [tilespmem:$0x5A00]  }
0x12c: {  	v24 =	vld [tilespmem:$0x5A80];
	v23 =	vmul.f32 $2.000000030e-01, v15  }
0x12d: {  	v21 =	vmul.f32 v21, v4;
	v17 =	vmul.f32 v17, v16  }
0x12e: {  	v15 =	vmax.f32 v15, v23;
	v23 =	vld [tilespmem:$0x5A80];
	v18 =	vmul.f32 v18, v31  }
0x12f: {  	v13 =	vsub.f32 v15, v13;
	v19 =	vmul.f32 v19, v8;
	v17 =	vadd.f32 v17, v21  }
0x130: {  	v20 =	vmul.f32 v20, v14;
	v15 =	vld [tilespmem:$0x5A80];
	v21 =	vmul.f32 v22, v7  }
0x131: {  	v13 =	vmul.f32 $1.442695020e+00, v13;
	v18 =	vadd.f32 v18, v19;
	v19 =	vld [tilespmem:$0x5B00];
	v17 =	vadd.f32 v17, v24  }
0x132: {  	v20 =	vadd.f32 v20, v21  }
0x133: {  	(erf) = vpow2.f32 v13;
	v13 =	vld [tilespmem:$0x5B00];
	v18 =	vadd.f32 v18, v23;
	v21 =	vmul.f32 $2.000000030e-01, v17;
	_ =	sdelay $0x1  }
0x134: {  	v22 =	vld [tilespmem:$0x5B00];
	v15 =	vadd.f32 v20, v15;
	v20 =	vmul.f32 $2.000000030e-01, v18;
	v17 =	vmax.f32 v17, v21  }
0x135: {  	v17 =	vsub.f32 v17, v19  }
0x136: {  	v21 =	vmul.f32 $2.000000030e-01, v15;
	v18 =	vmax.f32 v18, v20  }
0x137: {  	v13 =	vsub.f32 v18, v13;
	v17 =	vmul.f32 $1.442695020e+00, v17  }
0x138: {  	v15 =	vmax.f32 v15, v21  }
0x139: {  	v33 =	vld [tilespmem:$0x5880];
	v15 =	vsub.f32 v15, v22;
	v13 =	vmul.f32 $1.442695020e+00, v13  }
0x13a: {  	v34 =	vld [tilespmem:$0x5800];
	(erf) = vpow2.f32 v17  }
0x13b: {  	s24 =	simm.s32 $0x27E0;
	v29 =	vld [tilespmem:$0x5780];
	v15 =	vmul.f32 $1.442695020e+00, v15;
	v17 =	vpop (erf);
	(erf) = vpow2.f32 v13  }
0x13c: {  	v30 =	vld [tilespmem:s24+$0x10];
	v17 =	vmul.f32 v17, v10  }
0x13d: {  	v35 =	vld [tilespmem:s24+$0x0];
	(erf) = vpow2.f32 v15  }
0x13e: {  	v37 =	vld [tilespmem:s24+$0xFFFFFFF0];
	v13 =	vmul.f32 v17, v6  }
0x13f: {  	[tilespmem:v3+s9+$0x0] =	vst.idx.add.f32.msk $0xffff, v17  }
0x140: {  	[tilespmem:v3+s10+$0x0] =	vst.idx.add.f32.msk $0xffff, v13  }
0x141: {  	v13 =	vld [tilespmem:$0x5B80]  }
0x142: {  	v15 =	vld [tilespmem:$0x5C00]  }
0x143: {  	v24 =	vld [tilespmem:s24+$0xFFFFFFE0];
	v18 =	vpop (erf)  }
0x144: {  	v17 =	vld [tilespmem:$0x5C80];
	v18 =	vmul.f32 v18, v9;
	v20 =	vpop (erf)  }
0x145: {  	v19 =	vld [tilespmem:$0x5D00];
	v20 =	vmul.f32 v20, v12  }
0x146: {  	[tilespmem:v1+s9+$0x0] =	vst.idx.add.f32.msk $0xffff, v18;
	v22 =	vpop (erf);
	v18 =	vmul.f32 v18, v4;
	v21 =	vmul.f32 v13, v6  }
0x147: {  	v22 =	vmul.f32 v22, v11;
	v15 =	vmul.f32 v15, v25;
	[tilespmem:v5+s9+$0x0] =	vst.idx.add.f32.msk $0xffff, v20  }
0x148: {  	[tilespmem:v1+s10+$0x0] =	vst.idx.add.f32.msk $0xffff, v18  }
0x149: {  	[tilespmem:v2+s9+$0x0] =	vst.idx.add.f32.msk $0xffff, v22;
	v21 =	vadd.f32 v15, v21  }
0x14a: {  	v20 =	vmul.f32 v20, v8;
	v18 =	vld [tilespmem:$0x5B80]  }
0x14b: {  	v22 =	vmul.f32 v22, v7;
	v23 =	vld [tilespmem:$0x5C00];
	v17 =	vadd.f32 v21, v17  }
0x14c: {  	[tilespmem:v5+s10+$0x0] =	vst.idx.add.f32.msk $0xffff, v20  }
0x14d: {  	[tilespmem:v2+s10+$0x0] =	vst.idx.add.f32.msk $0xffff, v22;
	v21 =	vmul.f32 $2.000000030e-01, v17  }
0x14e: {  	v20 =	vld [tilespmem:$0x5B80]  }
0x14f: {  	v22 =	vld [tilespmem:$0x5B80];
	v17 =	vmax.f32 v17, v21  }
0x150: {  	v17 =	vsub.f32 v17, v19;
	v19 =	vld [tilespmem:$0x5C00]  }
0x151: {  	v18 =	vmul.f32 v18, v4;
	v21 =	vld [tilespmem:$0x5C80]  }
0x152: {  	s25 =	simm.s32 $0x37E0;
	v26 =	vld [tilespmem:$0x5C00];
	v23 =	vmul.f32 v23, v16;
	v17 =	vmul.f32 $1.442695020e+00, v17  }
0x153: {  	v15 =	vld [tilespmem:s25+$0x10]  }
0x154: {  	v18 =	vadd.f32 v23, v18;
	(erf) = vpow2.f32 v17;
	v17 =	vld [tilespmem:$0x5C80]  }
0x155: {  	v28 =	vld [tilespmem:$0x5D00];
	v22 =	vmul.f32 v22, v7;
	v19 =	vmul.f32 v19, v14  }
0x156: {  	v27 =	vld [tilespmem:$0x5C80];
	v21 =	vadd.f32 v18, v21  }
0x157: {  	v20 =	vmul.f32 v20, v8;
	v18 =	vld [tilespmem:s25+$0xFFFFFFF0];
	v19 =	vadd.f32 v19, v22;
	v22 =	vmul.f32 v26, v31  }
0x158: {  	v24 =	vld.idx.msk [tilespmem:v24+s4+$0x0], $0xffff;
	v26 =	vmul.f32 $2.000000030e-01, v21  }
0x159: {  	v23 =	vld [tilespmem:$0x5D00];
	v36 =	vadd.f32 v19, v17;
	v17 =	vadd.f32 v22, v20  }
0x15a: {  	v19 =	vld [tilespmem:s25+$0x0];
	v20 =	vmax.f32 v21, v26  }
0x15b: {  	v13 =	vld [tilespmem:s25+$0xFFFFFFE0];
	v20 =	vsub.f32 v20, v28;
	v22 =	vmul.f32 $2.000000030e-01, v36;
	v27 =	vadd.f32 v17, v27  }
0x15c: {  	v21 =	vld [tilespmem:$0x5D00]  }
0x15d: {  	v17 =	vld.idx.msk [tilespmem:v15+s4+$0x0], $0xffff;
	v20 =	vmul.f32 $1.442695020e+00, v20;
	v26 =	vpop (erf);
	v22 =	vmax.f32 v36, v22;
	v28 =	vmul.f32 $2.000000030e-01, v27  }
0x15e: {  	v26 =	vmul.f32 v26, v10;
	v22 =	vsub.f32 v22, v23;
	v23 =	vld.idx.msk [tilespmem:v30+s4+$0x0], $0xffff  }
0x15f: {  	(erf) = vpow2.f32 v20;
	v20 =	vmax.f32 v27, v28;
	v28 =	vld.idx.msk [tilespmem:v18+s4+$0x0], $0xffff  }
0x160: {  	[tilespmem:v3+s11+$0x0] =	vst.idx.add.f32.msk $0xffff, v26  }
0x161: {  	v26 =	vmul.f32 v26, v6;
	v20 =	vsub.f32 v20, v21;
	v21 =	vld.idx.msk [tilespmem:v35+s4+$0x0], $0xffff  }
0x162: {  	v22 =	vmul.f32 $1.442695020e+00, v22;
	v30 =	vld.idx.msk [tilespmem:v19+s4+$0x0], $0xffff  }
0x163: {  	[tilespmem:v3+s12+$0x0] =	vst.idx.add.f32.msk $0xffff, v26  }
0x164: {  	(erf) = vpow2.f32 v22;
	v22 =	vld.idx.msk [tilespmem:v37+s4+$0x0], $0xffff  }
0x165: {  	v20 =	vmul.f32 $1.442695020e+00, v20;
	v26 =	vld [tilespmem:$0x5D80]  }
0x166: {  	v61 =	vmul.f32 v17, v34;
	v27 =	vld [tilespmem:$0x5E00];
	v60 =	vmul.f32 v23, v29  }
0x167: {  	(erf) = vpow2.f32 v20;
	v20 =	vld.idx.msk [tilespmem:v13+s4+$0x0], $0xffff  }
0x168: {  	v32 =	vld [tilespmem:$0x5900];
	v52 =	vmul.f32 v29, v24;
	v41 =	vmul.f32 v28, v34;
	v35 =	vadd.f32 v61, v60  }
0x169: {  	v62 =	vld [tilespmem:$0x5E80];
	v39 =	vmul.f32 v21, v29;
	v40 =	vmul.f32 v30, v34;
	v38 =	vpop (erf)  }
0x16a: {  	s26 =	simm.s32 $0x47E0;
	v48 =	vld [tilespmem:$0x5F00];
	v35 =	vadd.f32 v35, v33;
	v42 =	vmul.f32 v22, v29;
	v63 =	vmul.f32 v38, v9  }
0x16b: {  	v29 =	vld [tilespmem:s26+$0x10];
	v39 =	vadd.f32 v40, v39;
	v49 =	vmul.f32 v26, v6;
	v27 =	vmul.f32 v27, v25  }
0x16c: {  	v44 =	vmul.f32 $2.000000030e-01, v35;
	v41 =	vadd.f32 v41, v42;
	v34 =	vmul.f32 v34, v20;
	[tilespmem:v1+s11+$0x0] =	vst.idx.add.f32.msk $0xffff, v63  }
0x16d: {  	v26 =	vld [tilespmem:s26+$0xFFFFFFE0];
	v39 =	vadd.f32 v39, v33;
	v40 =	vadd.f32 v27, v49;
	v36 =	vmul.f32 v63, v4;
	v43 =	vpop (erf)  }
0x16e: {  	v25 =	vld [tilespmem:s26+$0xFFFFFFF0];
	v35 =	vmax.f32 v35, v44;
	v41 =	vadd.f32 v41, v33;
	v43 =	vmul.f32 v43, v11  }
0x16f: {  	v27 =	vld [tilespmem:s26+$0x0];
	v34 =	vadd.f32 v34, v52;
	v51 =	vmul.f32 $2.000000030e-01, v39;
	v37 =	vadd.f32 v40, v62  }
0x170: {  	v35 =	vsub.f32 v35, v32;
	v50 =	vpop (erf);
	v53 =	vmul.f32 $2.000000030e-01, v41;
	[tilespmem:v2+s11+$0x0] =	vst.idx.add.f32.msk $0xffff, v43;
	v43 =	vmul.f32 v43, v7  }
0x171: {  	[tilespmem:v1+s12+$0x0] =	vst.idx.add.f32.msk $0xffff, v36;
	v42 =	vmul.f32 v50, v12;
	v39 =	vmax.f32 v39, v51;
	v55 =	vmul.f32 $2.000000030e-01, v37  }
0x172: {  	v35 =	vmul.f32 $1.442695020e+00, v35;
	v54 =	vsub.f32 v39, v32;
	v41 =	vmax.f32 v41, v53;
	[tilespmem:v2+s12+$0x0] =	vst.idx.add.f32.msk $0xffff, v43  }
0x173: {  	[tilespmem:v5+s11+$0x0] =	vst.idx.add.f32.msk $0xffff, v42;
	v42 =	vmul.f32 v42, v8;
	v57 =	vsub.f32 v41, v32  }
0x174: {  	v37 =	vmax.f32 v37, v55;
	(erf) = vpow2.f32 v35;
	v56 =	vld [tilespmem:$0x5D80];
	v36 =	vmul.f32 $1.442695020e+00, v54  }
0x175: {  	v59 =	vsub.f32 v37, v48;
	[tilespmem:v5+s12+$0x0] =	vst.idx.add.f32.msk $0xffff, v42;
	v60 =	vmul.f32 $1.442695020e+00, v57  }
0x176: {  	v34 =	vadd.f32 v34, v33;
	v58 =	vld [tilespmem:$0x5D80];
	(erf) = vpow2.f32 v36  }
0x177: {  	v42 =	vld [tilespmem:$0x5E00];
	v61 =	vmul.f32 $1.442695020e+00, v59;
	(erf) = vpow2.f32 v60  }
0x178: {  	v62 =	vmul.f32 $2.000000030e-01, v34;
	v35 =	vld [tilespmem:$0x5D80]  }
0x179: {  	v37 =	vld [tilespmem:$0x5E00];
	(erf) = vpow2.f32 v61  }
0x17a: {  	v63 =	vmax.f32 v34, v62;
	v34 =	vld [tilespmem:$0x5E00]  }
0x17b: {  	v39 =	vsub.f32 v63, v32;
	v36 =	vld [tilespmem:$0x5E80];
	v33 =	vmul.f32 v56, v7  }
0x17c: {  	s28 =	simm.s32 $0x4;
	v32 =	vld [tilespmem:$0x5F00];
	v38 =	vmul.f32 v58, v8;
	v31 =	vmul.f32 v42, v31  }
.LBB2_5:
0x17d: {  	s28 =	sadd.s32 $0x4, s28;
	v43 =	vmul.f32 $1.442695020e+00, v39;
	v40 =	vpop (erf);
	v41 =	vld [tilespmem:$0x5E80]  }
0x17e: {  	p0 =	slt.u32 s28, $0x78;
	v40 =	vmul.f32 v40, v29;
	v31 =	vadd.f32 v31, v38;
	v38 =	vld [tilespmem:$0x5F00];
	v37 =	vmul.f32 v37, v16;
	v16 =	vmovc v30  }
0x17f: {  	v35 =	vmul.f32 v35, v4;
	v30 =	vpop (erf);
	v42 =	vld [tilespmem:$0x5E80]  }
0x180: {  	v30 =	vmul.f32 v30, v27;
	[tilespmem:v15+s7+$0x0] =	vst.idx.add.f32.msk $0xffff, v40;
	(erf) = vpow2.f32 v43;
	v39 =	vpop (erf);
	v31 =	vadd.f32 v31, v36  }
0x181: {  	v35 =	vadd.f32 v37, v35;
	v36 =	vmul.f32 v39, v25;
	v39 =	vmul.f32 v40, v23;
	v40 =	vld [tilespmem:$0x5F00]  }
0x182: {  	[tilespmem:v19+s7+$0x0] =	vst.idx.add.f32.msk $0xffff, v30;
	v37 =	vmul.f32 $2.000000030e-01, v31;
	v43 =	vpop (erf)  }
0x183: {  	v35 =	vadd.f32 v35, v41;
	[tilespmem:v15+s8+$0x0] =	vst.idx.add.f32.msk $0xffff, v39  }
0x184: {  	v39 =	vmul.f32 v36, v22;
	v41 =	vld [tilespmem:$0x5B00];
	v31 =	vmax.f32 v31, v37  }
0x185: {  	v37 =	vld [tilespmem:$0x5980];
	v31 =	vsub.f32 v31, v32;
	v32 =	vmul.f32 $2.000000030e-01, v35  }
0x186: {  	v34 =	vmul.f32 v34, v14;
	v14 =	vmov v28;
	v30 =	vmul.f32 v30, v21;
	v44 =	vld [tilespmem:$0x5A80]  }
0x187: {  	v28 =	vld [tilespmem:$0x5A00];
	v31 =	vmul.f32 $1.442695020e+00, v31;
	v32 =	vmax.f32 v35, v32  }
0x188: {  	[tilespmem:v19+s8+$0x0] =	vst.idx.add.f32.msk $0xffff, v30;
	v30 =	vadd.f32 v34, v33;
	v32 =	vsub.f32 v32, v38  }
0x189: {  	[tilespmem:v18+s7+$0x0] =	vst.idx.add.f32.msk $0xffff, v36;
	v33 =	vpop (erf);
	(erf) = vpow2.f32 v31  }
0x18a: {  	v31 =	vmul.f32 v33, v26;
	v33 =	vld [tilespmem:$0x5980];
	v30 =	vadd.f32 v30, v42;
	v32 =	vmul.f32 $1.442695020e+00, v32  }
0x18b: {  	v34 =	vmul.f32 v37, v23;
	[tilespmem:v18+s8+$0x0] =	vst.idx.add.f32.msk $0xffff, v39  }
0x18c: {  	[tilespmem:v13+s7+$0x0] =	vst.idx.add.f32.msk $0xffff, v31;
	v31 =	vmul.f32 v31, v24;
	v35 =	vmul.f32 $2.000000030e-01, v30  }
0x18d: {  	v28 =	vmul.f32 v28, v17;
	v36 =	vld [tilespmem:$0x5A00];
	(erf) = vpow2.f32 v32  }
0x18e: {  	[tilespmem:v13+s8+$0x0] =	vst.idx.add.f32.msk $0xffff, v31;
	v30 =	vmax.f32 v30, v35  }
0x18f: {  	v28 =	vadd.f32 v28, v34;
	v31 =	vld [tilespmem:$0x5A00];
	v32 =	vmul.f32 v33, v21;
	v30 =	vsub.f32 v30, v40  }
0x190: {  	v33 =	vld [tilespmem:$0x5980]  }
0x191: {  	v28 =	vadd.f32 v28, v44;
	v34 =	vld [tilespmem:$0x5A00];
	v30 =	vmul.f32 $1.442695020e+00, v30  }
0x192: {  	v35 =	vld [tilespmem:$0x5980];
	v36 =	vmul.f32 v36, v14;
	v37 =	vpop (erf)  }
0x193: {  	v39 =	vmul.f32 $2.000000030e-01, v28;
	v38 =	vld [tilespmem:$0x5A80];
	(erf) = vpow2.f32 v30  }
0x194: {  	v40 =	vmul.f32 v43, v10;
	v10 =	vmov v29;
	v30 =	vld [tilespmem:$0x5A80]  }
0x195: {  	v31 =	vmul.f32 v31, v20;
	v28 =	vmax.f32 v28, v39;
	v29 =	vmul.f32 v33, v24;
	v33 =	vld [tilespmem:$0x5A80]  }
0x196: {  	v28 =	vsub.f32 v28, v41;
	v41 =	vmul.f32 v40, v6;
	v39 =	vld [tilespmem:$0x5B00];
	v34 =	vmul.f32 v34, v16;
	v42 =	vpop (erf)  }
0x197: {  	v6 =	vmov v23;
	v43 =	vld [tilespmem:$0x5B00];
	v35 =	vmul.f32 v35, v22  }
0x198: {  	v23 =	vadd.f32 v31, v29;
	v28 =	vmul.f32 $1.442695020e+00, v28;
	v29 =	vadd.f32 v34, v32;
	[tilespmem:v3+s13+$0x0] =	vst.idx.add.f32.msk $0xffff, v40  }
0x199: {  	v32 =	vmul.f32 v37, v12;
	v31 =	vadd.f32 v36, v35;
	[tilespmem:v3+s14+$0x0] =	vst.idx.add.f32.msk $0xffff, v41;
	v3 =	vmov v15  }
0x19a: {  	v12 =	vmovc v26;
	v15 =	vadd.f32 v23, v30;
	v23 =	vld [tilespmem:$0x5B00];
	v29 =	vadd.f32 v29, v33;
	(erf) = vpow2.f32 v28  }
0x19b: {  	v26 =	vmul.f32 v32, v8;
	v8 =	vmov v24;
	[tilespmem:v5+s13+$0x0] =	vst.idx.add.f32.msk $0xffff, v32  }
0x19c: {  	v24 =	vadd.f32 v31, v38;
	v28 =	vmul.f32 $2.000000030e-01, v29;
	v30 =	vpop (erf)  }
0x19d: {  	[tilespmem:v5+s14+$0x0] =	vst.idx.add.f32.msk $0xffff, v26;
	v26 =	vmul.f32 v30, v11;
	v5 =	vmov v13;
	v11 =	vmov v25  }
0x19e: {  	v13 =	vmul.f32 $2.000000030e-01, v15;
	v25 =	vmax.f32 v29, v28;
	v28 =	vmul.f32 v42, v9;
	v9 =	vmovc v27  }
0x19f: {  	v27 =	vmul.f32 $2.000000030e-01, v24;
	v23 =	vsub.f32 v25, v23;
	[tilespmem:v2+s13+$0x0] =	vst.idx.add.f32.msk $0xffff, v26;
	v25 =	vmul.f32 v26, v7  }
0x1a0: {  	v13 =	vmax.f32 v15, v13;
	v7 =	vmovc v22;
	v15 =	vmul.f32 v28, v4;
	v4 =	vmov v21  }
0x1a1: {  	v13 =	vsub.f32 v13, v43;
	v21 =	vmax.f32 v24, v27;
	v22 =	vmul.f32 $1.442695020e+00, v23;
	[tilespmem:v2+s14+$0x0] =	vst.idx.add.f32.msk $0xffff, v25  }
0x1a2: {  	v21 =	vsub.f32 v21, v39;
	v2 =	vmov v18;
	[tilespmem:v1+s13+$0x0] =	vst.idx.add.f32.msk $0xffff, v28  }
0x1a3: {  	v13 =	vmul.f32 $1.442695020e+00, v13;
	(erf) = vpow2.f32 v22;
	v18 =	vpop (erf);
	[tilespmem:v1+s14+$0x0] =	vst.idx.add.f32.msk $0xffff, v15;
	v1 =	vmov v19  }
0x1a4: {  	v15 =	vmul.f32 $1.442695020e+00, v21;
	v31 =	vld [tilespmem:$0x5900]  }
0x1a5: {  	s24 =	sadd.s32 $0x40, s24;
	v18 =	vmul.f32 v18, v10;
	v32 =	vld [tilespmem:$0x5880];
	(erf) = vpow2.f32 v13  }
0x1a6: {  	v24 =	vld [tilespmem:s24+$0xFFFFFFE0];
	(erf) = vpow2.f32 v15  }
0x1a7: {  	v13 =	vmul.f32 v18, v6;
	[tilespmem:v3+s9+$0x0] =	vst.idx.add.f32.msk $0xffff, v18  }
0x1a8: {  	v29 =	vld [tilespmem:$0x5800]  }
0x1a9: {  	[tilespmem:v3+s10+$0x0] =	vst.idx.add.f32.msk $0xffff, v13  }
0x1aa: {  	v13 =	vld [tilespmem:$0x5B80]  }
0x1ab: {  	v15 =	vld [tilespmem:$0x5C00]  }
0x1ac: {  	v18 =	vld [tilespmem:$0x5C80];
	v19 =	vpop (erf)  }
0x1ad: {  	v19 =	vmul.f32 v19, v9;
	v21 =	vld [tilespmem:$0x5D00]  }
0x1ae: {  	v33 =	vld [tilespmem:$0x5780];
	v22 =	vpop (erf)  }
0x1af: {  	s25 =	sadd.s32 $0x40, s25;
	v22 =	vmul.f32 v22, v12;
	[tilespmem:v1+s9+$0x0] =	vst.idx.add.f32.msk $0xffff, v19;
	v23 =	vmul.f32 v13, v6;
	v25 =	vpop (erf)  }
0x1b0: {  	v13 =	vld [tilespmem:s25+$0xFFFFFFE0];
	v25 =	vmul.f32 v25, v11;
	v15 =	vmul.f32 v15, v17  }
0x1b1: {  	v19 =	vmul.f32 v19, v4;
	[tilespmem:v5+s9+$0x0] =	vst.idx.add.f32.msk $0xffff, v22  }
0x1b2: {  	[tilespmem:v2+s9+$0x0] =	vst.idx.add.f32.msk $0xffff, v25;
	v25 =	vmul.f32 v25, v7;
	v23 =	vadd.f32 v15, v23  }
0x1b3: {  	v15 =	vld [tilespmem:s25+$0x10]  }
0x1b4: {  	[tilespmem:v1+s10+$0x0] =	vst.idx.add.f32.msk $0xffff, v19;
	v18 =	vadd.f32 v23, v18  }
0x1b5: {  	v19 =	vld [tilespmem:$0x5B80]  }
0x1b6: {  	[tilespmem:v2+s10+$0x0] =	vst.idx.add.f32.msk $0xffff, v25;
	v23 =	vmul.f32 $2.000000030e-01, v18  }
0x1b7: {  	v25 =	vld [tilespmem:$0x5B80]  }
0x1b8: {  	v22 =	vmul.f32 v22, v8;
	v26 =	vld [tilespmem:$0x5C00];
	v18 =	vmax.f32 v18, v23  }
0x1b9: {  	v23 =	vld [tilespmem:$0x5C80];
	v18 =	vsub.f32 v18, v21  }
0x1ba: {  	[tilespmem:v5+s10+$0x0] =	vst.idx.add.f32.msk $0xffff, v22;
	v19 =	vmul.f32 v19, v4  }
0x1bb: {  	v21 =	vld [tilespmem:$0x5C00];
	v18 =	vmul.f32 $1.442695020e+00, v18  }
0x1bc: {  	v22 =	vld [tilespmem:$0x5B80];
	v25 =	vmul.f32 v25, v7  }
0x1bd: {  	v27 =	vld [tilespmem:$0x5C00];
	v26 =	vmul.f32 v26, v16;
	(erf) = vpow2.f32 v18  }
0x1be: {  	v28 =	vld [tilespmem:$0x5C80]  }
0x1bf: {  	v30 =	vld [tilespmem:$0x5C80];
	v18 =	vadd.f32 v26, v19  }
0x1c0: {  	v26 =	vld [tilespmem:$0x5D00];
	v19 =	vmul.f32 v21, v14  }
0x1c1: {  	v21 =	vmul.f32 v22, v8;
	v22 =	vld [tilespmem:$0x5D00];
	v23 =	vadd.f32 v18, v23  }
0x1c2: {  	v34 =	vld [tilespmem:s24+$0x10];
	v27 =	vmul.f32 v27, v20;
	v19 =	vadd.f32 v19, v25  }
0x1c3: {  	v18 =	vld [tilespmem:s25+$0xFFFFFFF0];
	v25 =	vmul.f32 $2.000000030e-01, v23  }
0x1c4: {  	v35 =	vld [tilespmem:s24+$0x0];
	v21 =	vadd.f32 v27, v21;
	v27 =	vadd.f32 v19, v28  }
0x1c5: {  	v19 =	vld [tilespmem:s25+$0x0];
	v36 =	vmax.f32 v23, v25  }
0x1c6: {  	v25 =	vld [tilespmem:$0x5D00];
	v21 =	vadd.f32 v21, v30;
	v28 =	vmul.f32 $2.000000030e-01, v27;
	v22 =	vsub.f32 v36, v22;
	v23 =	vpop (erf)  }
0x1c7: {  	v36 =	vld [tilespmem:s24+$0xFFFFFFF0];
	v23 =	vmul.f32 v23, v10  }
0x1c8: {  	v37 =	vld.idx.msk [tilespmem:v15+s4+$0x0], $0xffff;
	v30 =	vmul.f32 $2.000000030e-01, v21;
	v27 =	vmax.f32 v27, v28;
	v22 =	vmul.f32 $1.442695020e+00, v22  }
0x1c9: {  	v26 =	vsub.f32 v27, v26;
	[tilespmem:v3+s11+$0x0] =	vst.idx.add.f32.msk $0xffff, v23;
	v27 =	vmul.f32 v23, v6  }
0x1ca: {  	v23 =	vld.idx.msk [tilespmem:v34+s4+$0x0], $0xffff;
	v21 =	vmax.f32 v21, v30;
	(erf) = vpow2.f32 v22  }
0x1cb: {  	v22 =	vsub.f32 v21, v25;
	v25 =	vmul.f32 $1.442695020e+00, v26;
	[tilespmem:v3+s12+$0x0] =	vst.idx.add.f32.msk $0xffff, v27  }
0x1cc: {  	v21 =	vld.idx.msk [tilespmem:v35+s4+$0x0], $0xffff  }
0x1cd: {  	v30 =	vld.idx.msk [tilespmem:v19+s4+$0x0], $0xffff;
	v26 =	vmul.f32 $1.442695020e+00, v22;
	(erf) = vpow2.f32 v25  }
0x1ce: {  	v28 =	vld.idx.msk [tilespmem:v18+s4+$0x0], $0xffff  }
0x1cf: {  	v22 =	vld.idx.msk [tilespmem:v36+s4+$0x0], $0xffff;
	(erf) = vpow2.f32 v26  }
0x1d0: {  	v25 =	vmul.f32 v23, v33;
	v26 =	vmul.f32 v37, v29;
	v27 =	vld [tilespmem:$0x5D80]  }
0x1d1: {  	v34 =	vld [tilespmem:$0x5E00]  }
0x1d2: {  	v35 =	vmul.f32 v21, v33;
	v25 =	vadd.f32 v26, v25;
	v36 =	vld [tilespmem:$0x5E80]  }
0x1d3: {  	v26 =	vmul.f32 v30, v29;
	v40 =	vld.idx.msk [tilespmem:v13+s4+$0x0], $0xffff;
	v38 =	vpop (erf)  }
0x1d4: {  	v39 =	vmul.f32 v28, v29;
	v41 =	vadd.f32 v25, v32;
	v38 =	vmul.f32 v38, v9;
	v42 =	vld [tilespmem:$0x5F00]  }
0x1d5: {  	v25 =	vmul.f32 v22, v33;
	v35 =	vadd.f32 v26, v35;
	v24 =	vld.idx.msk [tilespmem:v24+s4+$0x0], $0xffff;
	v27 =	vmul.f32 v27, v6  }
0x1d6: {  	s26 =	sadd.s32 $0x40, s26;
	v45 =	vmul.f32 $2.000000030e-01, v41;
	[tilespmem:v1+s11+$0x0] =	vst.idx.add.f32.msk $0xffff, v38;
	v34 =	vmul.f32 v34, v17;
	v44 =	vpop (erf);
	v17 =	vmov v37  }
0x1d7: {  	v37 =	vadd.f32 v39, v25;
	v35 =	vadd.f32 v35, v32;
	v26 =	vld [tilespmem:s26+$0xFFFFFFE0];
	v39 =	vmul.f32 v44, v11  }
0x1d8: {  	v41 =	vmax.f32 v41, v45;
	v25 =	vld [tilespmem:s26+$0xFFFFFFF0];
	v34 =	vadd.f32 v34, v27;
	v43 =	vpop (erf)  }
0x1d9: {  	v37 =	vadd.f32 v37, v32;
	v44 =	vmul.f32 $2.000000030e-01, v35;
	[tilespmem:v2+s11+$0x0] =	vst.idx.add.f32.msk $0xffff, v39;
	v39 =	vmul.f32 v39, v7  }
0x1da: {  	v41 =	vsub.f32 v41, v31;
	v43 =	vmul.f32 v43, v12;
	v27 =	vld [tilespmem:s26+$0x0];
	v34 =	vadd.f32 v34, v36  }
0x1db: {  	v33 =	vmul.f32 v33, v24;
	v36 =	vmul.f32 $2.000000030e-01, v37;
	v35 =	vmax.f32 v35, v44;
	[tilespmem:v2+s12+$0x0] =	vst.idx.add.f32.msk $0xffff, v39  }
0x1dc: {  	v39 =	vmul.f32 v29, v40;
	v35 =	vsub.f32 v35, v31;
	[tilespmem:v5+s11+$0x0] =	vst.idx.add.f32.msk $0xffff, v43;
	v44 =	vmul.f32 $2.000000030e-01, v34  }
0x1dd: {  	v38 =	vmul.f32 v38, v4;
	v36 =	vmax.f32 v37, v36;
	v37 =	vmul.f32 $1.442695020e+00, v41;
	v29 =	vld [tilespmem:s26+$0x10]  }
0x1de: {  	v33 =	vadd.f32 v39, v33;
	v36 =	vsub.f32 v36, v31;
	v39 =	vmul.f32 v43, v8;
	v41 =	vld [tilespmem:$0x5D80]  }
0x1df: {  	v35 =	vmul.f32 $1.442695020e+00, v35;
	v34 =	vmax.f32 v34, v44;
	(erf) = vpow2.f32 v37;
	[tilespmem:v1+s12+$0x0] =	vst.idx.add.f32.msk $0xffff, v38  }
0x1e0: {  	v32 =	vadd.f32 v33, v32;
	v33 =	vmul.f32 $1.442695020e+00, v36;
	v34 =	vsub.f32 v34, v42;
	[tilespmem:v5+s12+$0x0] =	vst.idx.add.f32.msk $0xffff, v39  }
0x1e1: {  	(erf) = vpow2.f32 v35;
	v38 =	vld [tilespmem:$0x5D80]  }
0x1e2: {  	v34 =	vmul.f32 $1.442695020e+00, v34;
	(erf) = vpow2.f32 v33;
	v42 =	vld [tilespmem:$0x5E00]  }
.Ltmp3:
0x1e3: {  	v36 =	vmul.f32 $2.000000030e-01, v32;
	v33 =	vmul.f32 v41, v7;
	v35 =	vld [tilespmem:$0x5D80];
	(pc) =	sbr.rel @p0 .LBB2_5-.Ltmp3, $4  }
0x1e4: {  	v37 =	vld [tilespmem:$0x5E00];
	(erf) = vpow2.f32 v34  }
0x1e5: {  	v32 =	vmax.f32 v32, v36;
	v36 =	vld [tilespmem:$0x5E80]  }
0x1e6: {  	v39 =	vsub.f32 v32, v31;
	v34 =	vld [tilespmem:$0x5E00]  }
0x1e7: {  	v38 =	vmul.f32 v38, v8;
	v32 =	vld [tilespmem:$0x5F00];
	v31 =	vmul.f32 v42, v20;
	v20 =	vmov v40  }
0x1e8: {  	_ = 	snop  }
0x1e9: {  	v40 =	vpop (erf);
	v41 =	vld [tilespmem:$0x5E80]  }
0x1ea: {  	v42 =	vld [tilespmem:$0x5F00];
	v40 =	vmul.f32 v40, v29  }
0x1eb: {  	v39 =	vmul.f32 $1.442695020e+00, v39;
	v44 =	vld [tilespmem:$0x5E80];
	v43 =	vpop (erf)  }
0x1ec: {  	v43 =	vmul.f32 v43, v27;
	[tilespmem:v15+s7+$0x0] =	vst.idx.add.f32.msk $0xffff, v40  }
0x1ed: {  	(erf) = vpow2.f32 v39;
	v54 =	vmul.f32 v40, v23;
	v40 =	vld [tilespmem:$0x5F00]  }
0x1ee: {  	v55 =	vpop (erf);
	[tilespmem:v19+s7+$0x0] =	vst.idx.add.f32.msk $0xffff, v43  }
0x1ef: {  	v39 =	vmul.f32 v55, v25;
	[tilespmem:v15+s8+$0x0] =	vst.idx.add.f32.msk $0xffff, v54  }
0x1f0: {  	v46 =	vld [tilespmem:$0x5980]  }
0x1f1: {  	[tilespmem:v18+s7+$0x0] =	vst.idx.add.f32.msk $0xffff, v39  }
0x1f2: {  	v43 =	vmul.f32 v43, v21;
	v57 =	vld [tilespmem:$0x5A00]  }
0x1f3: {  	v31 =	vadd.f32 v31, v38;
	v56 =	vmul.f32 v39, v22;
	v59 =	vld [tilespmem:$0x5A80]  }
0x1f4: {  	v35 =	vmul.f32 v35, v4;
	v37 =	vmul.f32 v37, v16;
	[tilespmem:v19+s8+$0x0] =	vst.idx.add.f32.msk $0xffff, v43  }
0x1f5: {  	v31 =	vadd.f32 v31, v36;
	v16 =	vpop (erf);
	[tilespmem:v18+s8+$0x0] =	vst.idx.add.f32.msk $0xffff, v56  }
0x1f6: {  	v35 =	vadd.f32 v37, v35;
	v61 =	vld [tilespmem:$0x5980];
	v58 =	vpop (erf)  }
0x1f7: {  	v60 =	vmul.f32 $2.000000030e-01, v31;
	v49 =	vld [tilespmem:$0x5A00];
	v36 =	vmul.f32 v58, v26  }
0x1f8: {  	v14 =	vmul.f32 v34, v14;
	v35 =	vadd.f32 v35, v41;
	v63 =	vld [tilespmem:$0x5A00]  }
0x1f9: {  	v31 =	vmax.f32 v31, v60;
	[tilespmem:v13+s7+$0x0] =	vst.idx.add.f32.msk $0xffff, v36;
	v36 =	vmul.f32 v36, v24  }
0x1fa: {  	v14 =	vadd.f32 v14, v33;
	v62 =	vmul.f32 $2.000000030e-01, v35;
	v31 =	vsub.f32 v31, v32;
	v52 =	vld [tilespmem:$0x5980]  }
0x1fb: {  	v46 =	vmul.f32 v46, v23;
	v39 =	vmul.f32 v57, v17;
	[tilespmem:v13+s8+$0x0] =	vst.idx.add.f32.msk $0xffff, v36  }
0x1fc: {  	v14 =	vadd.f32 v14, v44;
	v35 =	vmax.f32 v35, v62;
	v31 =	vmul.f32 $1.442695020e+00, v31;
	v47 =	vld [tilespmem:$0x5A00]  }
0x1fd: {  	v35 =	vsub.f32 v35, v42;
	v48 =	vadd.f32 v39, v46;
	v50 =	vld [tilespmem:$0x5980]  }
0x1fe: {  	v51 =	vmul.f32 $2.000000030e-01, v14;
	(erf) = vpow2.f32 v31  }
0x1ff: {  	v45 =	vld [tilespmem:$0x5B00];
	v31 =	vmul.f32 $1.442695020e+00, v35;
	v34 =	vmul.f32 v61, v21;
	v36 =	vadd.f32 v48, v59  }
0x200: {  	v54 =	vld [tilespmem:$0x5A80];
	v38 =	vmul.f32 v49, v30;
	v33 =	vmul.f32 v63, v28  }
0x201: {  	v14 =	vmax.f32 v14, v51;
	v57 =	vmul.f32 v52, v22;
	v55 =	vld [tilespmem:$0x5A80];
	v53 =	vmul.f32 $2.000000030e-01, v36  }
0x202: {  	v56 =	vld [tilespmem:$0x5A80];
	v14 =	vsub.f32 v14, v40;
	v39 =	vmul.f32 v50, v24;
	v32 =	vmul.f32 v47, v20  }
0x203: {  	(erf) = vpow2.f32 v31;
	v34 =	vadd.f32 v38, v34;
	v35 =	vmax.f32 v36, v53  }
0x204: {  	v14 =	vmul.f32 $1.442695020e+00, v14;
	v35 =	vsub.f32 v35, v45;
	v31 =	vadd.f32 v32, v39  }
0x205: {  	v33 =	vadd.f32 v33, v57;
	v59 =	vld [tilespmem:$0x5B00];
	v34 =	vadd.f32 v34, v54  }
0x206: {  	(erf) = vpow2.f32 v14;
	v14 =	vld [tilespmem:$0x5B00];
	v58 =	vmul.f32 $1.442695020e+00, v35;
	v31 =	vadd.f32 v31, v55  }
0x207: {  	v61 =	vadd.f32 v33, v56;
	v62 =	vmul.f32 $2.000000030e-01, v34  }
0x208: {  	v60 =	vld [tilespmem:$0x5B00];
	(erf) = vpow2.f32 v58;
	v63 =	vmul.f32 $2.000000030e-01, v31  }
0x209: {  	v40 =	vmul.f32 $2.000000030e-01, v61  }
0x20a: {  	v33 =	vmax.f32 v34, v62;
	v31 =	vmax.f32 v31, v63  }
0x20b: {  	v33 =	vsub.f32 v33, v59;
	v14 =	vsub.f32 v31, v14;
	v31 =	vmax.f32 v61, v40;
	_ =	sdelay $0x1  }
0x20c: {  	v41 =	vmul.f32 $1.442695020e+00, v33;
	v42 =	vsub.f32 v31, v60  }
0x20d: {  	v43 =	vmul.f32 $1.442695020e+00, v14;
	v31 =	vpop (erf)  }
0x20e: {  	v33 =	vmul.f32 $1.442695020e+00, v42;
	v14 =	vpop (erf);
	(erf) = vpow2.f32 v41  }
0x20f: {  	v32 =	vpop (erf);
	(erf) = vpow2.f32 v43  }
0x210: {  	v44 =	vpop (erf);
	(erf) = vpow2.f32 v33  }
0x211: {  	v45 =	vmul.f32 v44, v29;
	_ =	sdelay $0x1  }
0x212: {  	v34 =	vmul.f32 v45, v23  }
0x213: {  	[tilespmem:v15+s9+$0x0] =	vst.idx.add.f32.msk $0xffff, v45  }
0x214: {  	[tilespmem:v15+s10+$0x0] =	vst.idx.add.f32.msk $0xffff, v34  }
0x215: {  	v33 =	vld [tilespmem:$0x5B80]  }
0x216: {  	v34 =	vld [tilespmem:$0x5C00];
	v46 =	vpop (erf)  }
0x217: {  	v47 =	vld [tilespmem:$0x5C80];
	v35 =	vmul.f32 v46, v27;
	v48 =	vpop (erf)  }
0x218: {  	v49 =	vld [tilespmem:$0x5D00];
	v37 =	vmul.f32 v48, v26;
	v50 =	vpop (erf)  }
0x219: {  	[tilespmem:v19+s9+$0x0] =	vst.idx.add.f32.msk $0xffff, v35;
	v39 =	vmul.f32 v50, v25  }
0x21a: {  	v35 =	vmul.f32 v35, v21;
	[tilespmem:v13+s9+$0x0] =	vst.idx.add.f32.msk $0xffff, v37  }
0x21b: {  	[tilespmem:v18+s9+$0x0] =	vst.idx.add.f32.msk $0xffff, v39  }
0x21c: {  	[tilespmem:v19+s10+$0x0] =	vst.idx.add.f32.msk $0xffff, v35  }
0x21d: {  	v52 =	vmul.f32 v37, v24;
	v35 =	vld [tilespmem:$0x5B80]  }
0x21e: {  	v39 =	vmul.f32 v39, v22;
	v51 =	vld [tilespmem:$0x5C00]  }
0x21f: {  	v33 =	vmul.f32 v33, v23;
	v34 =	vmul.f32 v34, v17;
	[tilespmem:v13+s10+$0x0] =	vst.idx.add.f32.msk $0xffff, v52  }
0x220: {  	[tilespmem:v18+s10+$0x0] =	vst.idx.add.f32.msk $0xffff, v39  }
0x221: {  	v33 =	vadd.f32 v34, v33;
	v39 =	vld [tilespmem:$0x5B80]  }
0x222: {  	v54 =	vld [tilespmem:$0x5C00]  }
0x223: {  	v34 =	vld [tilespmem:$0x5B80];
	v33 =	vadd.f32 v33, v47  }
0x224: {  	v55 =	vld [tilespmem:$0x5C00]  }
0x225: {  	v53 =	vld [tilespmem:$0x5C80];
	v36 =	vmul.f32 $2.000000030e-01, v33  }
0x226: {  	v56 =	vld [tilespmem:$0x5C80];
	v35 =	vmul.f32 v35, v21;
	v40 =	vmul.f32 v51, v30  }
0x227: {  	v39 =	vmul.f32 v39, v22;
	v41 =	vmul.f32 v54, v28  }
0x228: {  	v57 =	vld [tilespmem:$0x5C80];
	v33 =	vmax.f32 v33, v36;
	v34 =	vmul.f32 v34, v24;
	v35 =	vadd.f32 v40, v35  }
0x229: {  	v60 =	vmul.f32 v55, v20;
	v33 =	vsub.f32 v33, v49;
	v58 =	vadd.f32 v41, v39  }
0x22a: {  	v59 =	vld [tilespmem:$0x5D00];
	v35 =	vadd.f32 v35, v53  }
0x22b: {  	v61 =	vld [tilespmem:$0x5D00];
	v34 =	vadd.f32 v60, v34;
	v33 =	vmul.f32 $1.442695020e+00, v33;
	v38 =	vadd.f32 v58, v56  }
0x22c: {  	v62 =	vmul.f32 $2.000000030e-01, v35  }
0x22d: {  	v42 =	vld [tilespmem:$0x5D00];
	v34 =	vadd.f32 v34, v57;
	(erf) = vpow2.f32 v33;
	v63 =	vmul.f32 $2.000000030e-01, v38  }
0x22e: {  	v41 =	vmax.f32 v35, v62  }
0x22f: {  	v44 =	vmul.f32 $2.000000030e-01, v34;
	v33 =	vsub.f32 v41, v59;
	v43 =	vmax.f32 v38, v63  }
0x230: {  	v36 =	vsub.f32 v43, v61  }
0x231: {  	v34 =	vmax.f32 v34, v44;
	v33 =	vmul.f32 $1.442695020e+00, v33  }
0x232: {  	v45 =	vsub.f32 v34, v42;
	v36 =	vmul.f32 $1.442695020e+00, v36  }
0x233: {  	(erf) = vpow2.f32 v33  }
0x234: {  	v33 =	vmul.f32 $1.442695020e+00, v45;
	(erf) = vpow2.f32 v36;
	_ =	sdelay $0x1  }
0x235: {  	v46 =	vpop (erf);
	(erf) = vpow2.f32 v33  }
0x236: {  	v47 =	vmul.f32 v46, v29;
	_ =	sdelay $0x1  }
0x237: {  	v34 =	vmul.f32 v47, v23  }
0x238: {  	[tilespmem:v15+s11+$0x0] =	vst.idx.add.f32.msk $0xffff, v47  }
0x239: {  	[tilespmem:v15+s12+$0x0] =	vst.idx.add.f32.msk $0xffff, v34  }
0x23a: {  	v34 =	vld [tilespmem:$0x5D80];
	v48 =	vpop (erf)  }
0x23b: {  	v50 =	vld [tilespmem:$0x5E00];
	v33 =	vmul.f32 v48, v27;
	v49 =	vpop (erf)  }
0x23c: {  	v51 =	vld [tilespmem:$0x5E80];
	v35 =	vmul.f32 v49, v25  }
0x23d: {  	[tilespmem:v19+s11+$0x0] =	vst.idx.add.f32.msk $0xffff, v33;
	v52 =	vpop (erf);
	v33 =	vmul.f32 v33, v21  }
0x23e: {  	v54 =	vmul.f32 v52, v26;
	[tilespmem:v18+s11+$0x0] =	vst.idx.add.f32.msk $0xffff, v35  }
0x23f: {  	[tilespmem:v19+s12+$0x0] =	vst.idx.add.f32.msk $0xffff, v33  }
0x240: {  	[tilespmem:v13+s11+$0x0] =	vst.idx.add.f32.msk $0xffff, v54  }
0x241: {  	v53 =	vmul.f32 v35, v22;
	v57 =	vld [tilespmem:$0x5D80]  }
0x242: {  	v35 =	vmul.f32 v54, v24;
	v58 =	vld [tilespmem:$0x5E00]  }
0x243: {  	[tilespmem:v18+s12+$0x0] =	vst.idx.add.f32.msk $0xffff, v53  }
0x244: {  	[tilespmem:v13+s12+$0x0] =	vst.idx.add.f32.msk $0xffff, v35  }
0x245: {  	v56 =	vld [tilespmem:$0x5D80]  }
0x246: {  	v35 =	vld [tilespmem:$0x5E00]  }
0x247: {  	v55 =	vld [tilespmem:$0x5D80]  }
0x248: {  	v34 =	vmul.f32 v34, v23;
	v17 =	vmul.f32 v50, v17;
	v59 =	vld [tilespmem:$0x5E00]  }
0x249: {  	v63 =	vld [tilespmem:$0x5F00]  }
0x24a: {  	v17 =	vadd.f32 v17, v34;
	v60 =	vld [tilespmem:$0x5E80]  }
0x24b: {  	v61 =	vld [tilespmem:$0x5E80];
	v33 =	vmul.f32 v56, v24;
	v20 =	vmul.f32 v35, v20  }
0x24c: {  	v17 =	vadd.f32 v17, v51;
	v62 =	vld [tilespmem:$0x5E80];
	v30 =	vmul.f32 v58, v30;
	v39 =	vmul.f32 v57, v21  }
0x24d: {  	v38 =	vmul.f32 v55, v22;
	v28 =	vmul.f32 v59, v28;
	v20 =	vadd.f32 v20, v33  }
0x24e: {  	v44 =	vmul.f32 $2.000000030e-01, v17;
	v30 =	vadd.f32 v30, v39  }
0x24f: {  	v45 =	vld [tilespmem:$0x5F00];
	v28 =	vadd.f32 v28, v38;
	v20 =	vadd.f32 v20, v60  }
0x250: {  	v46 =	vld [tilespmem:$0x5F00];
	v17 =	vmax.f32 v17, v44;
	v30 =	vadd.f32 v30, v61  }
0x251: {  	v47 =	vld [tilespmem:$0x5F00];
	v17 =	vsub.f32 v17, v63;
	v28 =	vadd.f32 v28, v62;
	v48 =	vmul.f32 $2.000000030e-01, v20  }
0x252: {  	v49 =	vmul.f32 $2.000000030e-01, v30  }
0x253: {  	v17 =	vmul.f32 $1.442695020e+00, v17;
	v50 =	vmul.f32 $2.000000030e-01, v28;
	v20 =	vmax.f32 v20, v48  }
0x254: {  	v10 =	vmul.f32 v16, v10;
	v30 =	vmax.f32 v30, v49;
	v20 =	vsub.f32 v20, v45  }
0x255: {  	(erf) = vpow2.f32 v17;
	v30 =	vsub.f32 v30, v46;
	v28 =	vmax.f32 v28, v50  }
0x256: {  	v6 =	vmul.f32 v10, v6;
	v17 =	vmul.f32 $1.442695020e+00, v20;
	v20 =	vsub.f32 v28, v47  }
0x257: {  	v12 =	vmul.f32 v31, v12;
	v16 =	vmul.f32 $1.442695020e+00, v30  }
0x258: {  	[tilespmem:v3+s13+$0x0] =	vst.idx.add.f32.msk $0xffff, v10;
	(erf) = vpow2.f32 v17;
	v17 =	vmul.f32 $1.442695020e+00, v20  }
0x259: {  	[tilespmem:v3+s14+$0x0] =	vst.idx.add.f32.msk $0xffff, v6;
	v3 =	vmul.f32 v12, v8;
	(erf) = vpow2.f32 v16  }
0x25a: {  	v6 =	vmul.f32 v32, v11;
	(erf) = vpow2.f32 v17  }
0x25b: {  	[tilespmem:v5+s13+$0x0] =	vst.idx.add.f32.msk $0xffff, v12  }
0x25c: {  	[tilespmem:v5+s14+$0x0] =	vst.idx.add.f32.msk $0xffff, v3;
	v3 =	vmul.f32 v14, v9  }
0x25d: {  	v5 =	vmul.f32 v6, v7  }
0x25e: {  	[tilespmem:v2+s13+$0x0] =	vst.idx.add.f32.msk $0xffff, v6;
	v4 =	vmul.f32 v3, v4;
	v6 =	vpop (erf)  }
0x25f: {  	[tilespmem:v2+s14+$0x0] =	vst.idx.add.f32.msk $0xffff, v5;
	v2 =	vmul.f32 v6, v29;
	_ =	sdelay $0x1  }
0x260: {  	[tilespmem:v1+s13+$0x0] =	vst.idx.add.f32.msk $0xffff, v3;
	v3 =	vpop (erf)  }
0x261: {  	[tilespmem:v1+s14+$0x0] =	vst.idx.add.f32.msk $0xffff, v4;
	v1 =	vmul.f32 v2, v23;
	v4 =	vpop (erf);
	v3 =	vmul.f32 v3, v26  }
0x262: {  	[tilespmem:v15+s13+$0x0] =	vst.idx.add.f32.msk $0xffff, v2;
	v2 =	vpop (erf)  }
0x263: {  	[tilespmem:v15+s14+$0x0] =	vst.idx.add.f32.msk $0xffff, v1;
	v1 =	vmul.f32 v3, v24;
	v2 =	vmul.f32 v2, v25  }
0x264: {  	[tilespmem:v13+s13+$0x0] =	vst.idx.add.f32.msk $0xffff, v3  }
0x265: {  	[tilespmem:v13+s14+$0x0] =	vst.idx.add.f32.msk $0xffff, v1;
	v1 =	vmul.f32 v4, v27;
	v3 =	vmul.f32 v2, v22  }
0x266: {  	[tilespmem:v18+s13+$0x0] =	vst.idx.add.f32.msk $0xffff, v2  }
0x267: {  	v2 =	vmul.f32 v1, v21;
	[tilespmem:v18+s14+$0x0] =	vst.idx.add.f32.msk $0xffff, v3  }
0x268: {  	[tilespmem:v19+s13+$0x0] =	vst.idx.add.f32.msk $0xffff, v1  }
0x269: {  	[tilespmem:v19+s14+$0x0] =	vst.idx.add.f32.msk $0xffff, v2  }
0x26a: {  	v1 =	vld [tilespmem:$0x2F40]  }
0x26b: {  	v2 =	vld [tilespmem:$0x3F40];
	_ =	sdelay $0x4  }
0x26c: {  	v4 =	vld [tilespmem:$0x5780]  }
0x26d: {  	v5 =	vld [tilespmem:$0x5800]  }
0x26e: {  	v1 =	vld.idx.msk [tilespmem:v1+s4+$0x0], $0xffff  }
0x26f: {  	v3 =	vld.idx.msk [tilespmem:v2+s4+$0x0], $0xffff;
	_ =	sdelay $0x3  }
0x270: {  	v6 =	vld [tilespmem:$0x5880]  }
0x271: {  	v4 =	vmul.f32 v4, v1;
	v5 =	vmul.f32 v5, v3;
	_ =	sdelay $0x1  }
0x272: {  	v4 =	vadd.f32 v5, v4;
	_ =	sdelay $0x1  }
0x273: {  	v5 =	vld [tilespmem:$0x5900];
	v4 =	vadd.f32 v4, v6;
	_ =	sdelay $0x1  }
0x274: {  	v6 =	vmul.f32 $2.000000030e-01, v4;
	_ =	sdelay $0x1  }
0x275: {  	v4 =	vmax.f32 v4, v6  }
0x276: {  	v4 =	vsub.f32 v4, v5;
	_ =	sdelay $0x1  }
0x277: {  	v4 =	vmul.f32 $1.442695020e+00, v4;
	_ =	sdelay $0x1  }
0x278: {  	(erf) = vpow2.f32 v4;
	_ =	sdelay $0x4  }
0x279: {  	v4 =	vld [tilespmem:$0x4F40];
	_ =	sdelay $0x3  }
0x27a: {  	v5 =	vpop (erf)  }
0x27b: {  	v5 =	vmul.f32 v5, v4;
	_ =	sdelay $0x1  }
0x27c: {  	v6 =	vmul.f32 v5, v1  }
0x27d: {  	[tilespmem:v2+s7+$0x0] =	vst.idx.add.f32.msk $0xffff, v5  }
0x27e: {  	[tilespmem:v2+s8+$0x0] =	vst.idx.add.f32.msk $0xffff, v6  }
0x27f: {  	v5 =	vld [tilespmem:$0x5980]  }
0x280: {  	v6 =	vld [tilespmem:$0x5A00];
	_ =	sdelay $0x3  }
0x281: {  	v7 =	vld [tilespmem:$0x5A80]  }
0x282: {  	v5 =	vmul.f32 v5, v1;
	v6 =	vmul.f32 v6, v3;
	_ =	sdelay $0x1  }
0x283: {  	v5 =	vadd.f32 v6, v5;
	_ =	sdelay $0x1  }
0x284: {  	v6 =	vld [tilespmem:$0x5B00];
	v5 =	vadd.f32 v5, v7;
	_ =	sdelay $0x1  }
0x285: {  	v7 =	vmul.f32 $2.000000030e-01, v5;
	_ =	sdelay $0x1  }
0x286: {  	v5 =	vmax.f32 v5, v7  }
0x287: {  	v5 =	vsub.f32 v5, v6;
	_ =	sdelay $0x1  }
0x288: {  	v5 =	vmul.f32 $1.442695020e+00, v5;
	_ =	sdelay $0x1  }
0x289: {  	(erf) = vpow2.f32 v5;
	_ =	sdelay $0x8  }
0x28a: {  	v5 =	vpop (erf)  }
0x28b: {  	v5 =	vmul.f32 v5, v4;
	_ =	sdelay $0x1  }
0x28c: {  	v6 =	vmul.f32 v5, v1  }
0x28d: {  	[tilespmem:v2+s9+$0x0] =	vst.idx.add.f32.msk $0xffff, v5  }
0x28e: {  	[tilespmem:v2+s10+$0x0] =	vst.idx.add.f32.msk $0xffff, v6  }
0x28f: {  	v5 =	vld [tilespmem:$0x5B80]  }
0x290: {  	v6 =	vld [tilespmem:$0x5C00];
	_ =	sdelay $0x3  }
0x291: {  	v7 =	vld [tilespmem:$0x5C80]  }
0x292: {  	v5 =	vmul.f32 v5, v1;
	v6 =	vmul.f32 v6, v3;
	_ =	sdelay $0x1  }
0x293: {  	v5 =	vadd.f32 v6, v5;
	_ =	sdelay $0x1  }
0x294: {  	v6 =	vld [tilespmem:$0x5D00];
	v5 =	vadd.f32 v5, v7;
	_ =	sdelay $0x1  }
0x295: {  	v7 =	vmul.f32 $2.000000030e-01, v5;
	_ =	sdelay $0x1  }
0x296: {  	v5 =	vmax.f32 v5, v7  }
0x297: {  	v5 =	vsub.f32 v5, v6;
	_ =	sdelay $0x1  }
0x298: {  	v5 =	vmul.f32 $1.442695020e+00, v5;
	_ =	sdelay $0x1  }
0x299: {  	(erf) = vpow2.f32 v5;
	_ =	sdelay $0x8  }
0x29a: {  	v5 =	vpop (erf)  }
0x29b: {  	v5 =	vmul.f32 v5, v4;
	_ =	sdelay $0x1  }
0x29c: {  	v6 =	vmul.f32 v5, v1  }
0x29d: {  	[tilespmem:v2+s11+$0x0] =	vst.idx.add.f32.msk $0xffff, v5  }
0x29e: {  	[tilespmem:v2+s12+$0x0] =	vst.idx.add.f32.msk $0xffff, v6  }
0x29f: {  	v5 =	vld [tilespmem:$0x5D80]  }
0x2a0: {  	v6 =	vld [tilespmem:$0x5E00];
	_ =	sdelay $0x3  }
0x2a1: {  	v7 =	vld [tilespmem:$0x5E80]  }
0x2a2: {  	v5 =	vmul.f32 v5, v1;
	v3 =	vmul.f32 v6, v3;
	_ =	sdelay $0x1  }
0x2a3: {  	v3 =	vadd.f32 v3, v5;
	_ =	sdelay $0x1  }
0x2a4: {  	v5 =	vld [tilespmem:$0x5F00];
	v3 =	vadd.f32 v3, v7;
	_ =	sdelay $0x1  }
0x2a5: {  	v6 =	vmul.f32 $2.000000030e-01, v3;
	_ =	sdelay $0x1  }
0x2a6: {  	v3 =	vmax.f32 v3, v6  }
0x2a7: {  	v3 =	vsub.f32 v3, v5;
	_ =	sdelay $0x1  }
0x2a8: {  	v3 =	vmul.f32 $1.442695020e+00, v3;
	_ =	sdelay $0x1  }
0x2a9: {  	(erf) = vpow2.f32 v3;
	_ =	sdelay $0x8  }
0x2aa: {  	p0 =	seq.s32 s23, $0x13;
	v3 =	vpop (erf)  }
0x2ab: {  	s1 =	smul.u32 @!p0 $0xFA0, s23;
	v3 =	vmul.f32 v3, v4;
	_ =	sdelay $0x1  }
0x2ac: {  	s1 =	sadd.s32 @!p0 s1, s21;
	v1 =	vmul.f32 v3, v1  }
0x2ad: {  	s1 =	sshrl.u32 @!p0 s1, $0x3;
	[tilespmem:v2+s13+$0x0] =	vst.idx.add.f32.msk $0xffff, v3  }
0x2ae: {  	s3 =	simm.s32 @!p0 $0x0;
	s6 =	simm.s32 @!p0 $0x2780;
	s2 =	sadd.s32 @!p0 s5, s1;
	[tilespmem:v2+s14+$0x0] =	vst.idx.add.f32.msk $0xffff, v1  }
0x2af: {  	[tilespmem:s6], [sflag:$0x1] =	stream.linear.gather @!p0 [hbm4b:s2+s3], $0x7D0, $0x38;
	[tilespmem:$0x19F80] =	vst v63  }
0x2b0: {  	s2 =	sadd.s32 @!p0 s15, s1;
	s6 =	simm.s32 @!p0 $0x3780  }
0x2b1: {  	[tilespmem:s6], [sflag:$0x2] =	stream.linear.gather @!p0 [hbm4b:s2+s3], $0x7D0, $0x38;
	[tilespmem:$0x19F80] =	vst v63  }
0x2b2: {  	s1 =	sadd.s32 @!p0 s16, s1;
	s2 =	simm.s32 @!p0 $0x4780  }
0x2b3: {  	[tilespmem:s2], [sflag:$0x3] =	stream.linear.gather @!p0 [hbm4b:s1+s3], $0x7D0, $0x38;
	[tilespmem:$0x19F80] =	vst v63  }
0x2b4: {  	_ =	swait.ge [sflag:s17], $0x7D0  }
0x2b5: {  	[sflag:s17] =	ssyncset.done $0x0  }
0x2b6: {  	[sflag:s17] =	ssyncadd.s32 $0xFFFFF830  }
0x2b7: {  	_ =	swait.ge [sflag:s18], $0x7D0  }
0x2b8: {  	[sflag:s18] =	ssyncset.done $0x0  }
0x2b9: {  	[sflag:s18] =	ssyncadd.s32 $0xFFFFF830  }
0x2ba: {  	_ =	swait.ge [sflag:s19], $0x7D0  }
0x2bb: {  	[sflag:s19] =	ssyncset.done $0x0  }
0x2bc: {  	s24 =	simm.s32 $0x3FA0;
	[sflag:s19] =	ssyncadd.s32 $0xFFFFF830  }
0x2bd: {  	s25 =	simm.s32 $0x2FA0;
	v3 =	vld [tilespmem:s24+$0x10]  }
0x2be: {  	v4 =	vld [tilespmem:s25+$0x10]  }
0x2bf: {  	v5 =	vld [tilespmem:s25+$0x0]  }
0x2c0: {  	v1 =	vld [tilespmem:s24+$0x0]  }
0x2c1: {  	v9 =	vld [tilespmem:$0x5800]  }
0x2c2: {  	v10 =	vld [tilespmem:$0x5780]  }
0x2c3: {  	v2 =	vld [tilespmem:s24+$0xFFFFFFF0]  }
0x2c4: {  	v7 =	vld [tilespmem:s25+$0xFFFFFFF0]  }
0x2c5: {  	v8 =	vld [tilespmem:s25+$0xFFFFFFE0]  }
0x2c6: {  	v25 =	vld.idx.msk [tilespmem:v3+s4+$0x0], $0xffff  }
0x2c7: {  	v6 =	vld.idx.msk [tilespmem:v4+s4+$0x0], $0xffff  }
0x2c8: {  	v4 =	vld.idx.msk [tilespmem:v5+s4+$0x0], $0xffff  }
0x2c9: {  	v16 =	vld.idx.msk [tilespmem:v1+s4+$0x0], $0xffff  }
0x2ca: {  	v5 =	vld [tilespmem:s24+$0xFFFFFFE0];
	_ =	sdelay $0x2  }
0x2cb: {  	v11 =	vld [tilespmem:$0x5880]  }
0x2cc: {  	v14 =	vld.idx.msk [tilespmem:v2+s4+$0x0], $0xffff;
	v12 =	vmul.f32 v6, v10;
	v13 =	vmul.f32 v25, v9  }
0x2cd: {  	v7 =	vld.idx.msk [tilespmem:v7+s4+$0x0], $0xffff;
	v15 =	vmul.f32 v4, v10;
	v17 =	vmul.f32 v16, v9  }
0x2ce: {  	v8 =	vld.idx.msk [tilespmem:v8+s4+$0x0], $0xffff;
	v12 =	vadd.f32 v13, v12  }
0x2cf: {  	v13 =	vadd.f32 v17, v15;
	v15 =	vld [tilespmem:$0x5900]  }
0x2d0: {  	v31 =	vld.idx.msk [tilespmem:v5+s4+$0x0], $0xffff;
	v12 =	vadd.f32 v12, v11  }
0x2d1: {  	v19 =	vmul.f32 v14, v9;
	v13 =	vadd.f32 v13, v11  }
0x2d2: {  	v20 =	vmul.f32 v7, v10;
	v17 =	vmul.f32 $2.000000030e-01, v12  }
0x2d3: {  	v18 =	vmul.f32 $2.000000030e-01, v13  }
0x2d4: {  	v10 =	vmul.f32 v10, v8;
	v12 =	vmax.f32 v12, v17;
	v17 =	vadd.f32 v19, v20  }
0x2d5: {  	v13 =	vmax.f32 v13, v18;
	v9 =	vmul.f32 v9, v31;
	v12 =	vsub.f32 v12, v15  }
0x2d6: {  	v13 =	vsub.f32 v13, v15;
	v17 =	vadd.f32 v17, v11  }
0x2d7: {  	v9 =	vadd.f32 v9, v10;
	v12 =	vmul.f32 $1.442695020e+00, v12  }
0x2d8: {  	v13 =	vmul.f32 $1.442695020e+00, v13;
	v10 =	vmul.f32 $2.000000030e-01, v17  }
0x2d9: {  	v11 =	vadd.f32 v9, v11;
	(erf) = vpow2.f32 v12  }
0x2da: {  	(erf) = vpow2.f32 v13;
	v9 =	vmax.f32 v17, v10  }
0x2db: {  	v13 =	vmul.f32 $2.000000030e-01, v11;
	v12 =	vsub.f32 v9, v15;
	_ =	sdelay $0x1  }
0x2dc: {  	s26 =	simm.s32 $0x4FA0;
	v11 =	vmax.f32 v11, v13;
	v12 =	vmul.f32 $1.442695020e+00, v12  }
0x2dd: {  	v10 =	vld [tilespmem:s26+$0x10];
	v11 =	vsub.f32 v11, v15  }
0x2de: {  	v9 =	vld [tilespmem:s26+$0x0];
	(erf) = vpow2.f32 v12;
	_ =	sdelay $0x2  }
0x2df: {  	v13 =	vmul.f32 $1.442695020e+00, v11;
	v11 =	vpop (erf)  }
0x2e0: {  	v12 =	vld [tilespmem:s26+$0xFFFFFFE0];
	v15 =	vmul.f32 v11, v10;
	v17 =	vpop (erf)  }
0x2e1: {  	(erf) = vpow2.f32 v13;
	v11 =	vld [tilespmem:s26+$0xFFFFFFF0];
	v17 =	vmul.f32 v17, v9  }
0x2e2: {  	[tilespmem:v3+s7+$0x0] =	vst.idx.add.f32.msk $0xffff, v15;
	v13 =	vmul.f32 v15, v6  }
0x2e3: {  	[tilespmem:v1+s7+$0x0] =	vst.idx.add.f32.msk $0xffff, v17  }
0x2e4: {  	[tilespmem:v3+s8+$0x0] =	vst.idx.add.f32.msk $0xffff, v13  }
0x2e5: {  	v13 =	vld [tilespmem:$0x5B00];
	v18 =	vpop (erf)  }
0x2e6: {  	v15 =	vld [tilespmem:$0x5980];
	v18 =	vmul.f32 v18, v11  }
0x2e7: {  	v17 =	vmul.f32 v17, v4;
	v19 =	vld [tilespmem:$0x5A80]  }
0x2e8: {  	v20 =	vld [tilespmem:$0x5A00]  }
0x2e9: {  	[tilespmem:v1+s8+$0x0] =	vst.idx.add.f32.msk $0xffff, v17  }
0x2ea: {  	v17 =	vmul.f32 v18, v7;
	[tilespmem:v2+s7+$0x0] =	vst.idx.add.f32.msk $0xffff, v18;
	v18 =	vpop (erf)  }
0x2eb: {  	v21 =	vld [tilespmem:$0x5980];
	v18 =	vmul.f32 v18, v12  }
0x2ec: {  	[tilespmem:v2+s8+$0x0] =	vst.idx.add.f32.msk $0xffff, v17  }
0x2ed: {  	v22 =	vld [tilespmem:$0x5980];
	v17 =	vmul.f32 v18, v8  }
0x2ee: {  	v15 =	vmul.f32 v15, v6;
	[tilespmem:v5+s7+$0x0] =	vst.idx.add.f32.msk $0xffff, v18;
	v18 =	vmul.f32 v20, v25  }
0x2ef: {  	[tilespmem:v5+s8+$0x0] =	vst.idx.add.f32.msk $0xffff, v17  }
0x2f0: {  	v15 =	vadd.f32 v18, v15;
	v17 =	vld [tilespmem:$0x5A00]  }
0x2f1: {  	v18 =	vld [tilespmem:$0x5A00]  }
0x2f2: {  	v15 =	vadd.f32 v15, v19;
	v19 =	vld [tilespmem:$0x5980]  }
0x2f3: {  	v20 =	vld [tilespmem:$0x5A00]  }
0x2f4: {  	v24 =	vld [tilespmem:$0x5A80];
	v23 =	vmul.f32 $2.000000030e-01, v15  }
0x2f5: {  	v21 =	vmul.f32 v21, v4;
	v17 =	vmul.f32 v17, v16  }
0x2f6: {  	v15 =	vmax.f32 v15, v23;
	v23 =	vld [tilespmem:$0x5A80];
	v18 =	vmul.f32 v18, v31  }
0x2f7: {  	v13 =	vsub.f32 v15, v13;
	v19 =	vmul.f32 v19, v8;
	v17 =	vadd.f32 v17, v21  }
0x2f8: {  	v20 =	vmul.f32 v20, v14;
	v15 =	vld [tilespmem:$0x5A80];
	v21 =	vmul.f32 v22, v7  }
0x2f9: {  	v13 =	vmul.f32 $1.442695020e+00, v13;
	v18 =	vadd.f32 v18, v19;
	v19 =	vld [tilespmem:$0x5B00];
	v17 =	vadd.f32 v17, v24  }
0x2fa: {  	v20 =	vadd.f32 v20, v21  }
0x2fb: {  	(erf) = vpow2.f32 v13;
	v13 =	vld [tilespmem:$0x5B00];
	v18 =	vadd.f32 v18, v23;
	v21 =	vmul.f32 $2.000000030e-01, v17;
	_ =	sdelay $0x1  }
0x2fc: {  	v22 =	vld [tilespmem:$0x5B00];
	v15 =	vadd.f32 v20, v15;
	v20 =	vmul.f32 $2.000000030e-01, v18;
	v17 =	vmax.f32 v17, v21  }
0x2fd: {  	v17 =	vsub.f32 v17, v19  }
0x2fe: {  	v21 =	vmul.f32 $2.000000030e-01, v15;
	v18 =	vmax.f32 v18, v20  }
0x2ff: {  	v13 =	vsub.f32 v18, v13;
	v17 =	vmul.f32 $1.442695020e+00, v17  }
0x300: {  	v15 =	vmax.f32 v15, v21  }
0x301: {  	v33 =	vld [tilespmem:$0x5880];
	v15 =	vsub.f32 v15, v22;
	v13 =	vmul.f32 $1.442695020e+00, v13  }
0x302: {  	v34 =	vld [tilespmem:$0x5800];
	(erf) = vpow2.f32 v17  }
0x303: {  	v29 =	vld [tilespmem:$0x5780];
	s24 =	simm.s32 $0x2FE0;
	v15 =	vmul.f32 $1.442695020e+00, v15;
	v17 =	vpop (erf);
	(erf) = vpow2.f32 v13  }
0x304: {  	v30 =	vld [tilespmem:s24+$0x10];
	v17 =	vmul.f32 v17, v10  }
0x305: {  	v51 =	vld [tilespmem:s24+$0x0];
	(erf) = vpow2.f32 v15  }
0x306: {  	v53 =	vld [tilespmem:s24+$0xFFFFFFF0];
	v13 =	vmul.f32 v17, v6  }
0x307: {  	[tilespmem:v3+s9+$0x0] =	vst.idx.add.f32.msk $0xffff, v17  }
0x308: {  	[tilespmem:v3+s10+$0x0] =	vst.idx.add.f32.msk $0xffff, v13  }
0x309: {  	v13 =	vld [tilespmem:$0x5B80]  }
0x30a: {  	v15 =	vld [tilespmem:$0x5C00]  }
0x30b: {  	v24 =	vld [tilespmem:s24+$0xFFFFFFE0];
	v18 =	vpop (erf)  }
0x30c: {  	v17 =	vld [tilespmem:$0x5C80];
	v18 =	vmul.f32 v18, v9;
	v20 =	vpop (erf)  }
0x30d: {  	v19 =	vld [tilespmem:$0x5D00];
	v20 =	vmul.f32 v20, v12  }
0x30e: {  	[tilespmem:v1+s9+$0x0] =	vst.idx.add.f32.msk $0xffff, v18;
	v22 =	vpop (erf);
	v18 =	vmul.f32 v18, v4;
	v21 =	vmul.f32 v13, v6  }
0x30f: {  	v22 =	vmul.f32 v22, v11;
	v15 =	vmul.f32 v15, v25;
	[tilespmem:v5+s9+$0x0] =	vst.idx.add.f32.msk $0xffff, v20  }
0x310: {  	[tilespmem:v1+s10+$0x0] =	vst.idx.add.f32.msk $0xffff, v18  }
0x311: {  	[tilespmem:v2+s9+$0x0] =	vst.idx.add.f32.msk $0xffff, v22;
	v21 =	vadd.f32 v15, v21  }
0x312: {  	v20 =	vmul.f32 v20, v8;
	v18 =	vld [tilespmem:$0x5B80]  }
0x313: {  	v22 =	vmul.f32 v22, v7;
	v23 =	vld [tilespmem:$0x5C00];
	v17 =	vadd.f32 v21, v17  }
0x314: {  	[tilespmem:v5+s10+$0x0] =	vst.idx.add.f32.msk $0xffff, v20  }
0x315: {  	[tilespmem:v2+s10+$0x0] =	vst.idx.add.f32.msk $0xffff, v22;
	v21 =	vmul.f32 $2.000000030e-01, v17  }
0x316: {  	v20 =	vld [tilespmem:$0x5B80]  }
0x317: {  	v22 =	vld [tilespmem:$0x5B80];
	v17 =	vmax.f32 v17, v21  }
0x318: {  	v17 =	vsub.f32 v17, v19;
	v19 =	vld [tilespmem:$0x5C00]  }
0x319: {  	v18 =	vmul.f32 v18, v4;
	v21 =	vld [tilespmem:$0x5C80]  }
0x31a: {  	s25 =	simm.s32 $0x3FE0;
	v26 =	vld [tilespmem:$0x5C00];
	v23 =	vmul.f32 v23, v16;
	v17 =	vmul.f32 $1.442695020e+00, v17  }
0x31b: {  	v15 =	vld [tilespmem:s25+$0x10]  }
0x31c: {  	v18 =	vadd.f32 v23, v18;
	(erf) = vpow2.f32 v17;
	v17 =	vld [tilespmem:$0x5C80]  }
0x31d: {  	v28 =	vld [tilespmem:$0x5D00];
	v22 =	vmul.f32 v22, v7;
	v19 =	vmul.f32 v19, v14  }
0x31e: {  	v27 =	vld [tilespmem:$0x5C80];
	v21 =	vadd.f32 v18, v21  }
0x31f: {  	v20 =	vmul.f32 v20, v8;
	v18 =	vld [tilespmem:s25+$0xFFFFFFF0];
	v19 =	vadd.f32 v19, v22;
	v22 =	vmul.f32 v26, v31  }
0x320: {  	v24 =	vld.idx.msk [tilespmem:v24+s4+$0x0], $0xffff;
	v26 =	vmul.f32 $2.000000030e-01, v21  }
0x321: {  	v23 =	vld [tilespmem:$0x5D00];
	v52 =	vadd.f32 v19, v17;
	v17 =	vadd.f32 v22, v20  }
0x322: {  	v19 =	vld [tilespmem:s25+$0x0];
	v20 =	vmax.f32 v21, v26  }
0x323: {  	v13 =	vld [tilespmem:s25+$0xFFFFFFE0];
	v20 =	vsub.f32 v20, v28;
	v22 =	vmul.f32 $2.000000030e-01, v52;
	v27 =	vadd.f32 v17, v27  }
0x324: {  	v21 =	vld [tilespmem:$0x5D00]  }
0x325: {  	v17 =	vld.idx.msk [tilespmem:v15+s4+$0x0], $0xffff;
	v20 =	vmul.f32 $1.442695020e+00, v20;
	v26 =	vpop (erf);
	v22 =	vmax.f32 v52, v22;
	v28 =	vmul.f32 $2.000000030e-01, v27  }
0x326: {  	v26 =	vmul.f32 v26, v10;
	v22 =	vsub.f32 v22, v23;
	v23 =	vld.idx.msk [tilespmem:v30+s4+$0x0], $0xffff  }
0x327: {  	(erf) = vpow2.f32 v20;
	v20 =	vmax.f32 v27, v28;
	v28 =	vld.idx.msk [tilespmem:v18+s4+$0x0], $0xffff  }
0x328: {  	[tilespmem:v3+s11+$0x0] =	vst.idx.add.f32.msk $0xffff, v26  }
0x329: {  	v26 =	vmul.f32 v26, v6;
	v20 =	vsub.f32 v20, v21;
	v21 =	vld.idx.msk [tilespmem:v51+s4+$0x0], $0xffff  }
0x32a: {  	v22 =	vmul.f32 $1.442695020e+00, v22;
	v30 =	vld.idx.msk [tilespmem:v19+s4+$0x0], $0xffff  }
0x32b: {  	[tilespmem:v3+s12+$0x0] =	vst.idx.add.f32.msk $0xffff, v26  }
0x32c: {  	(erf) = vpow2.f32 v22;
	v22 =	vld.idx.msk [tilespmem:v53+s4+$0x0], $0xffff  }
0x32d: {  	v20 =	vmul.f32 $1.442695020e+00, v20;
	v26 =	vld [tilespmem:$0x5D80]  }
0x32e: {  	v55 =	vmul.f32 v17, v34;
	v27 =	vld [tilespmem:$0x5E00];
	v54 =	vmul.f32 v23, v29  }
0x32f: {  	(erf) = vpow2.f32 v20;
	v20 =	vld.idx.msk [tilespmem:v13+s4+$0x0], $0xffff  }
0x330: {  	v32 =	vld [tilespmem:$0x5900];
	v52 =	vmul.f32 v29, v24;
	v62 =	vmul.f32 v28, v34;
	v35 =	vadd.f32 v55, v54  }
0x331: {  	v56 =	vld [tilespmem:$0x5E80];
	v58 =	vmul.f32 v21, v29;
	v61 =	vmul.f32 v30, v34;
	v57 =	vpop (erf)  }
0x332: {  	s26 =	simm.s32 $0x4FE0;
	v60 =	vld [tilespmem:$0x5F00];
	v35 =	vadd.f32 v35, v33;
	v63 =	vmul.f32 v22, v29;
	v59 =	vmul.f32 v57, v9  }
0x333: {  	v29 =	vld [tilespmem:s26+$0x10];
	v39 =	vadd.f32 v61, v58;
	v48 =	vmul.f32 v26, v6;
	v27 =	vmul.f32 v27, v25  }
0x334: {  	v49 =	vmul.f32 $2.000000030e-01, v35;
	v41 =	vadd.f32 v62, v63;
	v34 =	vmul.f32 v34, v20;
	[tilespmem:v1+s11+$0x0] =	vst.idx.add.f32.msk $0xffff, v59  }
0x335: {  	v26 =	vld [tilespmem:s26+$0xFFFFFFE0];
	v39 =	vadd.f32 v39, v33;
	v40 =	vadd.f32 v27, v48;
	v36 =	vmul.f32 v59, v4;
	v47 =	vpop (erf)  }
0x336: {  	v25 =	vld [tilespmem:s26+$0xFFFFFFF0];
	v35 =	vmax.f32 v35, v49;
	v41 =	vadd.f32 v41, v33;
	v43 =	vmul.f32 v47, v11  }
0x337: {  	v27 =	vld [tilespmem:s26+$0x0];
	v34 =	vadd.f32 v34, v52;
	v51 =	vmul.f32 $2.000000030e-01, v39;
	v37 =	vadd.f32 v40, v56  }
0x338: {  	v35 =	vsub.f32 v35, v32;
	v50 =	vpop (erf);
	v53 =	vmul.f32 $2.000000030e-01, v41;
	[tilespmem:v2+s11+$0x0] =	vst.idx.add.f32.msk $0xffff, v43;
	v43 =	vmul.f32 v43, v7  }
0x339: {  	[tilespmem:v1+s12+$0x0] =	vst.idx.add.f32.msk $0xffff, v36;
	v42 =	vmul.f32 v50, v12;
	v39 =	vmax.f32 v39, v51;
	v55 =	vmul.f32 $2.000000030e-01, v37  }
0x33a: {  	v35 =	vmul.f32 $1.442695020e+00, v35;
	v54 =	vsub.f32 v39, v32;
	v41 =	vmax.f32 v41, v53;
	[tilespmem:v2+s12+$0x0] =	vst.idx.add.f32.msk $0xffff, v43  }
0x33b: {  	[tilespmem:v5+s11+$0x0] =	vst.idx.add.f32.msk $0xffff, v42;
	v42 =	vmul.f32 v42, v8;
	v57 =	vsub.f32 v41, v32  }
0x33c: {  	v37 =	vmax.f32 v37, v55;
	(erf) = vpow2.f32 v35;
	v56 =	vld [tilespmem:$0x5D80];
	v36 =	vmul.f32 $1.442695020e+00, v54  }
0x33d: {  	v59 =	vsub.f32 v37, v60;
	[tilespmem:v5+s12+$0x0] =	vst.idx.add.f32.msk $0xffff, v42;
	v60 =	vmul.f32 $1.442695020e+00, v57  }
0x33e: {  	v34 =	vadd.f32 v34, v33;
	v58 =	vld [tilespmem:$0x5D80];
	(erf) = vpow2.f32 v36  }
0x33f: {  	v42 =	vld [tilespmem:$0x5E00];
	v61 =	vmul.f32 $1.442695020e+00, v59;
	(erf) = vpow2.f32 v60  }
0x340: {  	v62 =	vmul.f32 $2.000000030e-01, v34;
	v35 =	vld [tilespmem:$0x5D80]  }
0x341: {  	v37 =	vld [tilespmem:$0x5E00];
	(erf) = vpow2.f32 v61  }
0x342: {  	v63 =	vmax.f32 v34, v62;
	v34 =	vld [tilespmem:$0x5E00]  }
0x343: {  	v39 =	vsub.f32 v63, v32;
	v36 =	vld [tilespmem:$0x5E80];
	v33 =	vmul.f32 v56, v7  }
0x344: {  	s28 =	simm.s32 $0x4;
	v32 =	vld [tilespmem:$0x5F00];
	v38 =	vmul.f32 v58, v8;
	v31 =	vmul.f32 v42, v31  }
.LBB2_7:
0x345: {  	s28 =	sadd.s32 $0x4, s28;
	v43 =	vmul.f32 $1.442695020e+00, v39;
	v40 =	vpop (erf);
	v41 =	vld [tilespmem:$0x5E80]  }
0x346: {  	p1 =	slt.u32 s28, $0x78;
	v40 =	vmul.f32 v40, v29;
	v31 =	vadd.f32 v31, v38;
	v38 =	vld [tilespmem:$0x5F00];
	v37 =	vmul.f32 v37, v16;
	v16 =	vmovc v30  }
0x347: {  	v35 =	vmul.f32 v35, v4;
	v30 =	vpop (erf);
	v42 =	vld [tilespmem:$0x5E80]  }
0x348: {  	v30 =	vmul.f32 v30, v27;
	[tilespmem:v15+s7+$0x0] =	vst.idx.add.f32.msk $0xffff, v40;
	(erf) = vpow2.f32 v43;
	v39 =	vpop (erf);
	v31 =	vadd.f32 v31, v36  }
0x349: {  	v35 =	vadd.f32 v37, v35;
	v36 =	vmul.f32 v39, v25;
	v39 =	vmul.f32 v40, v23;
	v40 =	vld [tilespmem:$0x5F00]  }
0x34a: {  	[tilespmem:v19+s7+$0x0] =	vst.idx.add.f32.msk $0xffff, v30;
	v37 =	vmul.f32 $2.000000030e-01, v31;
	v43 =	vpop (erf)  }
0x34b: {  	v35 =	vadd.f32 v35, v41;
	[tilespmem:v15+s8+$0x0] =	vst.idx.add.f32.msk $0xffff, v39  }
0x34c: {  	v39 =	vmul.f32 v36, v22;
	v41 =	vld [tilespmem:$0x5B00];
	v31 =	vmax.f32 v31, v37  }
0x34d: {  	v37 =	vld [tilespmem:$0x5980];
	v31 =	vsub.f32 v31, v32;
	v32 =	vmul.f32 $2.000000030e-01, v35  }
0x34e: {  	v34 =	vmul.f32 v34, v14;
	v14 =	vmov v28;
	v30 =	vmul.f32 v30, v21;
	v44 =	vld [tilespmem:$0x5A80]  }
0x34f: {  	v28 =	vld [tilespmem:$0x5A00];
	v31 =	vmul.f32 $1.442695020e+00, v31;
	v32 =	vmax.f32 v35, v32  }
0x350: {  	[tilespmem:v19+s8+$0x0] =	vst.idx.add.f32.msk $0xffff, v30;
	v30 =	vadd.f32 v34, v33;
	v32 =	vsub.f32 v32, v38  }
0x351: {  	[tilespmem:v18+s7+$0x0] =	vst.idx.add.f32.msk $0xffff, v36;
	v33 =	vpop (erf);
	(erf) = vpow2.f32 v31  }
0x352: {  	v31 =	vmul.f32 v33, v26;
	v33 =	vld [tilespmem:$0x5980];
	v30 =	vadd.f32 v30, v42;
	v32 =	vmul.f32 $1.442695020e+00, v32  }
0x353: {  	v34 =	vmul.f32 v37, v23;
	[tilespmem:v18+s8+$0x0] =	vst.idx.add.f32.msk $0xffff, v39  }
0x354: {  	[tilespmem:v13+s7+$0x0] =	vst.idx.add.f32.msk $0xffff, v31;
	v31 =	vmul.f32 v31, v24;
	v35 =	vmul.f32 $2.000000030e-01, v30  }
0x355: {  	v28 =	vmul.f32 v28, v17;
	v36 =	vld [tilespmem:$0x5A00];
	(erf) = vpow2.f32 v32  }
0x356: {  	[tilespmem:v13+s8+$0x0] =	vst.idx.add.f32.msk $0xffff, v31;
	v30 =	vmax.f32 v30, v35  }
0x357: {  	v28 =	vadd.f32 v28, v34;
	v31 =	vld [tilespmem:$0x5A00];
	v32 =	vmul.f32 v33, v21;
	v30 =	vsub.f32 v30, v40  }
0x358: {  	v33 =	vld [tilespmem:$0x5980]  }
0x359: {  	v28 =	vadd.f32 v28, v44;
	v34 =	vld [tilespmem:$0x5A00];
	v30 =	vmul.f32 $1.442695020e+00, v30  }
0x35a: {  	v35 =	vld [tilespmem:$0x5980];
	v36 =	vmul.f32 v36, v14;
	v37 =	vpop (erf)  }
0x35b: {  	v39 =	vmul.f32 $2.000000030e-01, v28;
	v38 =	vld [tilespmem:$0x5A80];
	(erf) = vpow2.f32 v30  }
0x35c: {  	v40 =	vmul.f32 v43, v10;
	v10 =	vmov v29;
	v30 =	vld [tilespmem:$0x5A80]  }
0x35d: {  	v31 =	vmul.f32 v31, v20;
	v28 =	vmax.f32 v28, v39;
	v29 =	vmul.f32 v33, v24;
	v33 =	vld [tilespmem:$0x5A80]  }
0x35e: {  	v28 =	vsub.f32 v28, v41;
	v41 =	vmul.f32 v40, v6;
	v39 =	vld [tilespmem:$0x5B00];
	v34 =	vmul.f32 v34, v16;
	v42 =	vpop (erf)  }
0x35f: {  	v6 =	vmov v23;
	v43 =	vld [tilespmem:$0x5B00];
	v35 =	vmul.f32 v35, v22  }
0x360: {  	v23 =	vadd.f32 v31, v29;
	v28 =	vmul.f32 $1.442695020e+00, v28;
	v29 =	vadd.f32 v34, v32;
	[tilespmem:v3+s13+$0x0] =	vst.idx.add.f32.msk $0xffff, v40  }
0x361: {  	v32 =	vmul.f32 v37, v12;
	v31 =	vadd.f32 v36, v35;
	[tilespmem:v3+s14+$0x0] =	vst.idx.add.f32.msk $0xffff, v41;
	v3 =	vmov v15  }
0x362: {  	v12 =	vmovc v26;
	v15 =	vadd.f32 v23, v30;
	v23 =	vld [tilespmem:$0x5B00];
	v29 =	vadd.f32 v29, v33;
	(erf) = vpow2.f32 v28  }
0x363: {  	v26 =	vmul.f32 v32, v8;
	v8 =	vmov v24;
	[tilespmem:v5+s13+$0x0] =	vst.idx.add.f32.msk $0xffff, v32  }
0x364: {  	v24 =	vadd.f32 v31, v38;
	v28 =	vmul.f32 $2.000000030e-01, v29;
	v30 =	vpop (erf)  }
0x365: {  	[tilespmem:v5+s14+$0x0] =	vst.idx.add.f32.msk $0xffff, v26;
	v26 =	vmul.f32 v30, v11;
	v5 =	vmov v13;
	v11 =	vmov v25  }
0x366: {  	v13 =	vmul.f32 $2.000000030e-01, v15;
	v25 =	vmax.f32 v29, v28;
	v28 =	vmul.f32 v42, v9;
	v9 =	vmovc v27  }
0x367: {  	v27 =	vmul.f32 $2.000000030e-01, v24;
	v23 =	vsub.f32 v25, v23;
	[tilespmem:v2+s13+$0x0] =	vst.idx.add.f32.msk $0xffff, v26;
	v25 =	vmul.f32 v26, v7  }
0x368: {  	v13 =	vmax.f32 v15, v13;
	v7 =	vmovc v22;
	v15 =	vmul.f32 v28, v4;
	v4 =	vmov v21  }
0x369: {  	v13 =	vsub.f32 v13, v43;
	v21 =	vmax.f32 v24, v27;
	v22 =	vmul.f32 $1.442695020e+00, v23;
	[tilespmem:v2+s14+$0x0] =	vst.idx.add.f32.msk $0xffff, v25  }
0x36a: {  	v21 =	vsub.f32 v21, v39;
	v2 =	vmov v18;
	[tilespmem:v1+s13+$0x0] =	vst.idx.add.f32.msk $0xffff, v28  }
0x36b: {  	v13 =	vmul.f32 $1.442695020e+00, v13;
	(erf) = vpow2.f32 v22;
	v18 =	vpop (erf);
	[tilespmem:v1+s14+$0x0] =	vst.idx.add.f32.msk $0xffff, v15;
	v1 =	vmov v19  }
0x36c: {  	v15 =	vmul.f32 $1.442695020e+00, v21;
	v31 =	vld [tilespmem:$0x5900]  }
0x36d: {  	s24 =	sadd.s32 $0x40, s24;
	v18 =	vmul.f32 v18, v10;
	v32 =	vld [tilespmem:$0x5880];
	(erf) = vpow2.f32 v13  }
0x36e: {  	v24 =	vld [tilespmem:s24+$0xFFFFFFE0];
	(erf) = vpow2.f32 v15  }
0x36f: {  	v13 =	vmul.f32 v18, v6;
	[tilespmem:v3+s9+$0x0] =	vst.idx.add.f32.msk $0xffff, v18  }
0x370: {  	v29 =	vld [tilespmem:$0x5800]  }
0x371: {  	[tilespmem:v3+s10+$0x0] =	vst.idx.add.f32.msk $0xffff, v13  }
0x372: {  	v13 =	vld [tilespmem:$0x5B80]  }
0x373: {  	v15 =	vld [tilespmem:$0x5C00]  }
0x374: {  	v18 =	vld [tilespmem:$0x5C80];
	v19 =	vpop (erf)  }
0x375: {  	v19 =	vmul.f32 v19, v9;
	v21 =	vld [tilespmem:$0x5D00]  }
0x376: {  	v33 =	vld [tilespmem:$0x5780];
	v22 =	vpop (erf)  }
0x377: {  	s25 =	sadd.s32 $0x40, s25;
	v22 =	vmul.f32 v22, v12;
	[tilespmem:v1+s9+$0x0] =	vst.idx.add.f32.msk $0xffff, v19;
	v23 =	vmul.f32 v13, v6;
	v25 =	vpop (erf)  }
0x378: {  	v13 =	vld [tilespmem:s25+$0xFFFFFFE0];
	v25 =	vmul.f32 v25, v11;
	v15 =	vmul.f32 v15, v17  }
0x379: {  	v19 =	vmul.f32 v19, v4;
	[tilespmem:v5+s9+$0x0] =	vst.idx.add.f32.msk $0xffff, v22  }
0x37a: {  	[tilespmem:v2+s9+$0x0] =	vst.idx.add.f32.msk $0xffff, v25;
	v25 =	vmul.f32 v25, v7;
	v23 =	vadd.f32 v15, v23  }
0x37b: {  	v15 =	vld [tilespmem:s25+$0x10]  }
0x37c: {  	[tilespmem:v1+s10+$0x0] =	vst.idx.add.f32.msk $0xffff, v19;
	v18 =	vadd.f32 v23, v18  }
0x37d: {  	v19 =	vld [tilespmem:$0x5B80]  }
0x37e: {  	[tilespmem:v2+s10+$0x0] =	vst.idx.add.f32.msk $0xffff, v25;
	v23 =	vmul.f32 $2.000000030e-01, v18  }
0x37f: {  	v25 =	vld [tilespmem:$0x5B80]  }
0x380: {  	v22 =	vmul.f32 v22, v8;
	v26 =	vld [tilespmem:$0x5C00];
	v18 =	vmax.f32 v18, v23  }
0x381: {  	v23 =	vld [tilespmem:$0x5C80];
	v18 =	vsub.f32 v18, v21  }
0x382: {  	[tilespmem:v5+s10+$0x0] =	vst.idx.add.f32.msk $0xffff, v22;
	v19 =	vmul.f32 v19, v4  }
0x383: {  	v21 =	vld [tilespmem:$0x5C00];
	v18 =	vmul.f32 $1.442695020e+00, v18  }
0x384: {  	v22 =	vld [tilespmem:$0x5B80];
	v25 =	vmul.f32 v25, v7  }
0x385: {  	v27 =	vld [tilespmem:$0x5C00];
	v26 =	vmul.f32 v26, v16;
	(erf) = vpow2.f32 v18  }
0x386: {  	v28 =	vld [tilespmem:$0x5C80]  }
0x387: {  	v30 =	vld [tilespmem:$0x5C80];
	v18 =	vadd.f32 v26, v19  }
0x388: {  	v26 =	vld [tilespmem:$0x5D00];
	v19 =	vmul.f32 v21, v14  }
0x389: {  	v21 =	vmul.f32 v22, v8;
	v22 =	vld [tilespmem:$0x5D00];
	v23 =	vadd.f32 v18, v23  }
0x38a: {  	v34 =	vld [tilespmem:s24+$0x10];
	v27 =	vmul.f32 v27, v20;
	v19 =	vadd.f32 v19, v25  }
0x38b: {  	v18 =	vld [tilespmem:s25+$0xFFFFFFF0];
	v25 =	vmul.f32 $2.000000030e-01, v23  }
0x38c: {  	v35 =	vld [tilespmem:s24+$0x0];
	v21 =	vadd.f32 v27, v21;
	v27 =	vadd.f32 v19, v28  }
0x38d: {  	v19 =	vld [tilespmem:s25+$0x0];
	v36 =	vmax.f32 v23, v25  }
0x38e: {  	v25 =	vld [tilespmem:$0x5D00];
	v21 =	vadd.f32 v21, v30;
	v28 =	vmul.f32 $2.000000030e-01, v27;
	v22 =	vsub.f32 v36, v22;
	v23 =	vpop (erf)  }
0x38f: {  	v36 =	vld [tilespmem:s24+$0xFFFFFFF0];
	v23 =	vmul.f32 v23, v10  }
0x390: {  	v37 =	vld.idx.msk [tilespmem:v15+s4+$0x0], $0xffff;
	v30 =	vmul.f32 $2.000000030e-01, v21;
	v27 =	vmax.f32 v27, v28;
	v22 =	vmul.f32 $1.442695020e+00, v22  }
0x391: {  	v26 =	vsub.f32 v27, v26;
	[tilespmem:v3+s11+$0x0] =	vst.idx.add.f32.msk $0xffff, v23;
	v27 =	vmul.f32 v23, v6  }
0x392: {  	v23 =	vld.idx.msk [tilespmem:v34+s4+$0x0], $0xffff;
	v21 =	vmax.f32 v21, v30;
	(erf) = vpow2.f32 v22  }
0x393: {  	v22 =	vsub.f32 v21, v25;
	v25 =	vmul.f32 $1.442695020e+00, v26;
	[tilespmem:v3+s12+$0x0] =	vst.idx.add.f32.msk $0xffff, v27  }
0x394: {  	v21 =	vld.idx.msk [tilespmem:v35+s4+$0x0], $0xffff  }
0x395: {  	v30 =	vld.idx.msk [tilespmem:v19+s4+$0x0], $0xffff;
	v26 =	vmul.f32 $1.442695020e+00, v22;
	(erf) = vpow2.f32 v25  }
0x396: {  	v28 =	vld.idx.msk [tilespmem:v18+s4+$0x0], $0xffff  }
0x397: {  	v22 =	vld.idx.msk [tilespmem:v36+s4+$0x0], $0xffff;
	(erf) = vpow2.f32 v26  }
0x398: {  	v25 =	vmul.f32 v23, v33;
	v26 =	vmul.f32 v37, v29;
	v27 =	vld [tilespmem:$0x5D80]  }
0x399: {  	v34 =	vld [tilespmem:$0x5E00]  }
0x39a: {  	v35 =	vmul.f32 v21, v33;
	v25 =	vadd.f32 v26, v25;
	v36 =	vld [tilespmem:$0x5E80]  }
0x39b: {  	v26 =	vmul.f32 v30, v29;
	v40 =	vld.idx.msk [tilespmem:v13+s4+$0x0], $0xffff;
	v38 =	vpop (erf)  }
0x39c: {  	v39 =	vmul.f32 v28, v29;
	v41 =	vadd.f32 v25, v32;
	v38 =	vmul.f32 v38, v9;
	v42 =	vld [tilespmem:$0x5F00]  }
0x39d: {  	v25 =	vmul.f32 v22, v33;
	v35 =	vadd.f32 v26, v35;
	v24 =	vld.idx.msk [tilespmem:v24+s4+$0x0], $0xffff;
	v27 =	vmul.f32 v27, v6  }
0x39e: {  	s26 =	sadd.s32 $0x40, s26;
	v45 =	vmul.f32 $2.000000030e-01, v41;
	[tilespmem:v1+s11+$0x0] =	vst.idx.add.f32.msk $0xffff, v38;
	v34 =	vmul.f32 v34, v17;
	v44 =	vpop (erf);
	v17 =	vmov v37  }
0x39f: {  	v37 =	vadd.f32 v39, v25;
	v35 =	vadd.f32 v35, v32;
	v26 =	vld [tilespmem:s26+$0xFFFFFFE0];
	v39 =	vmul.f32 v44, v11  }
0x3a0: {  	v41 =	vmax.f32 v41, v45;
	v25 =	vld [tilespmem:s26+$0xFFFFFFF0];
	v34 =	vadd.f32 v34, v27;
	v43 =	vpop (erf)  }
0x3a1: {  	v37 =	vadd.f32 v37, v32;
	v44 =	vmul.f32 $2.000000030e-01, v35;
	[tilespmem:v2+s11+$0x0] =	vst.idx.add.f32.msk $0xffff, v39;
	v39 =	vmul.f32 v39, v7  }
0x3a2: {  	v41 =	vsub.f32 v41, v31;
	v43 =	vmul.f32 v43, v12;
	v27 =	vld [tilespmem:s26+$0x0];
	v34 =	vadd.f32 v34, v36  }
0x3a3: {  	v33 =	vmul.f32 v33, v24;
	v36 =	vmul.f32 $2.000000030e-01, v37;
	v35 =	vmax.f32 v35, v44;
	[tilespmem:v2+s12+$0x0] =	vst.idx.add.f32.msk $0xffff, v39  }
0x3a4: {  	v39 =	vmul.f32 v29, v40;
	v35 =	vsub.f32 v35, v31;
	[tilespmem:v5+s11+$0x0] =	vst.idx.add.f32.msk $0xffff, v43;
	v44 =	vmul.f32 $2.000000030e-01, v34  }
0x3a5: {  	v38 =	vmul.f32 v38, v4;
	v36 =	vmax.f32 v37, v36;
	v37 =	vmul.f32 $1.442695020e+00, v41;
	v29 =	vld [tilespmem:s26+$0x10]  }
0x3a6: {  	v33 =	vadd.f32 v39, v33;
	v36 =	vsub.f32 v36, v31;
	v39 =	vmul.f32 v43, v8;
	v41 =	vld [tilespmem:$0x5D80]  }
0x3a7: {  	v35 =	vmul.f32 $1.442695020e+00, v35;
	v34 =	vmax.f32 v34, v44;
	(erf) = vpow2.f32 v37;
	[tilespmem:v1+s12+$0x0] =	vst.idx.add.f32.msk $0xffff, v38  }
0x3a8: {  	v32 =	vadd.f32 v33, v32;
	v33 =	vmul.f32 $1.442695020e+00, v36;
	v34 =	vsub.f32 v34, v42;
	[tilespmem:v5+s12+$0x0] =	vst.idx.add.f32.msk $0xffff, v39  }
0x3a9: {  	(erf) = vpow2.f32 v35;
	v38 =	vld [tilespmem:$0x5D80]  }
0x3aa: {  	v34 =	vmul.f32 $1.442695020e+00, v34;
	(erf) = vpow2.f32 v33;
	v42 =	vld [tilespmem:$0x5E00]  }
.Ltmp4:
0x3ab: {  	v36 =	vmul.f32 $2.000000030e-01, v32;
	v33 =	vmul.f32 v41, v7;
	v35 =	vld [tilespmem:$0x5D80];
	(pc) =	sbr.rel @p1 .LBB2_7-.Ltmp4, $4  }
0x3ac: {  	v37 =	vld [tilespmem:$0x5E00];
	(erf) = vpow2.f32 v34  }
0x3ad: {  	v32 =	vmax.f32 v32, v36;
	v36 =	vld [tilespmem:$0x5E80]  }
0x3ae: {  	v39 =	vsub.f32 v32, v31;
	v34 =	vld [tilespmem:$0x5E00]  }
0x3af: {  	v38 =	vmul.f32 v38, v8;
	v32 =	vld [tilespmem:$0x5F00];
	v31 =	vmul.f32 v42, v20;
	v20 =	vmov v40  }
0x3b0: {  	_ = 	snop  }
0x3b1: {  	v40 =	vpop (erf);
	v41 =	vld [tilespmem:$0x5E80]  }
0x3b2: {  	v39 =	vmul.f32 $1.442695020e+00, v39;
	v42 =	vld [tilespmem:$0x5F00];
	v40 =	vmul.f32 v40, v29  }
0x3b3: {  	v44 =	vld [tilespmem:$0x5E80];
	v43 =	vpop (erf)  }
0x3b4: {  	(erf) = vpow2.f32 v39;
	v43 =	vmul.f32 v43, v27;
	[tilespmem:v15+s7+$0x0] =	vst.idx.add.f32.msk $0xffff, v40  }
0x3b5: {  	v55 =	vmul.f32 v40, v23;
	v40 =	vld [tilespmem:$0x5F00]  }
0x3b6: {  	[tilespmem:v19+s7+$0x0] =	vst.idx.add.f32.msk $0xffff, v43  }
0x3b7: {  	v56 =	vpop (erf);
	[tilespmem:v15+s8+$0x0] =	vst.idx.add.f32.msk $0xffff, v55  }
0x3b8: {  	v39 =	vmul.f32 v56, v25;
	v45 =	vld [tilespmem:$0x5B00]  }
0x3b9: {  	v46 =	vld [tilespmem:$0x5980]  }
0x3ba: {  	v35 =	vmul.f32 v35, v4;
	v31 =	vadd.f32 v31, v38;
	[tilespmem:v18+s7+$0x0] =	vst.idx.add.f32.msk $0xffff, v39  }
0x3bb: {  	v37 =	vmul.f32 v37, v16;
	v43 =	vmul.f32 v43, v21;
	v58 =	vld [tilespmem:$0x5A00]  }
0x3bc: {  	v31 =	vadd.f32 v31, v36;
	v16 =	vpop (erf);
	v57 =	vmul.f32 v39, v22;
	v60 =	vld [tilespmem:$0x5A80]  }
0x3bd: {  	v35 =	vadd.f32 v37, v35;
	[tilespmem:v19+s8+$0x0] =	vst.idx.add.f32.msk $0xffff, v43;
	v59 =	vpop (erf)  }
0x3be: {  	v61 =	vmul.f32 $2.000000030e-01, v31;
	[tilespmem:v18+s8+$0x0] =	vst.idx.add.f32.msk $0xffff, v57;
	v36 =	vmul.f32 v59, v26  }
0x3bf: {  	v14 =	vmul.f32 v34, v14;
	v35 =	vadd.f32 v35, v41;
	v62 =	vld [tilespmem:$0x5980]  }
0x3c0: {  	v31 =	vmax.f32 v31, v61;
	[tilespmem:v13+s7+$0x0] =	vst.idx.add.f32.msk $0xffff, v36;
	v36 =	vmul.f32 v36, v24  }
0x3c1: {  	v14 =	vadd.f32 v14, v33;
	v63 =	vmul.f32 $2.000000030e-01, v35;
	v31 =	vsub.f32 v31, v32;
	v51 =	vld [tilespmem:$0x5A00]  }
0x3c2: {  	v48 =	vmul.f32 v46, v23;
	v39 =	vmul.f32 v58, v17;
	[tilespmem:v13+s8+$0x0] =	vst.idx.add.f32.msk $0xffff, v36  }
0x3c3: {  	v14 =	vadd.f32 v14, v44;
	v49 =	vld [tilespmem:$0x5A00]  }
0x3c4: {  	v35 =	vmax.f32 v35, v63;
	v31 =	vmul.f32 $1.442695020e+00, v31;
	v50 =	vadd.f32 v39, v48;
	v52 =	vld [tilespmem:$0x5980]  }
0x3c5: {  	v47 =	vld [tilespmem:$0x5A00];
	v35 =	vsub.f32 v35, v42  }
0x3c6: {  	v53 =	vmul.f32 $2.000000030e-01, v14;
	v54 =	vld [tilespmem:$0x5980];
	(erf) = vpow2.f32 v31;
	v36 =	vadd.f32 v50, v60  }
0x3c7: {  	v57 =	vld [tilespmem:$0x5A80];
	v55 =	vmul.f32 $1.442695020e+00, v35;
	v34 =	vmul.f32 v62, v21  }
0x3c8: {  	v14 =	vmax.f32 v14, v53;
	v38 =	vmul.f32 v51, v30;
	v58 =	vld [tilespmem:$0x5A80];
	v56 =	vmul.f32 $2.000000030e-01, v36  }
0x3c9: {  	v14 =	vsub.f32 v14, v40;
	v39 =	vmul.f32 v52, v24;
	v32 =	vmul.f32 v49, v20  }
0x3ca: {  	v59 =	vld [tilespmem:$0x5A80];
	v33 =	vmul.f32 v47, v28;
	v34 =	vadd.f32 v38, v34;
	v35 =	vmax.f32 v36, v56  }
0x3cb: {  	v60 =	vmul.f32 v54, v22;
	v35 =	vsub.f32 v35, v45;
	v61 =	vadd.f32 v32, v39  }
0x3cc: {  	v63 =	vld [tilespmem:$0x5B00];
	(erf) = vpow2.f32 v55;
	v14 =	vmul.f32 $1.442695020e+00, v14;
	v34 =	vadd.f32 v34, v57  }
0x3cd: {  	v41 =	vld [tilespmem:$0x5B00];
	v33 =	vadd.f32 v33, v60;
	v62 =	vmul.f32 $1.442695020e+00, v35;
	v31 =	vadd.f32 v61, v58  }
0x3ce: {  	(erf) = vpow2.f32 v14;
	v45 =	vmul.f32 $2.000000030e-01, v34  }
0x3cf: {  	v43 =	vld [tilespmem:$0x5B00];
	v44 =	vadd.f32 v33, v59;
	(erf) = vpow2.f32 v62;
	v46 =	vmul.f32 $2.000000030e-01, v31;
	_ =	sdelay $0x1  }
0x3d0: {  	v47 =	vmul.f32 $2.000000030e-01, v44;
	v33 =	vmax.f32 v34, v45;
	v31 =	vmax.f32 v31, v46  }
0x3d1: {  	v33 =	vsub.f32 v33, v63;
	v14 =	vsub.f32 v31, v41  }
0x3d2: {  	v48 =	vmax.f32 v44, v47  }
0x3d3: {  	v50 =	vsub.f32 v48, v43;
	v49 =	vmul.f32 $1.442695020e+00, v33  }
0x3d4: {  	v31 =	vpop (erf);
	v51 =	vmul.f32 $1.442695020e+00, v14  }
0x3d5: {  	v33 =	vmul.f32 $1.442695020e+00, v50;
	v14 =	vpop (erf);
	(erf) = vpow2.f32 v49  }
0x3d6: {  	v32 =	vpop (erf);
	(erf) = vpow2.f32 v51  }
0x3d7: {  	v52 =	vpop (erf);
	(erf) = vpow2.f32 v33  }
0x3d8: {  	v53 =	vmul.f32 v52, v29;
	_ =	sdelay $0x1  }
0x3d9: {  	v34 =	vmul.f32 v53, v23  }
0x3da: {  	[tilespmem:v15+s9+$0x0] =	vst.idx.add.f32.msk $0xffff, v53  }
0x3db: {  	[tilespmem:v15+s10+$0x0] =	vst.idx.add.f32.msk $0xffff, v34  }
0x3dc: {  	v33 =	vld [tilespmem:$0x5B80]  }
0x3dd: {  	v34 =	vld [tilespmem:$0x5C00];
	v54 =	vpop (erf)  }
0x3de: {  	v55 =	vld [tilespmem:$0x5C80];
	v35 =	vmul.f32 v54, v27;
	v56 =	vpop (erf)  }
0x3df: {  	v57 =	vld [tilespmem:$0x5D00];
	v37 =	vmul.f32 v56, v26;
	v58 =	vpop (erf)  }
0x3e0: {  	[tilespmem:v19+s9+$0x0] =	vst.idx.add.f32.msk $0xffff, v35;
	v39 =	vmul.f32 v58, v25  }
0x3e1: {  	v35 =	vmul.f32 v35, v21;
	[tilespmem:v13+s9+$0x0] =	vst.idx.add.f32.msk $0xffff, v37  }
0x3e2: {  	[tilespmem:v18+s9+$0x0] =	vst.idx.add.f32.msk $0xffff, v39  }
0x3e3: {  	[tilespmem:v19+s10+$0x0] =	vst.idx.add.f32.msk $0xffff, v35  }
0x3e4: {  	v60 =	vmul.f32 v37, v24;
	v35 =	vld [tilespmem:$0x5B80]  }
0x3e5: {  	v39 =	vmul.f32 v39, v22;
	v59 =	vld [tilespmem:$0x5C00]  }
0x3e6: {  	v33 =	vmul.f32 v33, v23;
	v34 =	vmul.f32 v34, v17;
	[tilespmem:v13+s10+$0x0] =	vst.idx.add.f32.msk $0xffff, v60  }
0x3e7: {  	[tilespmem:v18+s10+$0x0] =	vst.idx.add.f32.msk $0xffff, v39  }
0x3e8: {  	v33 =	vadd.f32 v34, v33;
	v39 =	vld [tilespmem:$0x5B80]  }
0x3e9: {  	v62 =	vld [tilespmem:$0x5C00]  }
0x3ea: {  	v34 =	vld [tilespmem:$0x5B80];
	v33 =	vadd.f32 v33, v55  }
0x3eb: {  	v63 =	vld [tilespmem:$0x5C00]  }
0x3ec: {  	v61 =	vld [tilespmem:$0x5C80];
	v36 =	vmul.f32 $2.000000030e-01, v33  }
0x3ed: {  	v45 =	vld [tilespmem:$0x5C80];
	v35 =	vmul.f32 v35, v21;
	v40 =	vmul.f32 v59, v30  }
0x3ee: {  	v39 =	vmul.f32 v39, v22;
	v41 =	vmul.f32 v62, v28  }
0x3ef: {  	v46 =	vld [tilespmem:$0x5C80];
	v33 =	vmax.f32 v33, v36;
	v34 =	vmul.f32 v34, v24;
	v35 =	vadd.f32 v40, v35  }
0x3f0: {  	v49 =	vmul.f32 v63, v20;
	v33 =	vsub.f32 v33, v57;
	v47 =	vadd.f32 v41, v39  }
0x3f1: {  	v48 =	vld [tilespmem:$0x5D00];
	v35 =	vadd.f32 v35, v61  }
0x3f2: {  	v50 =	vld [tilespmem:$0x5D00];
	v34 =	vadd.f32 v49, v34;
	v33 =	vmul.f32 $1.442695020e+00, v33;
	v38 =	vadd.f32 v47, v45  }
0x3f3: {  	v51 =	vmul.f32 $2.000000030e-01, v35  }
0x3f4: {  	v54 =	vld [tilespmem:$0x5D00];
	v34 =	vadd.f32 v34, v46;
	(erf) = vpow2.f32 v33;
	v52 =	vmul.f32 $2.000000030e-01, v38  }
0x3f5: {  	v53 =	vmax.f32 v35, v51  }
0x3f6: {  	v56 =	vmul.f32 $2.000000030e-01, v34;
	v33 =	vsub.f32 v53, v48;
	v55 =	vmax.f32 v38, v52  }
0x3f7: {  	v36 =	vsub.f32 v55, v50  }
0x3f8: {  	v34 =	vmax.f32 v34, v56;
	v33 =	vmul.f32 $1.442695020e+00, v33  }
0x3f9: {  	v57 =	vsub.f32 v34, v54;
	v36 =	vmul.f32 $1.442695020e+00, v36  }
0x3fa: {  	(erf) = vpow2.f32 v33  }
0x3fb: {  	v33 =	vmul.f32 $1.442695020e+00, v57;
	(erf) = vpow2.f32 v36;
	_ =	sdelay $0x1  }
0x3fc: {  	v58 =	vpop (erf);
	(erf) = vpow2.f32 v33  }
0x3fd: {  	v59 =	vmul.f32 v58, v29;
	_ =	sdelay $0x1  }
0x3fe: {  	v34 =	vmul.f32 v59, v23  }
0x3ff: {  	[tilespmem:v15+s11+$0x0] =	vst.idx.add.f32.msk $0xffff, v59  }
0x400: {  	[tilespmem:v15+s12+$0x0] =	vst.idx.add.f32.msk $0xffff, v34  }
0x401: {  	v34 =	vld [tilespmem:$0x5D80];
	v60 =	vpop (erf)  }
0x402: {  	v62 =	vld [tilespmem:$0x5E00];
	v33 =	vmul.f32 v60, v27;
	v61 =	vpop (erf)  }
0x403: {  	v63 =	vld [tilespmem:$0x5E80];
	v35 =	vmul.f32 v61, v25  }
0x404: {  	[tilespmem:v19+s11+$0x0] =	vst.idx.add.f32.msk $0xffff, v33;
	v42 =	vpop (erf);
	v33 =	vmul.f32 v33, v21  }
0x405: {  	v44 =	vmul.f32 v42, v26;
	[tilespmem:v18+s11+$0x0] =	vst.idx.add.f32.msk $0xffff, v35  }
0x406: {  	[tilespmem:v19+s12+$0x0] =	vst.idx.add.f32.msk $0xffff, v33  }
0x407: {  	[tilespmem:v13+s11+$0x0] =	vst.idx.add.f32.msk $0xffff, v44  }
0x408: {  	v43 =	vmul.f32 v35, v22;
	v47 =	vld [tilespmem:$0x5D80]  }
0x409: {  	v35 =	vmul.f32 v44, v24;
	v48 =	vld [tilespmem:$0x5E00]  }
0x40a: {  	[tilespmem:v18+s12+$0x0] =	vst.idx.add.f32.msk $0xffff, v43  }
0x40b: {  	[tilespmem:v13+s12+$0x0] =	vst.idx.add.f32.msk $0xffff, v35  }
0x40c: {  	v46 =	vld [tilespmem:$0x5D80]  }
0x40d: {  	v35 =	vld [tilespmem:$0x5E00]  }
0x40e: {  	v45 =	vld [tilespmem:$0x5D80]  }
0x40f: {  	v34 =	vmul.f32 v34, v23;
	v49 =	vmul.f32 v62, v17;
	v50 =	vld [tilespmem:$0x5E00]  }
0x410: {  	v56 =	vld [tilespmem:$0x5F00]  }
0x411: {  	v17 =	vadd.f32 v49, v34;
	v51 =	vld [tilespmem:$0x5E80]  }
0x412: {  	v53 =	vld [tilespmem:$0x5E80];
	v33 =	vmul.f32 v46, v24;
	v52 =	vmul.f32 v35, v20  }
0x413: {  	v17 =	vadd.f32 v17, v63;
	v55 =	vld [tilespmem:$0x5E80];
	v54 =	vmul.f32 v48, v30;
	v39 =	vmul.f32 v47, v21  }
0x414: {  	v38 =	vmul.f32 v45, v22;
	v57 =	vmul.f32 v50, v28;
	v20 =	vadd.f32 v52, v33  }
0x415: {  	v58 =	vmul.f32 $2.000000030e-01, v17;
	v30 =	vadd.f32 v54, v39  }
0x416: {  	v59 =	vld [tilespmem:$0x5F00];
	v28 =	vadd.f32 v57, v38;
	v20 =	vadd.f32 v20, v51  }
0x417: {  	v60 =	vld [tilespmem:$0x5F00];
	v17 =	vmax.f32 v17, v58;
	v30 =	vadd.f32 v30, v53  }
0x418: {  	v61 =	vld [tilespmem:$0x5F00];
	v17 =	vsub.f32 v17, v56;
	v28 =	vadd.f32 v28, v55;
	v62 =	vmul.f32 $2.000000030e-01, v20  }
0x419: {  	v63 =	vmul.f32 $2.000000030e-01, v30  }
0x41a: {  	v17 =	vmul.f32 $1.442695020e+00, v17;
	v39 =	vmul.f32 $2.000000030e-01, v28;
	v20 =	vmax.f32 v20, v62  }
0x41b: {  	v10 =	vmul.f32 v16, v10;
	v30 =	vmax.f32 v30, v63;
	v20 =	vsub.f32 v20, v59  }
0x41c: {  	(erf) = vpow2.f32 v17;
	v30 =	vsub.f32 v30, v60;
	v28 =	vmax.f32 v28, v39  }
0x41d: {  	v41 =	vsub.f32 v28, v61;
	v40 =	vmul.f32 $1.442695020e+00, v20  }
0x41e: {  	v6 =	vmul.f32 v10, v6;
	v42 =	vmul.f32 $1.442695020e+00, v30  }
0x41f: {  	v43 =	vmul.f32 $1.442695020e+00, v41;
	(erf) = vpow2.f32 v40  }
0x420: {  	v12 =	vmul.f32 v31, v12;
	(erf) = vpow2.f32 v42  }
0x421: {  	[tilespmem:v3+s13+$0x0] =	vst.idx.add.f32.msk $0xffff, v10;
	(erf) = vpow2.f32 v43  }
0x422: {  	[tilespmem:v3+s14+$0x0] =	vst.idx.add.f32.msk $0xffff, v6;
	v3 =	vmul.f32 v12, v8;
	v44 =	vmul.f32 v32, v11  }
0x423: {  	[tilespmem:v5+s13+$0x0] =	vst.idx.add.f32.msk $0xffff, v12  }
0x424: {  	[tilespmem:v5+s14+$0x0] =	vst.idx.add.f32.msk $0xffff, v3;
	v3 =	vmul.f32 v14, v9;
	v45 =	vmul.f32 v44, v7  }
0x425: {  	[tilespmem:v2+s13+$0x0] =	vst.idx.add.f32.msk $0xffff, v44;
	v46 =	vpop (erf)  }
0x426: {  	[tilespmem:v2+s14+$0x0] =	vst.idx.add.f32.msk $0xffff, v45;
	v2 =	vmul.f32 v46, v29  }
0x427: {  	v47 =	vmul.f32 v3, v4  }
0x428: {  	[tilespmem:v1+s13+$0x0] =	vst.idx.add.f32.msk $0xffff, v3;
	v3 =	vpop (erf)  }
0x429: {  	[tilespmem:v1+s14+$0x0] =	vst.idx.add.f32.msk $0xffff, v47;
	v1 =	vmul.f32 v2, v23;
	v48 =	vpop (erf);
	v3 =	vmul.f32 v3, v26  }
0x42a: {  	[tilespmem:v15+s13+$0x0] =	vst.idx.add.f32.msk $0xffff, v2;
	v2 =	vpop (erf)  }
0x42b: {  	[tilespmem:v15+s14+$0x0] =	vst.idx.add.f32.msk $0xffff, v1;
	v1 =	vmul.f32 v3, v24;
	v2 =	vmul.f32 v2, v25  }
0x42c: {  	[tilespmem:v13+s13+$0x0] =	vst.idx.add.f32.msk $0xffff, v3  }
0x42d: {  	[tilespmem:v13+s14+$0x0] =	vst.idx.add.f32.msk $0xffff, v1;
	v1 =	vmul.f32 v48, v27;
	v3 =	vmul.f32 v2, v22  }
0x42e: {  	[tilespmem:v18+s13+$0x0] =	vst.idx.add.f32.msk $0xffff, v2  }
0x42f: {  	v2 =	vmul.f32 v1, v21;
	[tilespmem:v18+s14+$0x0] =	vst.idx.add.f32.msk $0xffff, v3  }
0x430: {  	[tilespmem:v19+s13+$0x0] =	vst.idx.add.f32.msk $0xffff, v1  }
0x431: {  	[tilespmem:v19+s14+$0x0] =	vst.idx.add.f32.msk $0xffff, v2  }
0x432: {  	v1 =	vld [tilespmem:$0x3740]  }
0x433: {  	v2 =	vld [tilespmem:$0x4740];
	_ =	sdelay $0x4  }
0x434: {  	v49 =	vld [tilespmem:$0x5780]  }
0x435: {  	v5 =	vld [tilespmem:$0x5800]  }
0x436: {  	v1 =	vld.idx.msk [tilespmem:v1+s4+$0x0], $0xffff  }
0x437: {  	v3 =	vld.idx.msk [tilespmem:v2+s4+$0x0], $0xffff;
	_ =	sdelay $0x3  }
0x438: {  	v50 =	vld [tilespmem:$0x5880]  }
0x439: {  	v4 =	vmul.f32 v49, v1;
	v5 =	vmul.f32 v5, v3;
	_ =	sdelay $0x1  }
0x43a: {  	v4 =	vadd.f32 v5, v4;
	_ =	sdelay $0x1  }
0x43b: {  	v51 =	vld [tilespmem:$0x5900];
	v4 =	vadd.f32 v4, v50;
	_ =	sdelay $0x1  }
0x43c: {  	v6 =	vmul.f32 $2.000000030e-01, v4;
	_ =	sdelay $0x1  }
0x43d: {  	v4 =	vmax.f32 v4, v6  }
0x43e: {  	v4 =	vsub.f32 v4, v51;
	_ =	sdelay $0x1  }
0x43f: {  	v4 =	vmul.f32 $1.442695020e+00, v4;
	_ =	sdelay $0x1  }
0x440: {  	(erf) = vpow2.f32 v4;
	_ =	sdelay $0x4  }
0x441: {  	v52 =	vld [tilespmem:$0x5740];
	_ =	sdelay $0x3  }
0x442: {  	v53 =	vpop (erf)  }
0x443: {  	v5 =	vmul.f32 v53, v52;
	_ =	sdelay $0x1  }
0x444: {  	v54 =	vmul.f32 v5, v1  }
0x445: {  	[tilespmem:v2+s7+$0x0] =	vst.idx.add.f32.msk $0xffff, v5  }
0x446: {  	[tilespmem:v2+s8+$0x0] =	vst.idx.add.f32.msk $0xffff, v54  }
0x447: {  	v5 =	vld [tilespmem:$0x5980]  }
0x448: {  	v6 =	vld [tilespmem:$0x5A00];
	_ =	sdelay $0x3  }
0x449: {  	v55 =	vld [tilespmem:$0x5A80]  }
0x44a: {  	v5 =	vmul.f32 v5, v1;
	v6 =	vmul.f32 v6, v3;
	_ =	sdelay $0x1  }
0x44b: {  	v5 =	vadd.f32 v6, v5;
	_ =	sdelay $0x1  }
0x44c: {  	v56 =	vld [tilespmem:$0x5B00];
	v5 =	vadd.f32 v5, v55;
	_ =	sdelay $0x1  }
0x44d: {  	v7 =	vmul.f32 $2.000000030e-01, v5;
	_ =	sdelay $0x1  }
0x44e: {  	v5 =	vmax.f32 v5, v7  }
0x44f: {  	v5 =	vsub.f32 v5, v56;
	_ =	sdelay $0x1  }
0x450: {  	v5 =	vmul.f32 $1.442695020e+00, v5;
	_ =	sdelay $0x1  }
0x451: {  	(erf) = vpow2.f32 v5;
	_ =	sdelay $0x8  }
0x452: {  	v5 =	vpop (erf)  }
0x453: {  	v5 =	vmul.f32 v5, v52;
	_ =	sdelay $0x1  }
0x454: {  	v57 =	vmul.f32 v5, v1  }
0x455: {  	[tilespmem:v2+s9+$0x0] =	vst.idx.add.f32.msk $0xffff, v5  }
0x456: {  	[tilespmem:v2+s10+$0x0] =	vst.idx.add.f32.msk $0xffff, v57  }
0x457: {  	v5 =	vld [tilespmem:$0x5B80]  }
0x458: {  	v6 =	vld [tilespmem:$0x5C00];
	_ =	sdelay $0x3  }
0x459: {  	v58 =	vld [tilespmem:$0x5C80]  }
0x45a: {  	v5 =	vmul.f32 v5, v1;
	v6 =	vmul.f32 v6, v3;
	_ =	sdelay $0x1  }
0x45b: {  	v5 =	vadd.f32 v6, v5;
	_ =	sdelay $0x1  }
0x45c: {  	v59 =	vld [tilespmem:$0x5D00];
	v5 =	vadd.f32 v5, v58;
	_ =	sdelay $0x1  }
0x45d: {  	v7 =	vmul.f32 $2.000000030e-01, v5;
	_ =	sdelay $0x1  }
0x45e: {  	v5 =	vmax.f32 v5, v7  }
0x45f: {  	v5 =	vsub.f32 v5, v59;
	_ =	sdelay $0x1  }
0x460: {  	v5 =	vmul.f32 $1.442695020e+00, v5;
	_ =	sdelay $0x1  }
0x461: {  	(erf) = vpow2.f32 v5;
	_ =	sdelay $0x8  }
0x462: {  	v5 =	vpop (erf)  }
0x463: {  	v5 =	vmul.f32 v5, v52;
	_ =	sdelay $0x1  }
0x464: {  	v60 =	vmul.f32 v5, v1  }
0x465: {  	[tilespmem:v2+s11+$0x0] =	vst.idx.add.f32.msk $0xffff, v5  }
0x466: {  	[tilespmem:v2+s12+$0x0] =	vst.idx.add.f32.msk $0xffff, v60  }
0x467: {  	v5 =	vld [tilespmem:$0x5D80]  }
0x468: {  	v6 =	vld [tilespmem:$0x5E00];
	_ =	sdelay $0x3  }
0x469: {  	v61 =	vld [tilespmem:$0x5E80]  }
0x46a: {  	v5 =	vmul.f32 v5, v1;
	v3 =	vmul.f32 v6, v3;
	_ =	sdelay $0x1  }
0x46b: {  	v3 =	vadd.f32 v3, v5;
	_ =	sdelay $0x1  }
0x46c: {  	v62 =	vld [tilespmem:$0x5F00];
	v3 =	vadd.f32 v3, v61;
	_ =	sdelay $0x1  }
0x46d: {  	v63 =	vmul.f32 $2.000000030e-01, v3;
	_ =	sdelay $0x1  }
0x46e: {  	v3 =	vmax.f32 v3, v63  }
0x46f: {  	v3 =	vsub.f32 v3, v62;
	_ =	sdelay $0x1  }
0x470: {  	v3 =	vmul.f32 $1.442695020e+00, v3;
	_ =	sdelay $0x1  }
0x471: {  	(erf) = vpow2.f32 v3;
	_ =	sdelay $0x8  }
0x472: {  	v3 =	vpop (erf)  }
.Ltmp5:
0x473: {  	v3 =	vmul.f32 v3, v52;
	(pc) =	sbr.rel @p0 .LBB2_10-.Ltmp5, $4  }
0x474: {  	_ = 	snop  }
0x475: {  	v1 =	vmul.f32 v3, v1  }
0x476: {  	[tilespmem:v2+s13+$0x0] =	vst.idx.add.f32.msk $0xffff, v3  }
0x477: {  	[tilespmem:v2+s14+$0x0] =	vst.idx.add.f32.msk $0xffff, v1  }
0x478: {  	s1 =	smul.u32 $0xFA0, s23;
	_ =	sdelay $0x1  }
0x479: {  	s1 =	sadd.s32 s1, s22  }
0x47a: {  	s1 =	sshrl.u32 s1, $0x3  }
0x47b: {  	s2 =	sadd.s32 s5, s1  }
0x47c: {  	[tilespmem:s30], [sflag:$0x4] =	stream.linear.gather [hbm4b:s2+s4], $0x7D0, $0x38;
	[tilespmem:$0x19F80] =	vst v63  }
.Ltmp6:
0x47d: {  	_ = 	snop;
	(pc) =	sbr.rel .LBB2_4-.Ltmp6, $4  }
0x47e: {  	s26 =	sadd.s32 s15, s1  }
0x47f: {  	[tilespmem:s31], [sflag:$0x5] =	stream.linear.gather [hbm4b:s26+s4], $0x7D0, $0x38;
	[tilespmem:$0x19F80] =	vst v63  }
0x480: {  	s28 =	simm.s32 $0x4F80;
	s23 =	sadd.s32 $0x1, s23;
	s1 =	sadd.s32 s16, s1  }
0x481: {  	[tilespmem:s28], [sflag:$0x6] =	stream.linear.gather [hbm4b:s1+s4], $0x7D0, $0x38;
	[tilespmem:$0x19F80] =	vst v63  }
.LBB2_11:
0x482: {  	_ =	sfence.sel $0x180000  }
0x483: {  	[bflag:$0x0] =	sbarrier.arrive $0xFFFF  }
0x484: {  	_ =	strace $0x90000047  }
0x485: {  	s0 =	stileid.u32;
	[bflag:$0x2] =	sbarrier.arrive $0xFFFF  }
0x486: {  	p0 =	sne.s32 s0, $0x0;
	s0 =	rddreg [dreg:$0x3]  }
0x487: {  	s0 =	sadd.s32 @!p0 $0x100000, s0  }
0x488: {  	[sflag:s0] =	ssyncadd.tile.s32 @!p0 $0x1;
	_ =	shalt  }
.Lfunc_end2:
_tile_overlayer_lowered:
.L_overlay_start_2:
0x489: {  	(tag) =	ssettag $0x2  }
0x48a: {  	s0 =	rddreg [dreg:$0x0];
	s2 =	stileid.u32  }
0x48b: {  	s1 =	rddreg [dreg:$0x1];
	p0 =	sne.s32 s2, $0x0  }
0x48c: {  	s3 =	rddreg [dreg:$0x2];
	[bflag:$0x3] =	sbarrier.arrive $0xFFFF;
	s2 =	simm.s32 @!p0 $0x1C09  }
0x48d: {  	[timem:s3], [sflag:s2] =	dma.local @!p0 [hbm:s0], s1  }
0x48e: {  	s0 =	simm.s32 @!p0 $0x9  }
0x48f: {  	_ =	swait.ge @!p0 [sflag:s0], s1  }
0x490: {  	s1 =	ssub.s32 @!p0 $0x0, s1;
	[sflag:s0] =	ssyncset.done @!p0 $0x0  }
0x491: {  	[sflag:s0] =	ssyncadd.s32 @!p0 s1  }
0x492: {  	[bflag:$0x3] =	sbarrier.arrive $0xFFFF  }
0x493: {  	_ =	shalt  }

</sc_bundles>
